<compile_context>
chip_gen: v7x
topology: tpu7x:2x2x1
jax: 0.10.2.dev20260603
libtpu: 0.0.44.dev20260713+nightly
codegen_flags: <defaults>
</compile_context>

<pallas_src>
import jax
import jax.numpy as jnp
from jax import lax
from jax.experimental import pallas as pl
from jax.experimental.pallas import tpu as pltpu
from jax.experimental.pallas import tpu_sc as plsc

N_NODES = 10000
N_PAD = 10240
N_EDGES = 320000
D_IN = 128
D_HID = 128
D_OUT = 40
D_OUT_PAD = 48

NC = 2
NS = 16
EDGES_PER_TILE = N_EDGES // NS
CHUNK = 80
NCHUNKS = EDGES_PER_TILE // CHUNK
NBUF = 5
ROUNDS = NCHUNKS // NBUF
CNT_PER_CORE = NCHUNKS // NC
ROWS_PER_TILE = N_PAD // NS
STAGE_ROWS = 128
CW = 8


def _make_sc_agg(d, with_cnt):
  dh = d // NC
  mesh = plsc.VectorSubcoreMesh(
      core_axis_name="c", subcore_axis_name="s", num_cores=NC,
      num_subcores=NS)

  out_type = [jax.ShapeDtypeStruct((NC, N_PAD, dh), jnp.float32)]
  scratch = [
      pltpu.VMEM((NCHUNKS, CHUNK), jnp.int32),
      pltpu.VMEM((NCHUNKS, CHUNK), jnp.int32),
      *[pltpu.VMEM((CHUNK, dh), jnp.float32) for _ in range(NBUF)],
      pltpu.VMEM((STAGE_ROWS, dh), jnp.float32),
      pltpu.VMEM_SHARED((N_PAD, dh), jnp.float32),
      *[pltpu.SemaphoreType.DMA for _ in range(2 * NBUF)],
  ]
  if with_cnt:
    out_type.append(jax.ShapeDtypeStruct((NC, N_PAD, CW), jnp.float32))
    scratch += [
        pltpu.VMEM((CHUNK, CW), jnp.float32),
        pltpu.VMEM((STAGE_ROWS, CW), jnp.float32),
        pltpu.VMEM_SHARED((N_PAD, CW), jnp.float32),
        pltpu.SemaphoreType.DMA,
    ]

  def body(*refs):
    if with_cnt:
      (table_hbm, edges_hbm, zeros_hbm, ones_hbm, zcnt_hbm,
       out_hbm, cnt_hbm,
       srcv, dstv, *rest) = refs
      rows = rest[:NBUF]
      stage, acc_sh = rest[NBUF], rest[NBUF + 1]
      gsem = rest[NBUF + 2:2 * NBUF + 2]
      ssem = rest[2 * NBUF + 2:3 * NBUF + 2]
      onesv, cstage, cacc_sh, csem = rest[3 * NBUF + 2:]
    else:
      (table_hbm, edges_hbm, zeros_hbm,
       out_hbm,
       srcv, dstv, *rest) = refs
      rows = rest[:NBUF]
      stage, acc_sh = rest[NBUF], rest[NBUF + 1]
      gsem = rest[NBUF + 2:2 * NBUF + 2]
      ssem = rest[2 * NBUF + 2:3 * NBUF + 2]

    c = lax.axis_index("c")
    s = lax.axis_index("s")

    pltpu.sync_copy(zeros_hbm, stage)
    for k in range(ROWS_PER_TILE // STAGE_ROWS):
      base = s * ROWS_PER_TILE + k * STAGE_ROWS
      pltpu.sync_copy(stage, acc_sh.at[pl.ds(base, STAGE_ROWS)])
    if with_cnt:
      pltpu.sync_copy(ones_hbm, onesv)
      pltpu.sync_copy(zcnt_hbm, cstage)
      for k in range(ROWS_PER_TILE // STAGE_ROWS):
        base = s * ROWS_PER_TILE + k * STAGE_ROWS
        pltpu.sync_copy(cstage, cacc_sh.at[pl.ds(base, STAGE_ROWS)])

    pltpu.sync_copy(edges_hbm.at[0, s], srcv)
    pltpu.sync_copy(edges_hbm.at[1, s], dstv)

    def xform(j, carry):
      for k in range(CHUNK // 16):
        v = srcv[j, pl.ds(16 * k, 16)]
        srcv[j, pl.ds(16 * k, 16)] = v + v + c
      return carry

    lax.fori_loop(0, NCHUNKS, xform, 0)
    plsc.subcore_barrier()

    for k in range(NBUF):
      pltpu.async_copy(table_hbm.at[srcv.at[k]], rows[k], gsem[k])

    def step(t, carry):
      j0 = NBUF * t
      for k in range(NBUF):
        pltpu.make_async_copy(
            table_hbm.at[srcv.at[0]], rows[k], gsem[k]).wait()
        pltpu.async_copy(rows[k], acc_sh.at[dstv.at[j0 + k]], ssem[k],
                         add=True)
      if with_cnt:
        for i in range(2):
          jc = c * CNT_PER_CORE + 2 * t + i
          pltpu.async_copy(onesv, cacc_sh.at[dstv.at[jc]], csem, add=True)
      for k in range(NBUF):
        jn = jnp.minimum(j0 + NBUF + k, NCHUNKS - 1)
        pltpu.make_async_copy(
            rows[k], acc_sh.at[dstv.at[0]], ssem[k]).wait()
        pltpu.async_copy(table_hbm.at[srcv.at[jn]], rows[k], gsem[k])
      return carry

    lax.fori_loop(0, ROUNDS, step, 0)
    if with_cnt:
      def cnt_fire(t, carry):
        jc = c * CNT_PER_CORE + 2 * ROUNDS + t
        pltpu.async_copy(onesv, cacc_sh.at[dstv.at[jc]], csem, add=True)
        return carry
      lax.fori_loop(0, CNT_PER_CORE - 2 * ROUNDS, cnt_fire, 0)
    for k in range(NBUF):
      pltpu.make_async_copy(table_hbm.at[srcv.at[0]], rows[k], gsem[k]).wait()
    if with_cnt:
      def drain(t, carry):
        pltpu.make_async_copy(onesv, cacc_sh.at[dstv.at[0]], csem).wait()
        return carry
      lax.fori_loop(0, CNT_PER_CORE, drain, 0)
    plsc.subcore_barrier()

    for k in range(ROWS_PER_TILE // STAGE_ROWS):
      base = s * ROWS_PER_TILE + k * STAGE_ROWS
      pltpu.sync_copy(acc_sh.at[pl.ds(base, STAGE_ROWS)], stage)
      pltpu.sync_copy(stage, out_hbm.at[c, pl.ds(base, STAGE_ROWS)])
      if with_cnt:
        pltpu.sync_copy(cacc_sh.at[pl.ds(base, STAGE_ROWS)], cstage)
        pltpu.sync_copy(cstage, cnt_hbm.at[c, pl.ds(base, STAGE_ROWS)])

  return pl.kernel(body, out_type=out_type, mesh=mesh,
                   scratch_types=scratch,
                   compiler_params=pltpu.CompilerParams(
                       use_tc_tiling_on_sc=False))


_sc_agg_l1 = _make_sc_agg(D_IN, with_cnt=True)
_sc_agg_l2 = _make_sc_agg(D_OUT_PAD, with_cnt=False)


ROW_BLK = 2000


def _tc0_body(x_ref, w1r_ref, b1_ref, xr_ref):
  xr_ref[...] = x_ref[...] @ w1r_ref[...] + b1_ref[...]


def _tc1_body(s1_ref, cnt_ref, xr_ref, w1l_ref, w2l_ref,
              w2r_ref, b2_ref, hl_ref, hr_ref, inv_ref):
  cnt = cnt_ref[0, :, 0:1] + cnt_ref[1, :, 0:1]
  inv = 1.0 / jnp.maximum(cnt, 1.0)
  inv_ref[...] = inv
  summ = jnp.concatenate([s1_ref[0], s1_ref[1]], axis=1)
  mean = summ * inv
  h = jnp.maximum(mean @ w1l_ref[...] + xr_ref[...], 0.0)
  hl_ref[...] = h @ w2l_ref[...]
  hr_ref[...] = h @ w2r_ref[...] + b2_ref[...]


def _tc2_body(s2_ref, inv_ref, hr_ref, out_ref):
  s2 = jnp.concatenate([s2_ref[0], s2_ref[1]], axis=1)
  out_ref[...] = (s2 * inv_ref[...] + hr_ref[...])[:, :D_OUT]


@jax.jit
def kernel(x, edge_index, W1l, W1r, b1, W2l, W2r, b2):
  edges = edge_index.reshape(2, NS, NCHUNKS, CHUNK)
  dh1 = D_IN // NC
  x2 = x.reshape(NC * N_NODES, dh1)
  zeros_d1 = jnp.zeros((STAGE_ROWS, dh1), jnp.float32)
  zeros_dp = jnp.zeros((STAGE_ROWS, D_OUT_PAD // NC), jnp.float32)
  zeros_c = jnp.zeros((STAGE_ROWS, CW), jnp.float32)
  ones_c = jnp.ones((CHUNK, CW), jnp.float32)

  b1_2d = b1.reshape(1, D_HID)
  grid = (N_NODES // ROW_BLK,)
  xr = pl.pallas_call(
      _tc0_body,
      grid=grid,
      in_specs=[
          pl.BlockSpec((ROW_BLK, D_IN), lambda i: (i, 0)),
          pl.BlockSpec((D_IN, D_HID), lambda i: (0, 0)),
          pl.BlockSpec((1, D_HID), lambda i: (0, 0)),
      ],
      out_specs=pl.BlockSpec((ROW_BLK, D_HID), lambda i: (i, 0)),
      out_shape=jax.ShapeDtypeStruct((N_NODES, D_HID), jnp.float32),
  )(x, W1r, b1_2d)

  s1, cnt = _sc_agg_l1(x2, edges, zeros_d1, ones_c, zeros_c)

  w2l_pad = jnp.pad(W2l, ((0, 0), (0, D_OUT_PAD - D_OUT)))
  w2r_pad = jnp.pad(W2r, ((0, 0), (0, D_OUT_PAD - D_OUT)))
  b2_pad = jnp.pad(b2, (0, D_OUT_PAD - D_OUT)).reshape(1, D_OUT_PAD)
  dh2 = D_OUT_PAD // NC
  hl2, hr, inv = pl.pallas_call(
      _tc1_body,
      grid=grid,
      in_specs=[
          pl.BlockSpec((NC, ROW_BLK, dh1), lambda i: (0, i, 0)),
          pl.BlockSpec((NC, ROW_BLK, CW), lambda i: (0, i, 0)),
          pl.BlockSpec((ROW_BLK, D_HID), lambda i: (i, 0)),
          pl.BlockSpec((D_IN, D_HID), lambda i: (0, 0)),
          pl.BlockSpec((D_HID, D_OUT_PAD), lambda i: (0, 0)),
          pl.BlockSpec((D_HID, D_OUT_PAD), lambda i: (0, 0)),
          pl.BlockSpec((1, D_OUT_PAD), lambda i: (0, 0)),
      ],
      out_specs=[
          pl.BlockSpec((ROW_BLK, D_OUT_PAD), lambda i: (i, 0)),
          pl.BlockSpec((ROW_BLK, D_OUT_PAD), lambda i: (i, 0)),
          pl.BlockSpec((ROW_BLK, 1), lambda i: (i, 0)),
      ],
      out_shape=[
          jax.ShapeDtypeStruct((N_NODES, D_OUT_PAD), jnp.float32),
          jax.ShapeDtypeStruct((N_NODES, D_OUT_PAD), jnp.float32),
          jax.ShapeDtypeStruct((N_NODES, 1), jnp.float32),
      ],
  )(s1, cnt, xr, W1l, w2l_pad, w2r_pad, b2_pad)

  (s2,) = _sc_agg_l2(hl2.reshape(NC * N_NODES, dh2), edges, zeros_dp)

  out = pl.pallas_call(
      _tc2_body,
      grid=grid,
      in_specs=[
          pl.BlockSpec((NC, ROW_BLK, dh2), lambda i: (0, i, 0)),
          pl.BlockSpec((ROW_BLK, 1), lambda i: (i, 0)),
          pl.BlockSpec((ROW_BLK, D_OUT_PAD), lambda i: (i, 0)),
      ],
      out_specs=pl.BlockSpec((ROW_BLK, D_OUT), lambda i: (i, 0)),
      out_shape=jax.ShapeDtypeStruct((N_NODES, D_OUT), jnp.float32),
  )(s2, inv, hr)

  return out

# --- scband reference (transcript-rebuilt; emitter-appended) ---
"""Pipeline reference for scband-sage-51823075393734 (READ-ONLY COPY).

The authoritative reference and input builder live on the scoring server;
editing this copy changes nothing except your own understanding.
"""

import jax, jax.numpy as jnp
import numpy as np

IN_FEATS = 128
H_FEATS = 128
NUM_CLASSES = 40
N_NODES = 10000
N_EDGES = 320000


def _glorot(key, fan_in, fan_out):
    limit = float(np.sqrt(6.0 / (fan_in + fan_out)))
    return jax.random.uniform(key, (fan_in, fan_out), dtype=jnp.float32, minval=-limit, maxval=limit)


def setup_inputs(seed: int = 0) -> dict:
    key = jax.random.key(seed)
    ks = jax.random.split(key, 8)
    x = jax.random.normal(ks[0], (N_NODES, IN_FEATS), dtype=jnp.float32)
    edge_index = jax.random.randint(ks[1], (2, N_EDGES), 0, N_NODES, dtype=jnp.int64 if jax.config.jax_enable_x64 else jnp.int32).astype(jnp.int32)
    # SAGEConv layer 1 params: lin_l (neighbor, with bias), lin_r (root, no bias)
    W1l = _glorot(ks[2], IN_FEATS, H_FEATS)
    W1r = _glorot(ks[3], IN_FEATS, H_FEATS)
    b1 = jnp.zeros((H_FEATS,), dtype=jnp.float32)
    # SAGEConv layer 2 params
    W2l = _glorot(ks[4], H_FEATS, NUM_CLASSES)
    W2r = _glorot(ks[5], H_FEATS, NUM_CLASSES)
    b2 = jnp.zeros((NUM_CLASSES,), dtype=jnp.float32)
    return {"x": x, "edge_index": edge_index, "W1l": W1l, "W1r": W1r, "b1": b1, "W2l": W2l, "W2r": W2r, "b2": b2}


def _sage_conv(x, edge_index, Wl, Wr, b):
    # mean aggregation over incoming neighbors, then lin_l(aggr) + lin_r(x)
    src = edge_index[0]
    dst = edge_index[1]
    n = x.shape[0]
    msgs = jnp.take(x, src, axis=0)                                  # gather [E, d]
    summed = jax.ops.segment_sum(msgs, dst, num_segments=n)          # scatter-add [N, d]
    cnt = jax.ops.segment_sum(jnp.ones((msgs.shape[0],), dtype=x.dtype), dst, num_segments=n)
    mean = summed / jnp.maximum(cnt, 1.0)[:, None]
    return mean @ Wl + b + x @ Wr


def reference(x, edge_index, W1l, W1r, b1, W2l, W2r, b2):
    h = _sage_conv(x, edge_index, W1l, W1r, b1)
    h = jax.nn.relu(h)
    out = _sage_conv(h, edge_index, W2l, W2r, b2)
    return out

if __name__ == "__main__":
    import jax
    _d = setup_inputs()
    print(jax.jit(kernel)(*tuple(_d.values())))

</pallas_src>

<mosaic_0001>
#map = affine_map<(d0, d1) -> (0, 0)>
#map1 = affine_map<(d0, d1) -> (0, 0, 0, 0)>
#map2 = affine_map<(d0, d1) -> (0, 0, 0)>
module attributes {stable_mosaic.version = 14 : i64} {
  func.func @body(%arg0: i32, %arg1: i32, %arg2: memref<20000x24xf32, #tpu.memory_space<hbm>>, %arg3: memref<2x16x250x80xi32, #tpu.memory_space<hbm>>, %arg4: memref<128x24xf32, #tpu.memory_space<hbm>>, %arg5: memref<2x10240x24xf32, #tpu.memory_space<hbm>>, %arg6: memref<250x80xi32, #tpu.memory_space<vmem>>, %arg7: memref<250x80xi32, #tpu.memory_space<vmem>>, %arg8: memref<80x24xf32, #tpu.memory_space<vmem>>, %arg9: memref<80x24xf32, #tpu.memory_space<vmem>>, %arg10: memref<80x24xf32, #tpu.memory_space<vmem>>, %arg11: memref<80x24xf32, #tpu.memory_space<vmem>>, %arg12: memref<80x24xf32, #tpu.memory_space<vmem>>, %arg13: memref<128x24xf32, #tpu.memory_space<vmem>>, %arg14: memref<10240x24xf32, #tpu.memory_space<vmem_shared>>, %arg15: memref<!tpu.dma_semaphore, #tpu.memory_space<semaphore_mem>>, %arg16: memref<!tpu.dma_semaphore, #tpu.memory_space<semaphore_mem>>, %arg17: memref<!tpu.dma_semaphore, #tpu.memory_space<semaphore_mem>>, %arg18: memref<!tpu.dma_semaphore, #tpu.memory_space<semaphore_mem>>, %arg19: memref<!tpu.dma_semaphore, #tpu.memory_space<semaphore_mem>>, %arg20: memref<!tpu.dma_semaphore, #tpu.memory_space<semaphore_mem>>, %arg21: memref<!tpu.dma_semaphore, #tpu.memory_space<semaphore_mem>>, %arg22: memref<!tpu.dma_semaphore, #tpu.memory_space<semaphore_mem>>, %arg23: memref<!tpu.dma_semaphore, #tpu.memory_space<semaphore_mem>>, %arg24: memref<!tpu.dma_semaphore, #tpu.memory_space<semaphore_mem>>) attributes {dimension_semantics = [#tpu.dimension_semantics<core_parallel>, #tpu.dimension_semantics<subcore_parallel>], iteration_bounds = array<i64: 2, 16>, scalar_prefetch = 0 : i64, scratch_operands = 19 : i64, tpu.core_type = #tpu.core_type<sc_vector_subcore>, window_params = [{transform_indices = #map}, {transform_indices = #map1}, {transform_indices = #map}, {transform_indices = #map2}]} {
    "tpu.region"() ({
      %run_scoped3A_119 = tpu.sem_alloc : memref<!tpu.dma_semaphore, #tpu.memory_space<semaphore_mem>>
      tpu.enqueue_dma source(%arg4 : memref<128x24xf32, #tpu.memory_space<hbm>>) target(%arg13 : memref<128x24xf32, #tpu.memory_space<vmem>>) target_semaphore(%run_scoped3A_119 : memref<!tpu.dma_semaphore, #tpu.memory_space<semaphore_mem>>)
      tpu.wait_dma2 semaphore(%run_scoped3A_119 : memref<!tpu.dma_semaphore, #tpu.memory_space<semaphore_mem>>) src(%arg4 : memref<128x24xf32, #tpu.memory_space<hbm>>) dst(%arg13 : memref<128x24xf32, #tpu.memory_space<vmem>>)
      tpu.yield
    }) : () -> ()
    %mul3A = arith.constant 640 : i32
    %mul3A_0 = arith.muli %arg1, %mul3A : i32
    %add3A = arith.constant 0 : i32
    %add3A_1 = arith.addi %mul3A_0, %add3A : i32
    "tpu.region"() ({
      %run_scoped3A_119 = tpu.sem_alloc : memref<!tpu.dma_semaphore, #tpu.memory_space<semaphore_mem>>
      %dma_start3A_120 = arith.constant 0 : i32
      %dma_start3A_121 = tpu.memref_slice %arg14[%add3A_1, %dma_start3A_120] : memref<10240x24xf32, #tpu.memory_space<vmem_shared>> -> memref<128x24xf32, #tpu.memory_space<vmem_shared>>
      %dma_start3A_122 = arith.constant 0 : i32
      %dma_start3A_123 = tpu.memref_slice %arg14[%add3A_1, %dma_start3A_122] : memref<10240x24xf32, #tpu.memory_space<vmem_shared>> -> memref<128x24xf32, #tpu.memory_space<vmem_shared>>
      tpu.enqueue_dma source(%arg13 : memref<128x24xf32, #tpu.memory_space<vmem>>) target(%dma_start3A_123 : memref<128x24xf32, #tpu.memory_space<vmem_shared>>) target_semaphore(%run_scoped3A_119 : memref<!tpu.dma_semaphore, #tpu.memory_space<semaphore_mem>>)
      %dma_wait3A_124 = arith.constant 0 : i32
      %dma_wait3A_125 = tpu.memref_slice %arg14[%add3A_1, %dma_wait3A_124] : memref<10240x24xf32, #tpu.memory_space<vmem_shared>> -> memref<128x24xf32, #tpu.memory_space<vmem_shared>>
      %dma_wait3A_126 = arith.constant 0 : i32
      %dma_wait3A_127 = tpu.memref_slice %arg14[%add3A_1, %dma_wait3A_126] : memref<10240x24xf32, #tpu.memory_space<vmem_shared>> -> memref<128x24xf32, #tpu.memory_space<vmem_shared>>
      tpu.wait_dma2 semaphore(%run_scoped3A_119 : memref<!tpu.dma_semaphore, #tpu.memory_space<semaphore_mem>>) src(%arg13 : memref<128x24xf32, #tpu.memory_space<vmem>>) dst(%dma_wait3A_127 : memref<128x24xf32, #tpu.memory_space<vmem_shared>>)
      tpu.yield
    }) : () -> ()
    %mul3A_2 = arith.constant 640 : i32
    %mul3A_3 = arith.muli %arg1, %mul3A_2 : i32
    %add3A_4 = arith.constant 128 : i32
    %add3A_5 = arith.addi %mul3A_3, %add3A_4 : i32
    "tpu.region"() ({
      %run_scoped3A_119 = tpu.sem_alloc : memref<!tpu.dma_semaphore, #tpu.memory_space<semaphore_mem>>
      %dma_start3A_120 = arith.constant 0 : i32
      %dma_start3A_121 = tpu.memref_slice %arg14[%add3A_5, %dma_start3A_120] : memref<10240x24xf32, #tpu.memory_space<vmem_shared>> -> memref<128x24xf32, #tpu.memory_space<vmem_shared>>
      %dma_start3A_122 = arith.constant 0 : i32
      %dma_start3A_123 = tpu.memref_slice %arg14[%add3A_5, %dma_start3A_122] : memref<10240x24xf32, #tpu.memory_space<vmem_shared>> -> memref<128x24xf32, #tpu.memory_space<vmem_shared>>
      tpu.enqueue_dma source(%arg13 : memref<128x24xf32, #tpu.memory_space<vmem>>) target(%dma_start3A_123 : memref<128x24xf32, #tpu.memory_space<vmem_shared>>) target_semaphore(%run_scoped3A_119 : memref<!tpu.dma_semaphore, #tpu.memory_space<semaphore_mem>>)
      %dma_wait3A_124 = arith.constant 0 : i32
      %dma_wait3A_125 = tpu.memref_slice %arg14[%add3A_5, %dma_wait3A_124] : memref<10240x24xf32, #tpu.memory_space<vmem_shared>> -> memref<128x24xf32, #tpu.memory_space<vmem_shared>>
      %dma_wait3A_126 = arith.constant 0 : i32
      %dma_wait3A_127 = tpu.memref_slice %arg14[%add3A_5, %dma_wait3A_126] : memref<10240x24xf32, #tpu.memory_space<vmem_shared>> -> memref<128x24xf32, #tpu.memory_space<vmem_shared>>
      tpu.wait_dma2 semaphore(%run_scoped3A_119 : memref<!tpu.dma_semaphore, #tpu.memory_space<semaphore_mem>>) src(%arg13 : memref<128x24xf32, #tpu.memory_space<vmem>>) dst(%dma_wait3A_127 : memref<128x24xf32, #tpu.memory_space<vmem_shared>>)
      tpu.yield
    }) : () -> ()
    %mul3A_6 = arith.constant 640 : i32
    %mul3A_7 = arith.muli %arg1, %mul3A_6 : i32
    %add3A_8 = arith.constant 256 : i32
    %add3A_9 = arith.addi %mul3A_7, %add3A_8 : i32
    "tpu.region"() ({
      %run_scoped3A_119 = tpu.sem_alloc : memref<!tpu.dma_semaphore, #tpu.memory_space<semaphore_mem>>
      %dma_start3A_120 = arith.constant 0 : i32
      %dma_start3A_121 = tpu.memref_slice %arg14[%add3A_9, %dma_start3A_120] : memref<10240x24xf32, #tpu.memory_space<vmem_shared>> -> memref<128x24xf32, #tpu.memory_space<vmem_shared>>
      %dma_start3A_122 = arith.constant 0 : i32
      %dma_start3A_123 = tpu.memref_slice %arg14[%add3A_9, %dma_start3A_122] : memref<10240x24xf32, #tpu.memory_space<vmem_shared>> -> memref<128x24xf32, #tpu.memory_space<vmem_shared>>
      tpu.enqueue_dma source(%arg13 : memref<128x24xf32, #tpu.memory_space<vmem>>) target(%dma_start3A_123 : memref<128x24xf32, #tpu.memory_space<vmem_shared>>) target_semaphore(%run_scoped3A_119 : memref<!tpu.dma_semaphore, #tpu.memory_space<semaphore_mem>>)
      %dma_wait3A_124 = arith.constant 0 : i32
      %dma_wait3A_125 = tpu.memref_slice %arg14[%add3A_9, %dma_wait3A_124] : memref<10240x24xf32, #tpu.memory_space<vmem_shared>> -> memref<128x24xf32, #tpu.memory_space<vmem_shared>>
      %dma_wait3A_126 = arith.constant 0 : i32
      %dma_wait3A_127 = tpu.memref_slice %arg14[%add3A_9, %dma_wait3A_126] : memref<10240x24xf32, #tpu.memory_space<vmem_shared>> -> memref<128x24xf32, #tpu.memory_space<vmem_shared>>
      tpu.wait_dma2 semaphore(%run_scoped3A_119 : memref<!tpu.dma_semaphore, #tpu.memory_space<semaphore_mem>>) src(%arg13 : memref<128x24xf32, #tpu.memory_space<vmem>>) dst(%dma_wait3A_127 : memref<128x24xf32, #tpu.memory_space<vmem_shared>>)
      tpu.yield
    }) : () -> ()
    %mul3A_10 = arith.constant 640 : i32
    %mul3A_11 = arith.muli %arg1, %mul3A_10 : i32
    %add3A_12 = arith.constant 384 : i32
    %add3A_13 = arith.addi %mul3A_11, %add3A_12 : i32
    "tpu.region"() ({
      %run_scoped3A_119 = tpu.sem_alloc : memref<!tpu.dma_semaphore, #tpu.memory_space<semaphore_mem>>
      %dma_start3A_120 = arith.constant 0 : i32
      %dma_start3A_121 = tpu.memref_slice %arg14[%add3A_13, %dma_start3A_120] : memref<10240x24xf32, #tpu.memory_space<vmem_shared>> -> memref<128x24xf32, #tpu.memory_space<vmem_shared>>
      %dma_start3A_122 = arith.constant 0 : i32
      %dma_start3A_123 = tpu.memref_slice %arg14[%add3A_13, %dma_start3A_122] : memref<10240x24xf32, #tpu.memory_space<vmem_shared>> -> memref<128x24xf32, #tpu.memory_space<vmem_shared>>
      tpu.enqueue_dma source(%arg13 : memref<128x24xf32, #tpu.memory_space<vmem>>) target(%dma_start3A_123 : memref<128x24xf32, #tpu.memory_space<vmem_shared>>) target_semaphore(%run_scoped3A_119 : memref<!tpu.dma_semaphore, #tpu.memory_space<semaphore_mem>>)
      %dma_wait3A_124 = arith.constant 0 : i32
      %dma_wait3A_125 = tpu.memref_slice %arg14[%add3A_13, %dma_wait3A_124] : memref<10240x24xf32, #tpu.memory_space<vmem_shared>> -> memref<128x24xf32, #tpu.memory_space<vmem_shared>>
      %dma_wait3A_126 = arith.constant 0 : i32
      %dma_wait3A_127 = tpu.memref_slice %arg14[%add3A_13, %dma_wait3A_126] : memref<10240x24xf32, #tpu.memory_space<vmem_shared>> -> memref<128x24xf32, #tpu.memory_space<vmem_shared>>
      tpu.wait_dma2 semaphore(%run_scoped3A_119 : memref<!tpu.dma_semaphore, #tpu.memory_space<semaphore_mem>>) src(%arg13 : memref<128x24xf32, #tpu.memory_space<vmem>>) dst(%dma_wait3A_127 : memref<128x24xf32, #tpu.memory_space<vmem_shared>>)
      tpu.yield
    }) : () -> ()
    %mul3A_14 = arith.constant 640 : i32
    %mul3A_15 = arith.muli %arg1, %mul3A_14 : i32
    %add3A_16 = arith.constant 512 : i32
    %add3A_17 = arith.addi %mul3A_15, %add3A_16 : i32
    "tpu.region"() ({
      %run_scoped3A_119 = tpu.sem_alloc : memref<!tpu.dma_semaphore, #tpu.memory_space<semaphore_mem>>
      %dma_start3A_120 = arith.constant 0 : i32
      %dma_start3A_121 = tpu.memref_slice %arg14[%add3A_17, %dma_start3A_120] : memref<10240x24xf32, #tpu.memory_space<vmem_shared>> -> memref<128x24xf32, #tpu.memory_space<vmem_shared>>
      %dma_start3A_122 = arith.constant 0 : i32
      %dma_start3A_123 = tpu.memref_slice %arg14[%add3A_17, %dma_start3A_122] : memref<10240x24xf32, #tpu.memory_space<vmem_shared>> -> memref<128x24xf32, #tpu.memory_space<vmem_shared>>
      tpu.enqueue_dma source(%arg13 : memref<128x24xf32, #tpu.memory_space<vmem>>) target(%dma_start3A_123 : memref<128x24xf32, #tpu.memory_space<vmem_shared>>) target_semaphore(%run_scoped3A_119 : memref<!tpu.dma_semaphore, #tpu.memory_space<semaphore_mem>>)
      %dma_wait3A_124 = arith.constant 0 : i32
      %dma_wait3A_125 = tpu.memref_slice %arg14[%add3A_17, %dma_wait3A_124] : memref<10240x24xf32, #tpu.memory_space<vmem_shared>> -> memref<128x24xf32, #tpu.memory_space<vmem_shared>>
      %dma_wait3A_126 = arith.constant 0 : i32
      %dma_wait3A_127 = tpu.memref_slice %arg14[%add3A_17, %dma_wait3A_126] : memref<10240x24xf32, #tpu.memory_space<vmem_shared>> -> memref<128x24xf32, #tpu.memory_space<vmem_shared>>
      tpu.wait_dma2 semaphore(%run_scoped3A_119 : memref<!tpu.dma_semaphore, #tpu.memory_space<semaphore_mem>>) src(%arg13 : memref<128x24xf32, #tpu.memory_space<vmem>>) dst(%dma_wait3A_127 : memref<128x24xf32, #tpu.memory_space<vmem_shared>>)
      tpu.yield
    }) : () -> ()
    %run_scoped3A = arith.constant 0 : i32
    "tpu.region"() ({
      %run_scoped3A_119 = tpu.sem_alloc : memref<!tpu.dma_semaphore, #tpu.memory_space<semaphore_mem>>
      %dma_start3A_120 = arith.constant 0 : i32
      %dma_start3A_121 = arith.constant 0 : i32
      %dma_start3A_122 = tpu.memref_slice %arg3[%run_scoped3A, %arg1, %dma_start3A_120, %dma_start3A_121] : memref<2x16x250x80xi32, #tpu.memory_space<hbm>> -> memref<1x1x250x80xi32, #tpu.memory_space<hbm>>
      %dma_start3A_123 = tpu.memref_squeeze %dma_start3A_122 : memref<1x1x250x80xi32, #tpu.memory_space<hbm>> -> memref<250x80xi32, #tpu.memory_space<hbm>>
      %dma_start3A_124 = arith.constant 0 : i32
      %dma_start3A_125 = arith.constant 0 : i32
      %dma_start3A_126 = tpu.memref_slice %arg3[%run_scoped3A, %arg1, %dma_start3A_124, %dma_start3A_125] : memref<2x16x250x80xi32, #tpu.memory_space<hbm>> -> memref<1x1x250x80xi32, #tpu.memory_space<hbm>>
      %dma_start3A_127 = tpu.memref_squeeze %dma_start3A_126 : memref<1x1x250x80xi32, #tpu.memory_space<hbm>> -> memref<250x80xi32, #tpu.memory_space<hbm>>
      tpu.enqueue_dma source(%dma_start3A_127 : memref<250x80xi32, #tpu.memory_space<hbm>>) target(%arg6 : memref<250x80xi32, #tpu.memory_space<vmem>>) target_semaphore(%run_scoped3A_119 : memref<!tpu.dma_semaphore, #tpu.memory_space<semaphore_mem>>)
      %dma_wait3A_128 = arith.constant 0 : i32
      %dma_wait3A_129 = arith.constant 0 : i32
      %dma_wait3A_130 = tpu.memref_slice %arg3[%run_scoped3A, %arg1, %dma_wait3A_128, %dma_wait3A_129] : memref<2x16x250x80xi32, #tpu.memory_space<hbm>> -> memref<1x1x250x80xi32, #tpu.memory_space<hbm>>
      %dma_wait3A_131 = tpu.memref_squeeze %dma_wait3A_130 : memref<1x1x250x80xi32, #tpu.memory_space<hbm>> -> memref<250x80xi32, #tpu.memory_space<hbm>>
      %dma_wait3A_132 = arith.constant 0 : i32
      %dma_wait3A_133 = arith.constant 0 : i32
      %dma_wait3A_134 = tpu.memref_slice %arg3[%run_scoped3A, %arg1, %dma_wait3A_132, %dma_wait3A_133] : memref<2x16x250x80xi32, #tpu.memory_space<hbm>> -> memref<1x1x250x80xi32, #tpu.memory_space<hbm>>
      %dma_wait3A_135 = tpu.memref_squeeze %dma_wait3A_134 : memref<1x1x250x80xi32, #tpu.memory_space<hbm>> -> memref<250x80xi32, #tpu.memory_space<hbm>>
      tpu.wait_dma2 semaphore(%run_scoped3A_119 : memref<!tpu.dma_semaphore, #tpu.memory_space<semaphore_mem>>) src(%dma_wait3A_135 : memref<250x80xi32, #tpu.memory_space<hbm>>) dst(%arg6 : memref<250x80xi32, #tpu.memory_space<vmem>>)
      tpu.yield
    }) : () -> ()
    %run_scoped3A_18 = arith.constant 1 : i32
    "tpu.region"() ({
      %run_scoped3A_119 = tpu.sem_alloc : memref<!tpu.dma_semaphore, #tpu.memory_space<semaphore_mem>>
      %dma_start3A_120 = arith.constant 0 : i32
      %dma_start3A_121 = arith.constant 0 : i32
      %dma_start3A_122 = tpu.memref_slice %arg3[%run_scoped3A_18, %arg1, %dma_start3A_120, %dma_start3A_121] : memref<2x16x250x80xi32, #tpu.memory_space<hbm>> -> memref<1x1x250x80xi32, #tpu.memory_space<hbm>>
      %dma_start3A_123 = tpu.memref_squeeze %dma_start3A_122 : memref<1x1x250x80xi32, #tpu.memory_space<hbm>> -> memref<250x80xi32, #tpu.memory_space<hbm>>
      %dma_start3A_124 = arith.constant 0 : i32
      %dma_start3A_125 = arith.constant 0 : i32
      %dma_start3A_126 = tpu.memref_slice %arg3[%run_scoped3A_18, %arg1, %dma_start3A_124, %dma_start3A_125] : memref<2x16x250x80xi32, #tpu.memory_space<hbm>> -> memref<1x1x250x80xi32, #tpu.memory_space<hbm>>
      %dma_start3A_127 = tpu.memref_squeeze %dma_start3A_126 : memref<1x1x250x80xi32, #tpu.memory_space<hbm>> -> memref<250x80xi32, #tpu.memory_space<hbm>>
      tpu.enqueue_dma source(%dma_start3A_127 : memref<250x80xi32, #tpu.memory_space<hbm>>) target(%arg7 : memref<250x80xi32, #tpu.memory_space<vmem>>) target_semaphore(%run_scoped3A_119 : memref<!tpu.dma_semaphore, #tpu.memory_space<semaphore_mem>>)
      %dma_wait3A_128 = arith.constant 0 : i32
      %dma_wait3A_129 = arith.constant 0 : i32
      %dma_wait3A_130 = tpu.memref_slice %arg3[%run_scoped3A_18, %arg1, %dma_wait3A_128, %dma_wait3A_129] : memref<2x16x250x80xi32, #tpu.memory_space<hbm>> -> memref<1x1x250x80xi32, #tpu.memory_space<hbm>>
      %dma_wait3A_131 = tpu.memref_squeeze %dma_wait3A_130 : memref<1x1x250x80xi32, #tpu.memory_space<hbm>> -> memref<250x80xi32, #tpu.memory_space<hbm>>
      %dma_wait3A_132 = arith.constant 0 : i32
      %dma_wait3A_133 = arith.constant 0 : i32
      %dma_wait3A_134 = tpu.memref_slice %arg3[%run_scoped3A_18, %arg1, %dma_wait3A_132, %dma_wait3A_133] : memref<2x16x250x80xi32, #tpu.memory_space<hbm>> -> memref<1x1x250x80xi32, #tpu.memory_space<hbm>>
      %dma_wait3A_135 = tpu.memref_squeeze %dma_wait3A_134 : memref<1x1x250x80xi32, #tpu.memory_space<hbm>> -> memref<250x80xi32, #tpu.memory_space<hbm>>
      tpu.wait_dma2 semaphore(%run_scoped3A_119 : memref<!tpu.dma_semaphore, #tpu.memory_space<semaphore_mem>>) src(%dma_wait3A_135 : memref<250x80xi32, #tpu.memory_space<hbm>>) dst(%arg7 : memref<250x80xi32, #tpu.memory_space<vmem>>)
      tpu.yield
    }) : () -> ()
    %scan3A = arith.constant 0 : i32
    %scan3A_19 = arith.constant 0 : i32
    %scan3A_20 = arith.constant 250 : i32
    %scan3A_21 = arith.addi %scan3A_19, %scan3A_20 : i32
    %scan3A_22 = arith.constant 1 : i32
    scf.for %scan3A_119 = %scan3A_19 to %scan3A_21 step %scan3A_22  : i32 {
      %get3A = arith.index_cast %scan3A_119 : i32 to index
      %get3A_120 = arith.constant 0 : index
      %get3A_121 = tpu.vector_load %arg6[%get3A, %get3A_120] {strides = array<i32>} : memref<250x80xi32, #tpu.memory_space<vmem>>, vector<1x16xi32>,
      %get3A_122 = vector.shape_cast %get3A_121 : vector<1x16xi32> to vector<16xi32>
      %add3A_123 = arith.addi %get3A_122, %get3A_122 : vector<16xi32>
      %add3A_124 = vector.broadcast %arg0 : i32 to vector<16xi32>
      %add3A_125 = arith.addi %add3A_123, %add3A_124 : vector<16xi32>
      %swap3A = arith.index_cast %scan3A_119 : i32 to index
      %swap3A_126 = arith.constant 0 : index
      %swap3A_127 = tpu.vector_load %arg6[%swap3A, %swap3A_126] {strides = array<i32>} : memref<250x80xi32, #tpu.memory_space<vmem>>, vector<1x16xi32>,
      %swap3A_128 = vector.shape_cast %swap3A_127 : vector<1x16xi32> to vector<16xi32>
      %swap3A_129 = vector.shape_cast %add3A_125 : vector<16xi32> to vector<1x16xi32>
      tpu.vector_store %arg6[%swap3A, %swap3A_126], %swap3A_129 {strides = array<i32>} : memref<250x80xi32, #tpu.memory_space<vmem>>, vector<1x16xi32>,
      %get3A_130 = arith.index_cast %scan3A_119 : i32 to index
      %get3A_131 = arith.constant 16 : index
      %get3A_132 = tpu.vector_load %arg6[%get3A_130, %get3A_131] {strides = array<i32>} : memref<250x80xi32, #tpu.memory_space<vmem>>, vector<1x16xi32>,
      %get3A_133 = vector.shape_cast %get3A_132 : vector<1x16xi32> to vector<16xi32>
      %add3A_134 = arith.addi %get3A_133, %get3A_133 : vector<16xi32>
      %add3A_135 = vector.broadcast %arg0 : i32 to vector<16xi32>
      %add3A_136 = arith.addi %add3A_134, %add3A_135 : vector<16xi32>
      %swap3A_137 = arith.index_cast %scan3A_119 : i32 to index
      %swap3A_138 = arith.constant 16 : index
      %swap3A_139 = tpu.vector_load %arg6[%swap3A_137, %swap3A_138] {strides = array<i32>} : memref<250x80xi32, #tpu.memory_space<vmem>>, vector<1x16xi32>,
      %swap3A_140 = vector.shape_cast %swap3A_139 : vector<1x16xi32> to vector<16xi32>
      %swap3A_141 = vector.shape_cast %add3A_136 : vector<16xi32> to vector<1x16xi32>
      tpu.vector_store %arg6[%swap3A_137, %swap3A_138], %swap3A_141 {strides = array<i32>} : memref<250x80xi32, #tpu.memory_space<vmem>>, vector<1x16xi32>,
      %get3A_142 = arith.index_cast %scan3A_119 : i32 to index
      %get3A_143 = arith.constant 32 : index
      %get3A_144 = tpu.vector_load %arg6[%get3A_142, %get3A_143] {strides = array<i32>} : memref<250x80xi32, #tpu.memory_space<vmem>>, vector<1x16xi32>,
      %get3A_145 = vector.shape_cast %get3A_144 : vector<1x16xi32> to vector<16xi32>
      %add3A_146 = arith.addi %get3A_145, %get3A_145 : vector<16xi32>
      %add3A_147 = vector.broadcast %arg0 : i32 to vector<16xi32>
      %add3A_148 = arith.addi %add3A_146, %add3A_147 : vector<16xi32>
      %swap3A_149 = arith.index_cast %scan3A_119 : i32 to index
      %swap3A_150 = arith.constant 32 : index
      %swap3A_151 = tpu.vector_load %arg6[%swap3A_149, %swap3A_150] {strides = array<i32>} : memref<250x80xi32, #tpu.memory_space<vmem>>, vector<1x16xi32>,
      %swap3A_152 = vector.shape_cast %swap3A_151 : vector<1x16xi32> to vector<16xi32>
      %swap3A_153 = vector.shape_cast %add3A_148 : vector<16xi32> to vector<1x16xi32>
      tpu.vector_store %arg6[%swap3A_149, %swap3A_150], %swap3A_153 {strides = array<i32>} : memref<250x80xi32, #tpu.memory_space<vmem>>, vector<1x16xi32>,
      %get3A_154 = arith.index_cast %scan3A_119 : i32 to index
      %get3A_155 = arith.constant 48 : index
      %get3A_156 = tpu.vector_load %arg6[%get3A_154, %get3A_155] {strides = array<i32>} : memref<250x80xi32, #tpu.memory_space<vmem>>, vector<1x16xi32>,
      %get3A_157 = vector.shape_cast %get3A_156 : vector<1x16xi32> to vector<16xi32>
      %add3A_158 = arith.addi %get3A_157, %get3A_157 : vector<16xi32>
      %add3A_159 = vector.broadcast %arg0 : i32 to vector<16xi32>
      %add3A_160 = arith.addi %add3A_158, %add3A_159 : vector<16xi32>
      %swap3A_161 = arith.index_cast %scan3A_119 : i32 to index
      %swap3A_162 = arith.constant 48 : index
      %swap3A_163 = tpu.vector_load %arg6[%swap3A_161, %swap3A_162] {strides = array<i32>} : memref<250x80xi32, #tpu.memory_space<vmem>>, vector<1x16xi32>,
      %swap3A_164 = vector.shape_cast %swap3A_163 : vector<1x16xi32> to vector<16xi32>
      %swap3A_165 = vector.shape_cast %add3A_160 : vector<16xi32> to vector<1x16xi32>
      tpu.vector_store %arg6[%swap3A_161, %swap3A_162], %swap3A_165 {strides = array<i32>} : memref<250x80xi32, #tpu.memory_space<vmem>>, vector<1x16xi32>,
      %get3A_166 = arith.index_cast %scan3A_119 : i32 to index
      %get3A_167 = arith.constant 64 : index
      %get3A_168 = tpu.vector_load %arg6[%get3A_166, %get3A_167] {strides = array<i32>} : memref<250x80xi32, #tpu.memory_space<vmem>>, vector<1x16xi32>,
      %get3A_169 = vector.shape_cast %get3A_168 : vector<1x16xi32> to vector<16xi32>
      %add3A_170 = arith.addi %get3A_169, %get3A_169 : vector<16xi32>
      %add3A_171 = vector.broadcast %arg0 : i32 to vector<16xi32>
      %add3A_172 = arith.addi %add3A_170, %add3A_171 : vector<16xi32>
      %swap3A_173 = arith.index_cast %scan3A_119 : i32 to index
      %swap3A_174 = arith.constant 64 : index
      %swap3A_175 = tpu.vector_load %arg6[%swap3A_173, %swap3A_174] {strides = array<i32>} : memref<250x80xi32, #tpu.memory_space<vmem>>, vector<1x16xi32>,
      %swap3A_176 = vector.shape_cast %swap3A_175 : vector<1x16xi32> to vector<16xi32>
      %swap3A_177 = vector.shape_cast %add3A_172 : vector<16xi32> to vector<1x16xi32>
      tpu.vector_store %arg6[%swap3A_173, %swap3A_174], %swap3A_177 {strides = array<i32>} : memref<250x80xi32, #tpu.memory_space<vmem>>, vector<1x16xi32>,
    }
    %scan3A_23 = arith.constant 250 : i32
    %barrier3A = arith.constant 0 : index
    tpu.barrier barrier_id(%barrier3A)
    %dma_start3A = arith.constant 0 : i32
    %dma_start3A_24 = arith.constant 0 : i32
    %dma_start3A_25 = tpu.memref_slice %arg6[%dma_start3A, %dma_start3A_24] : memref<250x80xi32, #tpu.memory_space<vmem>> -> memref<1x80xi32, #tpu.memory_space<vmem>>
    %dma_start3A_26 = tpu.memref_squeeze %dma_start3A_25 : memref<1x80xi32, #tpu.memory_space<vmem>> -> memref<80xi32, #tpu.memory_space<vmem>>
    %dma_start3A_27 = arith.constant 0 : i32
    %dma_start3A_28 = arith.constant 0 : i32
    %dma_start3A_29 = tpu.memref_slice %arg2[%dma_start3A_27, %dma_start3A_28] : memref<20000x24xf32, #tpu.memory_space<hbm>> -> memref<20000x24xf32, #tpu.memory_space<hbm>>
    tpu.enqueue_indirect_dma source(%dma_start3A_29 : memref<20000x24xf32, #tpu.memory_space<hbm>>) target(%arg8 : memref<80x24xf32, #tpu.memory_space<vmem>>) offsets(%dma_start3A_26 : memref<80xi32, #tpu.memory_space<vmem>>) semaphore(%arg15 : memref<!tpu.dma_semaphore, #tpu.memory_space<semaphore_mem>>)
    %dma_start3A_30 = arith.constant 1 : i32
    %dma_start3A_31 = arith.constant 0 : i32
    %dma_start3A_32 = tpu.memref_slice %arg6[%dma_start3A_30, %dma_start3A_31] : memref<250x80xi32, #tpu.memory_space<vmem>> -> memref<1x80xi32, #tpu.memory_space<vmem>>
    %dma_start3A_33 = tpu.memref_squeeze %dma_start3A_32 : memref<1x80xi32, #tpu.memory_space<vmem>> -> memref<80xi32, #tpu.memory_space<vmem>>
    %dma_start3A_34 = arith.constant 0 : i32
    %dma_start3A_35 = arith.constant 0 : i32
    %dma_start3A_36 = tpu.memref_slice %arg2[%dma_start3A_34, %dma_start3A_35] : memref<20000x24xf32, #tpu.memory_space<hbm>> -> memref<20000x24xf32, #tpu.memory_space<hbm>>
    tpu.enqueue_indirect_dma source(%dma_start3A_36 : memref<20000x24xf32, #tpu.memory_space<hbm>>) target(%arg9 : memref<80x24xf32, #tpu.memory_space<vmem>>) offsets(%dma_start3A_33 : memref<80xi32, #tpu.memory_space<vmem>>) semaphore(%arg16 : memref<!tpu.dma_semaphore, #tpu.memory_space<semaphore_mem>>)
    %dma_start3A_37 = arith.constant 2 : i32
    %dma_start3A_38 = arith.constant 0 : i32
    %dma_start3A_39 = tpu.memref_slice %arg6[%dma_start3A_37, %dma_start3A_38] : memref<250x80xi32, #tpu.memory_space<vmem>> -> memref<1x80xi32, #tpu.memory_space<vmem>>
    %dma_start3A_40 = tpu.memref_squeeze %dma_start3A_39 : memref<1x80xi32, #tpu.memory_space<vmem>> -> memref<80xi32, #tpu.memory_space<vmem>>
    %dma_start3A_41 = arith.constant 0 : i32
    %dma_start3A_42 = arith.constant 0 : i32
    %dma_start3A_43 = tpu.memref_slice %arg2[%dma_start3A_41, %dma_start3A_42] : memref<20000x24xf32, #tpu.memory_space<hbm>> -> memref<20000x24xf32, #tpu.memory_space<hbm>>
    tpu.enqueue_indirect_dma source(%dma_start3A_43 : memref<20000x24xf32, #tpu.memory_space<hbm>>) target(%arg10 : memref<80x24xf32, #tpu.memory_space<vmem>>) offsets(%dma_start3A_40 : memref<80xi32, #tpu.memory_space<vmem>>) semaphore(%arg17 : memref<!tpu.dma_semaphore, #tpu.memory_space<semaphore_mem>>)
    %dma_start3A_44 = arith.constant 3 : i32
    %dma_start3A_45 = arith.constant 0 : i32
    %dma_start3A_46 = tpu.memref_slice %arg6[%dma_start3A_44, %dma_start3A_45] : memref<250x80xi32, #tpu.memory_space<vmem>> -> memref<1x80xi32, #tpu.memory_space<vmem>>
    %dma_start3A_47 = tpu.memref_squeeze %dma_start3A_46 : memref<1x80xi32, #tpu.memory_space<vmem>> -> memref<80xi32, #tpu.memory_space<vmem>>
    %dma_start3A_48 = arith.constant 0 : i32
    %dma_start3A_49 = arith.constant 0 : i32
    %dma_start3A_50 = tpu.memref_slice %arg2[%dma_start3A_48, %dma_start3A_49] : memref<20000x24xf32, #tpu.memory_space<hbm>> -> memref<20000x24xf32, #tpu.memory_space<hbm>>
    tpu.enqueue_indirect_dma source(%dma_start3A_50 : memref<20000x24xf32, #tpu.memory_space<hbm>>) target(%arg11 : memref<80x24xf32, #tpu.memory_space<vmem>>) offsets(%dma_start3A_47 : memref<80xi32, #tpu.memory_space<vmem>>) semaphore(%arg18 : memref<!tpu.dma_semaphore, #tpu.memory_space<semaphore_mem>>)
    %dma_start3A_51 = arith.constant 4 : i32
    %dma_start3A_52 = arith.constant 0 : i32
    %dma_start3A_53 = tpu.memref_slice %arg6[%dma_start3A_51, %dma_start3A_52] : memref<250x80xi32, #tpu.memory_space<vmem>> -> memref<1x80xi32, #tpu.memory_space<vmem>>
    %dma_start3A_54 = tpu.memref_squeeze %dma_start3A_53 : memref<1x80xi32, #tpu.memory_space<vmem>> -> memref<80xi32, #tpu.memory_space<vmem>>
    %dma_start3A_55 = arith.constant 0 : i32
    %dma_start3A_56 = arith.constant 0 : i32
    %dma_start3A_57 = tpu.memref_slice %arg2[%dma_start3A_55, %dma_start3A_56] : memref<20000x24xf32, #tpu.memory_space<hbm>> -> memref<20000x24xf32, #tpu.memory_space<hbm>>
    tpu.enqueue_indirect_dma source(%dma_start3A_57 : memref<20000x24xf32, #tpu.memory_space<hbm>>) target(%arg12 : memref<80x24xf32, #tpu.memory_space<vmem>>) offsets(%dma_start3A_54 : memref<80xi32, #tpu.memory_space<vmem>>) semaphore(%arg19 : memref<!tpu.dma_semaphore, #tpu.memory_space<semaphore_mem>>)
    %scan3A_58 = arith.constant 0 : i32
    %scan3A_59 = arith.constant 0 : i32
    %scan3A_60 = arith.constant 50 : i32
    %scan3A_61 = arith.addi %scan3A_59, %scan3A_60 : i32
    %scan3A_62 = arith.constant 1 : i32
    scf.for %scan3A_119 = %scan3A_59 to %scan3A_61 step %scan3A_62  : i32 {
      %mul3A_120 = arith.constant 5 : i32
      %mul3A_121 = arith.muli %mul3A_120, %scan3A_119 : i32
      %dma_wait3A_122 = arith.constant 0 : i32
      %dma_wait3A_123 = arith.constant 0 : i32
      %dma_wait3A_124 = tpu.memref_slice %arg6[%dma_wait3A_122, %dma_wait3A_123] : memref<250x80xi32, #tpu.memory_space<vmem>> -> memref<1x80xi32, #tpu.memory_space<vmem>>
      %dma_wait3A_125 = tpu.memref_squeeze %dma_wait3A_124 : memref<1x80xi32, #tpu.memory_space<vmem>> -> memref<80xi32, #tpu.memory_space<vmem>>
      %dma_wait3A_126 = arith.constant 0 : i32
      %dma_wait3A_127 = arith.constant 0 : i32
      %dma_wait3A_128 = tpu.memref_slice %arg2[%dma_wait3A_126, %dma_wait3A_127] : memref<20000x24xf32, #tpu.memory_space<hbm>> -> memref<20000x24xf32, #tpu.memory_space<hbm>>
      tpu.wait_indirect_dma semaphore(%arg15 : memref<!tpu.dma_semaphore, #tpu.memory_space<semaphore_mem>>) src(%dma_wait3A_128 : memref<20000x24xf32, #tpu.memory_space<hbm>>) dst(%arg8 : memref<80x24xf32, #tpu.memory_space<vmem>>)
      %add3A_129 = arith.constant 0 : i32
      %add3A_130 = arith.addi %mul3A_121, %add3A_129 : i32
      %dma_start3A_131 = arith.constant 0 : i32
      %dma_start3A_132 = tpu.memref_slice %arg7[%add3A_130, %dma_start3A_131] : memref<250x80xi32, #tpu.memory_space<vmem>> -> memref<1x80xi32, #tpu.memory_space<vmem>>
      %dma_start3A_133 = tpu.memref_squeeze %dma_start3A_132 : memref<1x80xi32, #tpu.memory_space<vmem>> -> memref<80xi32, #tpu.memory_space<vmem>>
      %dma_start3A_134 = arith.constant 0 : i32
      %dma_start3A_135 = arith.constant 0 : i32
      %dma_start3A_136 = tpu.memref_slice %arg14[%dma_start3A_134, %dma_start3A_135] : memref<10240x24xf32, #tpu.memory_space<vmem_shared>> -> memref<10240x24xf32, #tpu.memory_space<vmem_shared>>
      tpu.enqueue_indirect_dma source(%arg8 : memref<80x24xf32, #tpu.memory_space<vmem>>) target(%dma_start3A_136 : memref<10240x24xf32, #tpu.memory_space<vmem_shared>>) offsets(%dma_start3A_133 : memref<80xi32, #tpu.memory_space<vmem>>) semaphore(%arg20 : memref<!tpu.dma_semaphore, #tpu.memory_space<semaphore_mem>>) {add = true}
      %dma_wait3A_137 = arith.constant 0 : i32
      %dma_wait3A_138 = arith.constant 0 : i32
      %dma_wait3A_139 = tpu.memref_slice %arg6[%dma_wait3A_137, %dma_wait3A_138] : memref<250x80xi32, #tpu.memory_space<vmem>> -> memref<1x80xi32, #tpu.memory_space<vmem>>
      %dma_wait3A_140 = tpu.memref_squeeze %dma_wait3A_139 : memref<1x80xi32, #tpu.memory_space<vmem>> -> memref<80xi32, #tpu.memory_space<vmem>>
      %dma_wait3A_141 = arith.constant 0 : i32
      %dma_wait3A_142 = arith.constant 0 : i32
      %dma_wait3A_143 = tpu.memref_slice %arg2[%dma_wait3A_141, %dma_wait3A_142] : memref<20000x24xf32, #tpu.memory_space<hbm>> -> memref<20000x24xf32, #tpu.memory_space<hbm>>
      tpu.wait_indirect_dma semaphore(%arg16 : memref<!tpu.dma_semaphore, #tpu.memory_space<semaphore_mem>>) src(%dma_wait3A_143 : memref<20000x24xf32, #tpu.memory_space<hbm>>) dst(%arg9 : memref<80x24xf32, #tpu.memory_space<vmem>>)
      %add3A_144 = arith.constant 1 : i32
      %add3A_145 = arith.addi %mul3A_121, %add3A_144 : i32
      %dma_start3A_146 = arith.constant 0 : i32
      %dma_start3A_147 = tpu.memref_slice %arg7[%add3A_145, %dma_start3A_146] : memref<250x80xi32, #tpu.memory_space<vmem>> -> memref<1x80xi32, #tpu.memory_space<vmem>>
      %dma_start3A_148 = tpu.memref_squeeze %dma_start3A_147 : memref<1x80xi32, #tpu.memory_space<vmem>> -> memref<80xi32, #tpu.memory_space<vmem>>
      %dma_start3A_149 = arith.constant 0 : i32
      %dma_start3A_150 = arith.constant 0 : i32
      %dma_start3A_151 = tpu.memref_slice %arg14[%dma_start3A_149, %dma_start3A_150] : memref<10240x24xf32, #tpu.memory_space<vmem_shared>> -> memref<10240x24xf32, #tpu.memory_space<vmem_shared>>
      tpu.enqueue_indirect_dma source(%arg9 : memref<80x24xf32, #tpu.memory_space<vmem>>) target(%dma_start3A_151 : memref<10240x24xf32, #tpu.memory_space<vmem_shared>>) offsets(%dma_start3A_148 : memref<80xi32, #tpu.memory_space<vmem>>) semaphore(%arg21 : memref<!tpu.dma_semaphore, #tpu.memory_space<semaphore_mem>>) {add = true}
      %dma_wait3A_152 = arith.constant 0 : i32
      %dma_wait3A_153 = arith.constant 0 : i32
      %dma_wait3A_154 = tpu.memref_slice %arg6[%dma_wait3A_152, %dma_wait3A_153] : memref<250x80xi32, #tpu.memory_space<vmem>> -> memref<1x80xi32, #tpu.memory_space<vmem>>
      %dma_wait3A_155 = tpu.memref_squeeze %dma_wait3A_154 : memref<1x80xi32, #tpu.memory_space<vmem>> -> memref<80xi32, #tpu.memory_space<vmem>>
      %dma_wait3A_156 = arith.constant 0 : i32
      %dma_wait3A_157 = arith.constant 0 : i32
      %dma_wait3A_158 = tpu.memref_slice %arg2[%dma_wait3A_156, %dma_wait3A_157] : memref<20000x24xf32, #tpu.memory_space<hbm>> -> memref<20000x24xf32, #tpu.memory_space<hbm>>
      tpu.wait_indirect_dma semaphore(%arg17 : memref<!tpu.dma_semaphore, #tpu.memory_space<semaphore_mem>>) src(%dma_wait3A_158 : memref<20000x24xf32, #tpu.memory_space<hbm>>) dst(%arg10 : memref<80x24xf32, #tpu.memory_space<vmem>>)
      %add3A_159 = arith.constant 2 : i32
      %add3A_160 = arith.addi %mul3A_121, %add3A_159 : i32
      %dma_start3A_161 = arith.constant 0 : i32
      %dma_start3A_162 = tpu.memref_slice %arg7[%add3A_160, %dma_start3A_161] : memref<250x80xi32, #tpu.memory_space<vmem>> -> memref<1x80xi32, #tpu.memory_space<vmem>>
      %dma_start3A_163 = tpu.memref_squeeze %dma_start3A_162 : memref<1x80xi32, #tpu.memory_space<vmem>> -> memref<80xi32, #tpu.memory_space<vmem>>
      %dma_start3A_164 = arith.constant 0 : i32
      %dma_start3A_165 = arith.constant 0 : i32
      %dma_start3A_166 = tpu.memref_slice %arg14[%dma_start3A_164, %dma_start3A_165] : memref<10240x24xf32, #tpu.memory_space<vmem_shared>> -> memref<10240x24xf32, #tpu.memory_space<vmem_shared>>
      tpu.enqueue_indirect_dma source(%arg10 : memref<80x24xf32, #tpu.memory_space<vmem>>) target(%dma_start3A_166 : memref<10240x24xf32, #tpu.memory_space<vmem_shared>>) offsets(%dma_start3A_163 : memref<80xi32, #tpu.memory_space<vmem>>) semaphore(%arg22 : memref<!tpu.dma_semaphore, #tpu.memory_space<semaphore_mem>>) {add = true}
      %dma_wait3A_167 = arith.constant 0 : i32
      %dma_wait3A_168 = arith.constant 0 : i32
      %dma_wait3A_169 = tpu.memref_slice %arg6[%dma_wait3A_167, %dma_wait3A_168] : memref<250x80xi32, #tpu.memory_space<vmem>> -> memref<1x80xi32, #tpu.memory_space<vmem>>
      %dma_wait3A_170 = tpu.memref_squeeze %dma_wait3A_169 : memref<1x80xi32, #tpu.memory_space<vmem>> -> memref<80xi32, #tpu.memory_space<vmem>>
      %dma_wait3A_171 = arith.constant 0 : i32
      %dma_wait3A_172 = arith.constant 0 : i32
      %dma_wait3A_173 = tpu.memref_slice %arg2[%dma_wait3A_171, %dma_wait3A_172] : memref<20000x24xf32, #tpu.memory_space<hbm>> -> memref<20000x24xf32, #tpu.memory_space<hbm>>
      tpu.wait_indirect_dma semaphore(%arg18 : memref<!tpu.dma_semaphore, #tpu.memory_space<semaphore_mem>>) src(%dma_wait3A_173 : memref<20000x24xf32, #tpu.memory_space<hbm>>) dst(%arg11 : memref<80x24xf32, #tpu.memory_space<vmem>>)
      %add3A_174 = arith.constant 3 : i32
      %add3A_175 = arith.addi %mul3A_121, %add3A_174 : i32
      %dma_start3A_176 = arith.constant 0 : i32
      %dma_start3A_177 = tpu.memref_slice %arg7[%add3A_175, %dma_start3A_176] : memref<250x80xi32, #tpu.memory_space<vmem>> -> memref<1x80xi32, #tpu.memory_space<vmem>>
      %dma_start3A_178 = tpu.memref_squeeze %dma_start3A_177 : memref<1x80xi32, #tpu.memory_space<vmem>> -> memref<80xi32, #tpu.memory_space<vmem>>
      %dma_start3A_179 = arith.constant 0 : i32
      %dma_start3A_180 = arith.constant 0 : i32
      %dma_start3A_181 = tpu.memref_slice %arg14[%dma_start3A_179, %dma_start3A_180] : memref<10240x24xf32, #tpu.memory_space<vmem_shared>> -> memref<10240x24xf32, #tpu.memory_space<vmem_shared>>
      tpu.enqueue_indirect_dma source(%arg11 : memref<80x24xf32, #tpu.memory_space<vmem>>) target(%dma_start3A_181 : memref<10240x24xf32, #tpu.memory_space<vmem_shared>>) offsets(%dma_start3A_178 : memref<80xi32, #tpu.memory_space<vmem>>) semaphore(%arg23 : memref<!tpu.dma_semaphore, #tpu.memory_space<semaphore_mem>>) {add = true}
      %dma_wait3A_182 = arith.constant 0 : i32
      %dma_wait3A_183 = arith.constant 0 : i32
      %dma_wait3A_184 = tpu.memref_slice %arg6[%dma_wait3A_182, %dma_wait3A_183] : memref<250x80xi32, #tpu.memory_space<vmem>> -> memref<1x80xi32, #tpu.memory_space<vmem>>
      %dma_wait3A_185 = tpu.memref_squeeze %dma_wait3A_184 : memref<1x80xi32, #tpu.memory_space<vmem>> -> memref<80xi32, #tpu.memory_space<vmem>>
      %dma_wait3A_186 = arith.constant 0 : i32
      %dma_wait3A_187 = arith.constant 0 : i32
      %dma_wait3A_188 = tpu.memref_slice %arg2[%dma_wait3A_186, %dma_wait3A_187] : memref<20000x24xf32, #tpu.memory_space<hbm>> -> memref<20000x24xf32, #tpu.memory_space<hbm>>
      tpu.wait_indirect_dma semaphore(%arg19 : memref<!tpu.dma_semaphore, #tpu.memory_space<semaphore_mem>>) src(%dma_wait3A_188 : memref<20000x24xf32, #tpu.memory_space<hbm>>) dst(%arg12 : memref<80x24xf32, #tpu.memory_space<vmem>>)
      %add3A_189 = arith.constant 4 : i32
      %add3A_190 = arith.addi %mul3A_121, %add3A_189 : i32
      %dma_start3A_191 = arith.constant 0 : i32
      %dma_start3A_192 = tpu.memref_slice %arg7[%add3A_190, %dma_start3A_191] : memref<250x80xi32, #tpu.memory_space<vmem>> -> memref<1x80xi32, #tpu.memory_space<vmem>>
      %dma_start3A_193 = tpu.memref_squeeze %dma_start3A_192 : memref<1x80xi32, #tpu.memory_space<vmem>> -> memref<80xi32, #tpu.memory_space<vmem>>
      %dma_start3A_194 = arith.constant 0 : i32
      %dma_start3A_195 = arith.constant 0 : i32
      %dma_start3A_196 = tpu.memref_slice %arg14[%dma_start3A_194, %dma_start3A_195] : memref<10240x24xf32, #tpu.memory_space<vmem_shared>> -> memref<10240x24xf32, #tpu.memory_space<vmem_shared>>
      tpu.enqueue_indirect_dma source(%arg12 : memref<80x24xf32, #tpu.memory_space<vmem>>) target(%dma_start3A_196 : memref<10240x24xf32, #tpu.memory_space<vmem_shared>>) offsets(%dma_start3A_193 : memref<80xi32, #tpu.memory_space<vmem>>) semaphore(%arg24 : memref<!tpu.dma_semaphore, #tpu.memory_space<semaphore_mem>>) {add = true}
      %add3A_197 = arith.constant 5 : i32
      %add3A_198 = arith.addi %mul3A_121, %add3A_197 : i32
      %add3A_199 = arith.constant 0 : i32
      %add3A_200 = arith.addi %add3A_198, %add3A_199 : i32
      %min3A = arith.constant 249 : i32
      %min3A_201 = arith.minsi %add3A_200, %min3A : i32
      %dma_wait3A_202 = arith.constant 0 : i32
      %dma_wait3A_203 = arith.constant 0 : i32
      %dma_wait3A_204 = tpu.memref_slice %arg7[%dma_wait3A_202, %dma_wait3A_203] : memref<250x80xi32, #tpu.memory_space<vmem>> -> memref<1x80xi32, #tpu.memory_space<vmem>>
      %dma_wait3A_205 = tpu.memref_squeeze %dma_wait3A_204 : memref<1x80xi32, #tpu.memory_space<vmem>> -> memref<80xi32, #tpu.memory_space<vmem>>
      %dma_wait3A_206 = arith.constant 0 : i32
      %dma_wait3A_207 = arith.constant 0 : i32
      %dma_wait3A_208 = tpu.memref_slice %arg14[%dma_wait3A_206, %dma_wait3A_207] : memref<10240x24xf32, #tpu.memory_space<vmem_shared>> -> memref<10240x24xf32, #tpu.memory_space<vmem_shared>>
      tpu.wait_indirect_dma semaphore(%arg20 : memref<!tpu.dma_semaphore, #tpu.memory_space<semaphore_mem>>) src(%arg8 : memref<80x24xf32, #tpu.memory_space<vmem>>) dst(%dma_wait3A_208 : memref<10240x24xf32, #tpu.memory_space<vmem_shared>>)
      %dma_start3A_209 = arith.constant 0 : i32
      %dma_start3A_210 = tpu.memref_slice %arg6[%min3A_201, %dma_start3A_209] : memref<250x80xi32, #tpu.memory_space<vmem>> -> memref<1x80xi32, #tpu.memory_space<vmem>>
      %dma_start3A_211 = tpu.memref_squeeze %dma_start3A_210 : memref<1x80xi32, #tpu.memory_space<vmem>> -> memref<80xi32, #tpu.memory_space<vmem>>
      %dma_start3A_212 = arith.constant 0 : i32
      %dma_start3A_213 = arith.constant 0 : i32
      %dma_start3A_214 = tpu.memref_slice %arg2[%dma_start3A_212, %dma_start3A_213] : memref<20000x24xf32, #tpu.memory_space<hbm>> -> memref<20000x24xf32, #tpu.memory_space<hbm>>
      tpu.enqueue_indirect_dma source(%dma_start3A_214 : memref<20000x24xf32, #tpu.memory_space<hbm>>) target(%arg8 : memref<80x24xf32, #tpu.memory_space<vmem>>) offsets(%dma_start3A_211 : memref<80xi32, #tpu.memory_space<vmem>>) semaphore(%arg15 : memref<!tpu.dma_semaphore, #tpu.memory_space<semaphore_mem>>)
      %add3A_215 = arith.constant 5 : i32
      %add3A_216 = arith.addi %mul3A_121, %add3A_215 : i32
      %add3A_217 = arith.constant 1 : i32
      %add3A_218 = arith.addi %add3A_216, %add3A_217 : i32
      %min3A_219 = arith.constant 249 : i32
      %min3A_220 = arith.minsi %add3A_218, %min3A_219 : i32
      %dma_wait3A_221 = arith.constant 0 : i32
      %dma_wait3A_222 = arith.constant 0 : i32
      %dma_wait3A_223 = tpu.memref_slice %arg7[%dma_wait3A_221, %dma_wait3A_222] : memref<250x80xi32, #tpu.memory_space<vmem>> -> memref<1x80xi32, #tpu.memory_space<vmem>>
      %dma_wait3A_224 = tpu.memref_squeeze %dma_wait3A_223 : memref<1x80xi32, #tpu.memory_space<vmem>> -> memref<80xi32, #tpu.memory_space<vmem>>
      %dma_wait3A_225 = arith.constant 0 : i32
      %dma_wait3A_226 = arith.constant 0 : i32
      %dma_wait3A_227 = tpu.memref_slice %arg14[%dma_wait3A_225, %dma_wait3A_226] : memref<10240x24xf32, #tpu.memory_space<vmem_shared>> -> memref<10240x24xf32, #tpu.memory_space<vmem_shared>>
      tpu.wait_indirect_dma semaphore(%arg21 : memref<!tpu.dma_semaphore, #tpu.memory_space<semaphore_mem>>) src(%arg9 : memref<80x24xf32, #tpu.memory_space<vmem>>) dst(%dma_wait3A_227 : memref<10240x24xf32, #tpu.memory_space<vmem_shared>>)
      %dma_start3A_228 = arith.constant 0 : i32
      %dma_start3A_229 = tpu.memref_slice %arg6[%min3A_220, %dma_start3A_228] : memref<250x80xi32, #tpu.memory_space<vmem>> -> memref<1x80xi32, #tpu.memory_space<vmem>>
      %dma_start3A_230 = tpu.memref_squeeze %dma_start3A_229 : memref<1x80xi32, #tpu.memory_space<vmem>> -> memref<80xi32, #tpu.memory_space<vmem>>
      %dma_start3A_231 = arith.constant 0 : i32
      %dma_start3A_232 = arith.constant 0 : i32
      %dma_start3A_233 = tpu.memref_slice %arg2[%dma_start3A_231, %dma_start3A_232] : memref<20000x24xf32, #tpu.memory_space<hbm>> -> memref<20000x24xf32, #tpu.memory_space<hbm>>
      tpu.enqueue_indirect_dma source(%dma_start3A_233 : memref<20000x24xf32, #tpu.memory_space<hbm>>) target(%arg9 : memref<80x24xf32, #tpu.memory_space<vmem>>) offsets(%dma_start3A_230 : memref<80xi32, #tpu.memory_space<vmem>>) semaphore(%arg16 : memref<!tpu.dma_semaphore, #tpu.memory_space<semaphore_mem>>)
      %add3A_234 = arith.constant 5 : i32
      %add3A_235 = arith.addi %mul3A_121, %add3A_234 : i32
      %add3A_236 = arith.constant 2 : i32
      %add3A_237 = arith.addi %add3A_235, %add3A_236 : i32
      %min3A_238 = arith.constant 249 : i32
      %min3A_239 = arith.minsi %add3A_237, %min3A_238 : i32
      %dma_wait3A_240 = arith.constant 0 : i32
      %dma_wait3A_241 = arith.constant 0 : i32
      %dma_wait3A_242 = tpu.memref_slice %arg7[%dma_wait3A_240, %dma_wait3A_241] : memref<250x80xi32, #tpu.memory_space<vmem>> -> memref<1x80xi32, #tpu.memory_space<vmem>>
      %dma_wait3A_243 = tpu.memref_squeeze %dma_wait3A_242 : memref<1x80xi32, #tpu.memory_space<vmem>> -> memref<80xi32, #tpu.memory_space<vmem>>
      %dma_wait3A_244 = arith.constant 0 : i32
      %dma_wait3A_245 = arith.constant 0 : i32
      %dma_wait3A_246 = tpu.memref_slice %arg14[%dma_wait3A_244, %dma_wait3A_245] : memref<10240x24xf32, #tpu.memory_space<vmem_shared>> -> memref<10240x24xf32, #tpu.memory_space<vmem_shared>>
      tpu.wait_indirect_dma semaphore(%arg22 : memref<!tpu.dma_semaphore, #tpu.memory_space<semaphore_mem>>) src(%arg10 : memref<80x24xf32, #tpu.memory_space<vmem>>) dst(%dma_wait3A_246 : memref<10240x24xf32, #tpu.memory_space<vmem_shared>>)
      %dma_start3A_247 = arith.constant 0 : i32
      %dma_start3A_248 = tpu.memref_slice %arg6[%min3A_239, %dma_start3A_247] : memref<250x80xi32, #tpu.memory_space<vmem>> -> memref<1x80xi32, #tpu.memory_space<vmem>>
      %dma_start3A_249 = tpu.memref_squeeze %dma_start3A_248 : memref<1x80xi32, #tpu.memory_space<vmem>> -> memref<80xi32, #tpu.memory_space<vmem>>
      %dma_start3A_250 = arith.constant 0 : i32
      %dma_start3A_251 = arith.constant 0 : i32
      %dma_start3A_252 = tpu.memref_slice %arg2[%dma_start3A_250, %dma_start3A_251] : memref<20000x24xf32, #tpu.memory_space<hbm>> -> memref<20000x24xf32, #tpu.memory_space<hbm>>
      tpu.enqueue_indirect_dma source(%dma_start3A_252 : memref<20000x24xf32, #tpu.memory_space<hbm>>) target(%arg10 : memref<80x24xf32, #tpu.memory_space<vmem>>) offsets(%dma_start3A_249 : memref<80xi32, #tpu.memory_space<vmem>>) semaphore(%arg17 : memref<!tpu.dma_semaphore, #tpu.memory_space<semaphore_mem>>)
      %add3A_253 = arith.constant 5 : i32
      %add3A_254 = arith.addi %mul3A_121, %add3A_253 : i32
      %add3A_255 = arith.constant 3 : i32
      %add3A_256 = arith.addi %add3A_254, %add3A_255 : i32
      %min3A_257 = arith.constant 249 : i32
      %min3A_258 = arith.minsi %add3A_256, %min3A_257 : i32
      %dma_wait3A_259 = arith.constant 0 : i32
      %dma_wait3A_260 = arith.constant 0 : i32
      %dma_wait3A_261 = tpu.memref_slice %arg7[%dma_wait3A_259, %dma_wait3A_260] : memref<250x80xi32, #tpu.memory_space<vmem>> -> memref<1x80xi32, #tpu.memory_space<vmem>>
      %dma_wait3A_262 = tpu.memref_squeeze %dma_wait3A_261 : memref<1x80xi32, #tpu.memory_space<vmem>> -> memref<80xi32, #tpu.memory_space<vmem>>
      %dma_wait3A_263 = arith.constant 0 : i32
      %dma_wait3A_264 = arith.constant 0 : i32
      %dma_wait3A_265 = tpu.memref_slice %arg14[%dma_wait3A_263, %dma_wait3A_264] : memref<10240x24xf32, #tpu.memory_space<vmem_shared>> -> memref<10240x24xf32, #tpu.memory_space<vmem_shared>>
      tpu.wait_indirect_dma semaphore(%arg23 : memref<!tpu.dma_semaphore, #tpu.memory_space<semaphore_mem>>) src(%arg11 : memref<80x24xf32, #tpu.memory_space<vmem>>) dst(%dma_wait3A_265 : memref<10240x24xf32, #tpu.memory_space<vmem_shared>>)
      %dma_start3A_266 = arith.constant 0 : i32
      %dma_start3A_267 = tpu.memref_slice %arg6[%min3A_258, %dma_start3A_266] : memref<250x80xi32, #tpu.memory_space<vmem>> -> memref<1x80xi32, #tpu.memory_space<vmem>>
      %dma_start3A_268 = tpu.memref_squeeze %dma_start3A_267 : memref<1x80xi32, #tpu.memory_space<vmem>> -> memref<80xi32, #tpu.memory_space<vmem>>
      %dma_start3A_269 = arith.constant 0 : i32
      %dma_start3A_270 = arith.constant 0 : i32
      %dma_start3A_271 = tpu.memref_slice %arg2[%dma_start3A_269, %dma_start3A_270] : memref<20000x24xf32, #tpu.memory_space<hbm>> -> memref<20000x24xf32, #tpu.memory_space<hbm>>
      tpu.enqueue_indirect_dma source(%dma_start3A_271 : memref<20000x24xf32, #tpu.memory_space<hbm>>) target(%arg11 : memref<80x24xf32, #tpu.memory_space<vmem>>) offsets(%dma_start3A_268 : memref<80xi32, #tpu.memory_space<vmem>>) semaphore(%arg18 : memref<!tpu.dma_semaphore, #tpu.memory_space<semaphore_mem>>)
      %add3A_272 = arith.constant 5 : i32
      %add3A_273 = arith.addi %mul3A_121, %add3A_272 : i32
      %add3A_274 = arith.constant 4 : i32
      %add3A_275 = arith.addi %add3A_273, %add3A_274 : i32
      %min3A_276 = arith.constant 249 : i32
      %min3A_277 = arith.minsi %add3A_275, %min3A_276 : i32
      %dma_wait3A_278 = arith.constant 0 : i32
      %dma_wait3A_279 = arith.constant 0 : i32
      %dma_wait3A_280 = tpu.memref_slice %arg7[%dma_wait3A_278, %dma_wait3A_279] : memref<250x80xi32, #tpu.memory_space<vmem>> -> memref<1x80xi32, #tpu.memory_space<vmem>>
      %dma_wait3A_281 = tpu.memref_squeeze %dma_wait3A_280 : memref<1x80xi32, #tpu.memory_space<vmem>> -> memref<80xi32, #tpu.memory_space<vmem>>
      %dma_wait3A_282 = arith.constant 0 : i32
      %dma_wait3A_283 = arith.constant 0 : i32
      %dma_wait3A_284 = tpu.memref_slice %arg14[%dma_wait3A_282, %dma_wait3A_283] : memref<10240x24xf32, #tpu.memory_space<vmem_shared>> -> memref<10240x24xf32, #tpu.memory_space<vmem_shared>>
      tpu.wait_indirect_dma semaphore(%arg24 : memref<!tpu.dma_semaphore, #tpu.memory_space<semaphore_mem>>) src(%arg12 : memref<80x24xf32, #tpu.memory_space<vmem>>) dst(%dma_wait3A_284 : memref<10240x24xf32, #tpu.memory_space<vmem_shared>>)
      %dma_start3A_285 = arith.constant 0 : i32
      %dma_start3A_286 = tpu.memref_slice %arg6[%min3A_277, %dma_start3A_285] : memref<250x80xi32, #tpu.memory_space<vmem>> -> memref<1x80xi32, #tpu.memory_space<vmem>>
      %dma_start3A_287 = tpu.memref_squeeze %dma_start3A_286 : memref<1x80xi32, #tpu.memory_space<vmem>> -> memref<80xi32, #tpu.memory_space<vmem>>
      %dma_start3A_288 = arith.constant 0 : i32
      %dma_start3A_289 = arith.constant 0 : i32
      %dma_start3A_290 = tpu.memref_slice %arg2[%dma_start3A_288, %dma_start3A_289] : memref<20000x24xf32, #tpu.memory_space<hbm>> -> memref<20000x24xf32, #tpu.memory_space<hbm>>
      tpu.enqueue_indirect_dma source(%dma_start3A_290 : memref<20000x24xf32, #tpu.memory_space<hbm>>) target(%arg12 : memref<80x24xf32, #tpu.memory_space<vmem>>) offsets(%dma_start3A_287 : memref<80xi32, #tpu.memory_space<vmem>>) semaphore(%arg19 : memref<!tpu.dma_semaphore, #tpu.memory_space<semaphore_mem>>)
    }
    %scan3A_63 = arith.constant 50 : i32
    %dma_wait3A = arith.constant 0 : i32
    %dma_wait3A_64 = arith.constant 0 : i32
    %dma_wait3A_65 = tpu.memref_slice %arg6[%dma_wait3A, %dma_wait3A_64] : memref<250x80xi32, #tpu.memory_space<vmem>> -> memref<1x80xi32, #tpu.memory_space<vmem>>
    %dma_wait3A_66 = tpu.memref_squeeze %dma_wait3A_65 : memref<1x80xi32, #tpu.memory_space<vmem>> -> memref<80xi32, #tpu.memory_space<vmem>>
    %dma_wait3A_67 = arith.constant 0 : i32
    %dma_wait3A_68 = arith.constant 0 : i32
    %dma_wait3A_69 = tpu.memref_slice %arg2[%dma_wait3A_67, %dma_wait3A_68] : memref<20000x24xf32, #tpu.memory_space<hbm>> -> memref<20000x24xf32, #tpu.memory_space<hbm>>
    tpu.wait_indirect_dma semaphore(%arg15 : memref<!tpu.dma_semaphore, #tpu.memory_space<semaphore_mem>>) src(%dma_wait3A_69 : memref<20000x24xf32, #tpu.memory_space<hbm>>) dst(%arg8 : memref<80x24xf32, #tpu.memory_space<vmem>>)
    %dma_wait3A_70 = arith.constant 0 : i32
    %dma_wait3A_71 = arith.constant 0 : i32
    %dma_wait3A_72 = tpu.memref_slice %arg6[%dma_wait3A_70, %dma_wait3A_71] : memref<250x80xi32, #tpu.memory_space<vmem>> -> memref<1x80xi32, #tpu.memory_space<vmem>>
    %dma_wait3A_73 = tpu.memref_squeeze %dma_wait3A_72 : memref<1x80xi32, #tpu.memory_space<vmem>> -> memref<80xi32, #tpu.memory_space<vmem>>
    %dma_wait3A_74 = arith.constant 0 : i32
    %dma_wait3A_75 = arith.constant 0 : i32
    %dma_wait3A_76 = tpu.memref_slice %arg2[%dma_wait3A_74, %dma_wait3A_75] : memref<20000x24xf32, #tpu.memory_space<hbm>> -> memref<20000x24xf32, #tpu.memory_space<hbm>>
    tpu.wait_indirect_dma semaphore(%arg16 : memref<!tpu.dma_semaphore, #tpu.memory_space<semaphore_mem>>) src(%dma_wait3A_76 : memref<20000x24xf32, #tpu.memory_space<hbm>>) dst(%arg9 : memref<80x24xf32, #tpu.memory_space<vmem>>)
    %dma_wait3A_77 = arith.constant 0 : i32
    %dma_wait3A_78 = arith.constant 0 : i32
    %dma_wait3A_79 = tpu.memref_slice %arg6[%dma_wait3A_77, %dma_wait3A_78] : memref<250x80xi32, #tpu.memory_space<vmem>> -> memref<1x80xi32, #tpu.memory_space<vmem>>
    %dma_wait3A_80 = tpu.memref_squeeze %dma_wait3A_79 : memref<1x80xi32, #tpu.memory_space<vmem>> -> memref<80xi32, #tpu.memory_space<vmem>>
    %dma_wait3A_81 = arith.constant 0 : i32
    %dma_wait3A_82 = arith.constant 0 : i32
    %dma_wait3A_83 = tpu.memref_slice %arg2[%dma_wait3A_81, %dma_wait3A_82] : memref<20000x24xf32, #tpu.memory_space<hbm>> -> memref<20000x24xf32, #tpu.memory_space<hbm>>
    tpu.wait_indirect_dma semaphore(%arg17 : memref<!tpu.dma_semaphore, #tpu.memory_space<semaphore_mem>>) src(%dma_wait3A_83 : memref<20000x24xf32, #tpu.memory_space<hbm>>) dst(%arg10 : memref<80x24xf32, #tpu.memory_space<vmem>>)
    %dma_wait3A_84 = arith.constant 0 : i32
    %dma_wait3A_85 = arith.constant 0 : i32
    %dma_wait3A_86 = tpu.memref_slice %arg6[%dma_wait3A_84, %dma_wait3A_85] : memref<250x80xi32, #tpu.memory_space<vmem>> -> memref<1x80xi32, #tpu.memory_space<vmem>>
    %dma_wait3A_87 = tpu.memref_squeeze %dma_wait3A_86 : memref<1x80xi32, #tpu.memory_space<vmem>> -> memref<80xi32, #tpu.memory_space<vmem>>
    %dma_wait3A_88 = arith.constant 0 : i32
    %dma_wait3A_89 = arith.constant 0 : i32
    %dma_wait3A_90 = tpu.memref_slice %arg2[%dma_wait3A_88, %dma_wait3A_89] : memref<20000x24xf32, #tpu.memory_space<hbm>> -> memref<20000x24xf32, #tpu.memory_space<hbm>>
    tpu.wait_indirect_dma semaphore(%arg18 : memref<!tpu.dma_semaphore, #tpu.memory_space<semaphore_mem>>) src(%dma_wait3A_90 : memref<20000x24xf32, #tpu.memory_space<hbm>>) dst(%arg11 : memref<80x24xf32, #tpu.memory_space<vmem>>)
    %dma_wait3A_91 = arith.constant 0 : i32
    %dma_wait3A_92 = arith.constant 0 : i32
    %dma_wait3A_93 = tpu.memref_slice %arg6[%dma_wait3A_91, %dma_wait3A_92] : memref<250x80xi32, #tpu.memory_space<vmem>> -> memref<1x80xi32, #tpu.memory_space<vmem>>
    %dma_wait3A_94 = tpu.memref_squeeze %dma_wait3A_93 : memref<1x80xi32, #tpu.memory_space<vmem>> -> memref<80xi32, #tpu.memory_space<vmem>>
    %dma_wait3A_95 = arith.constant 0 : i32
    %dma_wait3A_96 = arith.constant 0 : i32
    %dma_wait3A_97 = tpu.memref_slice %arg2[%dma_wait3A_95, %dma_wait3A_96] : memref<20000x24xf32, #tpu.memory_space<hbm>> -> memref<20000x24xf32, #tpu.memory_space<hbm>>
    tpu.wait_indirect_dma semaphore(%arg19 : memref<!tpu.dma_semaphore, #tpu.memory_space<semaphore_mem>>) src(%dma_wait3A_97 : memref<20000x24xf32, #tpu.memory_space<hbm>>) dst(%arg12 : memref<80x24xf32, #tpu.memory_space<vmem>>)
    %barrier3A_98 = arith.constant 0 : index
    tpu.barrier barrier_id(%barrier3A_98)
    %mul3A_99 = arith.constant 640 : i32
    %mul3A_100 = arith.muli %arg1, %mul3A_99 : i32
    %add3A_101 = arith.constant 0 : i32
    %add3A_102 = arith.addi %mul3A_100, %add3A_101 : i32
    "tpu.region"() ({
      %run_scoped3A_119 = tpu.sem_alloc : memref<!tpu.dma_semaphore, #tpu.memory_space<semaphore_mem>>
      %dma_start3A_120 = arith.constant 0 : i32
      %dma_start3A_121 = tpu.memref_slice %arg14[%add3A_102, %dma_start3A_120] : memref<10240x24xf32, #tpu.memory_space<vmem_shared>> -> memref<128x24xf32, #tpu.memory_space<vmem_shared>>
      %dma_start3A_122 = arith.constant 0 : i32
      %dma_start3A_123 = tpu.memref_slice %arg14[%add3A_102, %dma_start3A_122] : memref<10240x24xf32, #tpu.memory_space<vmem_shared>> -> memref<128x24xf32, #tpu.memory_space<vmem_shared>>
      tpu.enqueue_dma source(%dma_start3A_123 : memref<128x24xf32, #tpu.memory_space<vmem_shared>>) target(%arg13 : memref<128x24xf32, #tpu.memory_space<vmem>>) target_semaphore(%run_scoped3A_119 : memref<!tpu.dma_semaphore, #tpu.memory_space<semaphore_mem>>)
      %dma_wait3A_124 = arith.constant 0 : i32
      %dma_wait3A_125 = tpu.memref_slice %arg14[%add3A_102, %dma_wait3A_124] : memref<10240x24xf32, #tpu.memory_space<vmem_shared>> -> memref<128x24xf32, #tpu.memory_space<vmem_shared>>
      %dma_wait3A_126 = arith.constant 0 : i32
      %dma_wait3A_127 = tpu.memref_slice %arg14[%add3A_102, %dma_wait3A_126] : memref<10240x24xf32, #tpu.memory_space<vmem_shared>> -> memref<128x24xf32, #tpu.memory_space<vmem_shared>>
      tpu.wait_dma2 semaphore(%run_scoped3A_119 : memref<!tpu.dma_semaphore, #tpu.memory_space<semaphore_mem>>) src(%dma_wait3A_127 : memref<128x24xf32, #tpu.memory_space<vmem_shared>>) dst(%arg13 : memref<128x24xf32, #tpu.memory_space<vmem>>)
      tpu.yield
    }) : () -> ()
    "tpu.region"() ({
      %run_scoped3A_119 = tpu.sem_alloc : memref<!tpu.dma_semaphore, #tpu.memory_space<semaphore_mem>>
      %dma_start3A_120 = arith.constant 0 : i32
      %dma_start3A_121 = tpu.memref_slice %arg5[%arg0, %add3A_102, %dma_start3A_120] : memref<2x10240x24xf32, #tpu.memory_space<hbm>> -> memref<1x128x24xf32, #tpu.memory_space<hbm>>
      %dma_start3A_122 = tpu.memref_squeeze %dma_start3A_121 : memref<1x128x24xf32, #tpu.memory_space<hbm>> -> memref<128x24xf32, #tpu.memory_space<hbm>>
      %dma_start3A_123 = arith.constant 0 : i32
      %dma_start3A_124 = tpu.memref_slice %arg5[%arg0, %add3A_102, %dma_start3A_123] : memref<2x10240x24xf32, #tpu.memory_space<hbm>> -> memref<1x128x24xf32, #tpu.memory_space<hbm>>
      %dma_start3A_125 = tpu.memref_squeeze %dma_start3A_124 : memref<1x128x24xf32, #tpu.memory_space<hbm>> -> memref<128x24xf32, #tpu.memory_space<hbm>>
      tpu.enqueue_dma source(%arg13 : memref<128x24xf32, #tpu.memory_space<vmem>>) target(%dma_start3A_125 : memref<128x24xf32, #tpu.memory_space<hbm>>) target_semaphore(%run_scoped3A_119 : memref<!tpu.dma_semaphore, #tpu.memory_space<semaphore_mem>>)
      %dma_wait3A_126 = arith.constant 0 : i32
      %dma_wait3A_127 = tpu.memref_slice %arg5[%arg0, %add3A_102, %dma_wait3A_126] : memref<2x10240x24xf32, #tpu.memory_space<hbm>> -> memref<1x128x24xf32, #tpu.memory_space<hbm>>
      %dma_wait3A_128 = tpu.memref_squeeze %dma_wait3A_127 : memref<1x128x24xf32, #tpu.memory_space<hbm>> -> memref<128x24xf32, #tpu.memory_space<hbm>>
      %dma_wait3A_129 = arith.constant 0 : i32
      %dma_wait3A_130 = tpu.memref_slice %arg5[%arg0, %add3A_102, %dma_wait3A_129] : memref<2x10240x24xf32, #tpu.memory_space<hbm>> -> memref<1x128x24xf32, #tpu.memory_space<hbm>>
      %dma_wait3A_131 = tpu.memref_squeeze %dma_wait3A_130 : memref<1x128x24xf32, #tpu.memory_space<hbm>> -> memref<128x24xf32, #tpu.memory_space<hbm>>
      tpu.wait_dma2 semaphore(%run_scoped3A_119 : memref<!tpu.dma_semaphore, #tpu.memory_space<semaphore_mem>>) src(%arg13 : memref<128x24xf32, #tpu.memory_space<vmem>>) dst(%dma_wait3A_131 : memref<128x24xf32, #tpu.memory_space<hbm>>)
      tpu.yield
    }) : () -> ()
    %mul3A_103 = arith.constant 640 : i32
    %mul3A_104 = arith.muli %arg1, %mul3A_103 : i32
    %add3A_105 = arith.constant 128 : i32
    %add3A_106 = arith.addi %mul3A_104, %add3A_105 : i32
    "tpu.region"() ({
      %run_scoped3A_119 = tpu.sem_alloc : memref<!tpu.dma_semaphore, #tpu.memory_space<semaphore_mem>>
      %dma_start3A_120 = arith.constant 0 : i32
      %dma_start3A_121 = tpu.memref_slice %arg14[%add3A_106, %dma_start3A_120] : memref<10240x24xf32, #tpu.memory_space<vmem_shared>> -> memref<128x24xf32, #tpu.memory_space<vmem_shared>>
      %dma_start3A_122 = arith.constant 0 : i32
      %dma_start3A_123 = tpu.memref_slice %arg14[%add3A_106, %dma_start3A_122] : memref<10240x24xf32, #tpu.memory_space<vmem_shared>> -> memref<128x24xf32, #tpu.memory_space<vmem_shared>>
      tpu.enqueue_dma source(%dma_start3A_123 : memref<128x24xf32, #tpu.memory_space<vmem_shared>>) target(%arg13 : memref<128x24xf32, #tpu.memory_space<vmem>>) target_semaphore(%run_scoped3A_119 : memref<!tpu.dma_semaphore, #tpu.memory_space<semaphore_mem>>)
      %dma_wait3A_124 = arith.constant 0 : i32
      %dma_wait3A_125 = tpu.memref_slice %arg14[%add3A_106, %dma_wait3A_124] : memref<10240x24xf32, #tpu.memory_space<vmem_shared>> -> memref<128x24xf32, #tpu.memory_space<vmem_shared>>
      %dma_wait3A_126 = arith.constant 0 : i32
      %dma_wait3A_127 = tpu.memref_slice %arg14[%add3A_106, %dma_wait3A_126] : memref<10240x24xf32, #tpu.memory_space<vmem_shared>> -> memref<128x24xf32, #tpu.memory_space<vmem_shared>>
      tpu.wait_dma2 semaphore(%run_scoped3A_119 : memref<!tpu.dma_semaphore, #tpu.memory_space<semaphore_mem>>) src(%dma_wait3A_127 : memref<128x24xf32, #tpu.memory_space<vmem_shared>>) dst(%arg13 : memref<128x24xf32, #tpu.memory_space<vmem>>)
      tpu.yield
    }) : () -> ()
    "tpu.region"() ({
      %run_scoped3A_119 = tpu.sem_alloc : memref<!tpu.dma_semaphore, #tpu.memory_space<semaphore_mem>>
      %dma_start3A_120 = arith.constant 0 : i32
      %dma_start3A_121 = tpu.memref_slice %arg5[%arg0, %add3A_106, %dma_start3A_120] : memref<2x10240x24xf32, #tpu.memory_space<hbm>> -> memref<1x128x24xf32, #tpu.memory_space<hbm>>
      %dma_start3A_122 = tpu.memref_squeeze %dma_start3A_121 : memref<1x128x24xf32, #tpu.memory_space<hbm>> -> memref<128x24xf32, #tpu.memory_space<hbm>>
      %dma_start3A_123 = arith.constant 0 : i32
      %dma_start3A_124 = tpu.memref_slice %arg5[%arg0, %add3A_106, %dma_start3A_123] : memref<2x10240x24xf32, #tpu.memory_space<hbm>> -> memref<1x128x24xf32, #tpu.memory_space<hbm>>
      %dma_start3A_125 = tpu.memref_squeeze %dma_start3A_124 : memref<1x128x24xf32, #tpu.memory_space<hbm>> -> memref<128x24xf32, #tpu.memory_space<hbm>>
      tpu.enqueue_dma source(%arg13 : memref<128x24xf32, #tpu.memory_space<vmem>>) target(%dma_start3A_125 : memref<128x24xf32, #tpu.memory_space<hbm>>) target_semaphore(%run_scoped3A_119 : memref<!tpu.dma_semaphore, #tpu.memory_space<semaphore_mem>>)
      %dma_wait3A_126 = arith.constant 0 : i32
      %dma_wait3A_127 = tpu.memref_slice %arg5[%arg0, %add3A_106, %dma_wait3A_126] : memref<2x10240x24xf32, #tpu.memory_space<hbm>> -> memref<1x128x24xf32, #tpu.memory_space<hbm>>
      %dma_wait3A_128 = tpu.memref_squeeze %dma_wait3A_127 : memref<1x128x24xf32, #tpu.memory_space<hbm>> -> memref<128x24xf32, #tpu.memory_space<hbm>>
      %dma_wait3A_129 = arith.constant 0 : i32
      %dma_wait3A_130 = tpu.memref_slice %arg5[%arg0, %add3A_106, %dma_wait3A_129] : memref<2x10240x24xf32, #tpu.memory_space<hbm>> -> memref<1x128x24xf32, #tpu.memory_space<hbm>>
      %dma_wait3A_131 = tpu.memref_squeeze %dma_wait3A_130 : memref<1x128x24xf32, #tpu.memory_space<hbm>> -> memref<128x24xf32, #tpu.memory_space<hbm>>
      tpu.wait_dma2 semaphore(%run_scoped3A_119 : memref<!tpu.dma_semaphore, #tpu.memory_space<semaphore_mem>>) src(%arg13 : memref<128x24xf32, #tpu.memory_space<vmem>>) dst(%dma_wait3A_131 : memref<128x24xf32, #tpu.memory_space<hbm>>)
      tpu.yield
    }) : () -> ()
    %mul3A_107 = arith.constant 640 : i32
    %mul3A_108 = arith.muli %arg1, %mul3A_107 : i32
    %add3A_109 = arith.constant 256 : i32
    %add3A_110 = arith.addi %mul3A_108, %add3A_109 : i32
    "tpu.region"() ({
      %run_scoped3A_119 = tpu.sem_alloc : memref<!tpu.dma_semaphore, #tpu.memory_space<semaphore_mem>>
      %dma_start3A_120 = arith.constant 0 : i32
      %dma_start3A_121 = tpu.memref_slice %arg14[%add3A_110, %dma_start3A_120] : memref<10240x24xf32, #tpu.memory_space<vmem_shared>> -> memref<128x24xf32, #tpu.memory_space<vmem_shared>>
      %dma_start3A_122 = arith.constant 0 : i32
      %dma_start3A_123 = tpu.memref_slice %arg14[%add3A_110, %dma_start3A_122] : memref<10240x24xf32, #tpu.memory_space<vmem_shared>> -> memref<128x24xf32, #tpu.memory_space<vmem_shared>>
      tpu.enqueue_dma source(%dma_start3A_123 : memref<128x24xf32, #tpu.memory_space<vmem_shared>>) target(%arg13 : memref<128x24xf32, #tpu.memory_space<vmem>>) target_semaphore(%run_scoped3A_119 : memref<!tpu.dma_semaphore, #tpu.memory_space<semaphore_mem>>)
      %dma_wait3A_124 = arith.constant 0 : i32
      %dma_wait3A_125 = tpu.memref_slice %arg14[%add3A_110, %dma_wait3A_124] : memref<10240x24xf32, #tpu.memory_space<vmem_shared>> -> memref<128x24xf32, #tpu.memory_space<vmem_shared>>
      %dma_wait3A_126 = arith.constant 0 : i32
      %dma_wait3A_127 = tpu.memref_slice %arg14[%add3A_110, %dma_wait3A_126] : memref<10240x24xf32, #tpu.memory_space<vmem_shared>> -> memref<128x24xf32, #tpu.memory_space<vmem_shared>>
      tpu.wait_dma2 semaphore(%run_scoped3A_119 : memref<!tpu.dma_semaphore, #tpu.memory_space<semaphore_mem>>) src(%dma_wait3A_127 : memref<128x24xf32, #tpu.memory_space<vmem_shared>>) dst(%arg13 : memref<128x24xf32, #tpu.memory_space<vmem>>)
      tpu.yield
    }) : () -> ()
    "tpu.region"() ({
      %run_scoped3A_119 = tpu.sem_alloc : memref<!tpu.dma_semaphore, #tpu.memory_space<semaphore_mem>>
      %dma_start3A_120 = arith.constant 0 : i32
      %dma_start3A_121 = tpu.memref_slice %arg5[%arg0, %add3A_110, %dma_start3A_120] : memref<2x10240x24xf32, #tpu.memory_space<hbm>> -> memref<1x128x24xf32, #tpu.memory_space<hbm>>
      %dma_start3A_122 = tpu.memref_squeeze %dma_start3A_121 : memref<1x128x24xf32, #tpu.memory_space<hbm>> -> memref<128x24xf32, #tpu.memory_space<hbm>>
      %dma_start3A_123 = arith.constant 0 : i32
      %dma_start3A_124 = tpu.memref_slice %arg5[%arg0, %add3A_110, %dma_start3A_123] : memref<2x10240x24xf32, #tpu.memory_space<hbm>> -> memref<1x128x24xf32, #tpu.memory_space<hbm>>
      %dma_start3A_125 = tpu.memref_squeeze %dma_start3A_124 : memref<1x128x24xf32, #tpu.memory_space<hbm>> -> memref<128x24xf32, #tpu.memory_space<hbm>>
      tpu.enqueue_dma source(%arg13 : memref<128x24xf32, #tpu.memory_space<vmem>>) target(%dma_start3A_125 : memref<128x24xf32, #tpu.memory_space<hbm>>) target_semaphore(%run_scoped3A_119 : memref<!tpu.dma_semaphore, #tpu.memory_space<semaphore_mem>>)
      %dma_wait3A_126 = arith.constant 0 : i32
      %dma_wait3A_127 = tpu.memref_slice %arg5[%arg0, %add3A_110, %dma_wait3A_126] : memref<2x10240x24xf32, #tpu.memory_space<hbm>> -> memref<1x128x24xf32, #tpu.memory_space<hbm>>
      %dma_wait3A_128 = tpu.memref_squeeze %dma_wait3A_127 : memref<1x128x24xf32, #tpu.memory_space<hbm>> -> memref<128x24xf32, #tpu.memory_space<hbm>>
      %dma_wait3A_129 = arith.constant 0 : i32
      %dma_wait3A_130 = tpu.memref_slice %arg5[%arg0, %add3A_110, %dma_wait3A_129] : memref<2x10240x24xf32, #tpu.memory_space<hbm>> -> memref<1x128x24xf32, #tpu.memory_space<hbm>>
      %dma_wait3A_131 = tpu.memref_squeeze %dma_wait3A_130 : memref<1x128x24xf32, #tpu.memory_space<hbm>> -> memref<128x24xf32, #tpu.memory_space<hbm>>
      tpu.wait_dma2 semaphore(%run_scoped3A_119 : memref<!tpu.dma_semaphore, #tpu.memory_space<semaphore_mem>>) src(%arg13 : memref<128x24xf32, #tpu.memory_space<vmem>>) dst(%dma_wait3A_131 : memref<128x24xf32, #tpu.memory_space<hbm>>)
      tpu.yield
    }) : () -> ()
    %mul3A_111 = arith.constant 640 : i32
    %mul3A_112 = arith.muli %arg1, %mul3A_111 : i32
    %add3A_113 = arith.constant 384 : i32
    %add3A_114 = arith.addi %mul3A_112, %add3A_113 : i32
    "tpu.region"() ({
      %run_scoped3A_119 = tpu.sem_alloc : memref<!tpu.dma_semaphore, #tpu.memory_space<semaphore_mem>>
      %dma_start3A_120 = arith.constant 0 : i32
      %dma_start3A_121 = tpu.memref_slice %arg14[%add3A_114, %dma_start3A_120] : memref<10240x24xf32, #tpu.memory_space<vmem_shared>> -> memref<128x24xf32, #tpu.memory_space<vmem_shared>>
      %dma_start3A_122 = arith.constant 0 : i32
      %dma_start3A_123 = tpu.memref_slice %arg14[%add3A_114, %dma_start3A_122] : memref<10240x24xf32, #tpu.memory_space<vmem_shared>> -> memref<128x24xf32, #tpu.memory_space<vmem_shared>>
      tpu.enqueue_dma source(%dma_start3A_123 : memref<128x24xf32, #tpu.memory_space<vmem_shared>>) target(%arg13 : memref<128x24xf32, #tpu.memory_space<vmem>>) target_semaphore(%run_scoped3A_119 : memref<!tpu.dma_semaphore, #tpu.memory_space<semaphore_mem>>)
      %dma_wait3A_124 = arith.constant 0 : i32
      %dma_wait3A_125 = tpu.memref_slice %arg14[%add3A_114, %dma_wait3A_124] : memref<10240x24xf32, #tpu.memory_space<vmem_shared>> -> memref<128x24xf32, #tpu.memory_space<vmem_shared>>
      %dma_wait3A_126 = arith.constant 0 : i32
      %dma_wait3A_127 = tpu.memref_slice %arg14[%add3A_114, %dma_wait3A_126] : memref<10240x24xf32, #tpu.memory_space<vmem_shared>> -> memref<128x24xf32, #tpu.memory_space<vmem_shared>>
      tpu.wait_dma2 semaphore(%run_scoped3A_119 : memref<!tpu.dma_semaphore, #tpu.memory_space<semaphore_mem>>) src(%dma_wait3A_127 : memref<128x24xf32, #tpu.memory_space<vmem_shared>>) dst(%arg13 : memref<128x24xf32, #tpu.memory_space<vmem>>)
      tpu.yield
    }) : () -> ()
    "tpu.region"() ({
      %run_scoped3A_119 = tpu.sem_alloc : memref<!tpu.dma_semaphore, #tpu.memory_space<semaphore_mem>>
      %dma_start3A_120 = arith.constant 0 : i32
      %dma_start3A_121 = tpu.memref_slice %arg5[%arg0, %add3A_114, %dma_start3A_120] : memref<2x10240x24xf32, #tpu.memory_space<hbm>> -> memref<1x128x24xf32, #tpu.memory_space<hbm>>
      %dma_start3A_122 = tpu.memref_squeeze %dma_start3A_121 : memref<1x128x24xf32, #tpu.memory_space<hbm>> -> memref<128x24xf32, #tpu.memory_space<hbm>>
      %dma_start3A_123 = arith.constant 0 : i32
      %dma_start3A_124 = tpu.memref_slice %arg5[%arg0, %add3A_114, %dma_start3A_123] : memref<2x10240x24xf32, #tpu.memory_space<hbm>> -> memref<1x128x24xf32, #tpu.memory_space<hbm>>
      %dma_start3A_125 = tpu.memref_squeeze %dma_start3A_124 : memref<1x128x24xf32, #tpu.memory_space<hbm>> -> memref<128x24xf32, #tpu.memory_space<hbm>>
      tpu.enqueue_dma source(%arg13 : memref<128x24xf32, #tpu.memory_space<vmem>>) target(%dma_start3A_125 : memref<128x24xf32, #tpu.memory_space<hbm>>) target_semaphore(%run_scoped3A_119 : memref<!tpu.dma_semaphore, #tpu.memory_space<semaphore_mem>>)
      %dma_wait3A_126 = arith.constant 0 : i32
      %dma_wait3A_127 = tpu.memref_slice %arg5[%arg0, %add3A_114, %dma_wait3A_126] : memref<2x10240x24xf32, #tpu.memory_space<hbm>> -> memref<1x128x24xf32, #tpu.memory_space<hbm>>
      %dma_wait3A_128 = tpu.memref_squeeze %dma_wait3A_127 : memref<1x128x24xf32, #tpu.memory_space<hbm>> -> memref<128x24xf32, #tpu.memory_space<hbm>>
      %dma_wait3A_129 = arith.constant 0 : i32
      %dma_wait3A_130 = tpu.memref_slice %arg5[%arg0, %add3A_114, %dma_wait3A_129] : memref<2x10240x24xf32, #tpu.memory_space<hbm>> -> memref<1x128x24xf32, #tpu.memory_space<hbm>>
      %dma_wait3A_131 = tpu.memref_squeeze %dma_wait3A_130 : memref<1x128x24xf32, #tpu.memory_space<hbm>> -> memref<128x24xf32, #tpu.memory_space<hbm>>
      tpu.wait_dma2 semaphore(%run_scoped3A_119 : memref<!tpu.dma_semaphore, #tpu.memory_space<semaphore_mem>>) src(%arg13 : memref<128x24xf32, #tpu.memory_space<vmem>>) dst(%dma_wait3A_131 : memref<128x24xf32, #tpu.memory_space<hbm>>)
      tpu.yield
    }) : () -> ()
    %mul3A_115 = arith.constant 640 : i32
    %mul3A_116 = arith.muli %arg1, %mul3A_115 : i32
    %add3A_117 = arith.constant 512 : i32
    %add3A_118 = arith.addi %mul3A_116, %add3A_117 : i32
    "tpu.region"() ({
      %run_scoped3A_119 = tpu.sem_alloc : memref<!tpu.dma_semaphore, #tpu.memory_space<semaphore_mem>>
      %dma_start3A_120 = arith.constant 0 : i32
      %dma_start3A_121 = tpu.memref_slice %arg14[%add3A_118, %dma_start3A_120] : memref<10240x24xf32, #tpu.memory_space<vmem_shared>> -> memref<128x24xf32, #tpu.memory_space<vmem_shared>>
      %dma_start3A_122 = arith.constant 0 : i32
      %dma_start3A_123 = tpu.memref_slice %arg14[%add3A_118, %dma_start3A_122] : memref<10240x24xf32, #tpu.memory_space<vmem_shared>> -> memref<128x24xf32, #tpu.memory_space<vmem_shared>>
      tpu.enqueue_dma source(%dma_start3A_123 : memref<128x24xf32, #tpu.memory_space<vmem_shared>>) target(%arg13 : memref<128x24xf32, #tpu.memory_space<vmem>>) target_semaphore(%run_scoped3A_119 : memref<!tpu.dma_semaphore, #tpu.memory_space<semaphore_mem>>)
      %dma_wait3A_124 = arith.constant 0 : i32
      %dma_wait3A_125 = tpu.memref_slice %arg14[%add3A_118, %dma_wait3A_124] : memref<10240x24xf32, #tpu.memory_space<vmem_shared>> -> memref<128x24xf32, #tpu.memory_space<vmem_shared>>
      %dma_wait3A_126 = arith.constant 0 : i32
      %dma_wait3A_127 = tpu.memref_slice %arg14[%add3A_118, %dma_wait3A_126] : memref<10240x24xf32, #tpu.memory_space<vmem_shared>> -> memref<128x24xf32, #tpu.memory_space<vmem_shared>>
      tpu.wait_dma2 semaphore(%run_scoped3A_119 : memref<!tpu.dma_semaphore, #tpu.memory_space<semaphore_mem>>) src(%dma_wait3A_127 : memref<128x24xf32, #tpu.memory_space<vmem_shared>>) dst(%arg13 : memref<128x24xf32, #tpu.memory_space<vmem>>)
      tpu.yield
    }) : () -> ()
    "tpu.region"() ({
      %run_scoped3A_119 = tpu.sem_alloc : memref<!tpu.dma_semaphore, #tpu.memory_space<semaphore_mem>>
      %dma_start3A_120 = arith.constant 0 : i32
      %dma_start3A_121 = tpu.memref_slice %arg5[%arg0, %add3A_118, %dma_start3A_120] : memref<2x10240x24xf32, #tpu.memory_space<hbm>> -> memref<1x128x24xf32, #tpu.memory_space<hbm>>
      %dma_start3A_122 = tpu.memref_squeeze %dma_start3A_121 : memref<1x128x24xf32, #tpu.memory_space<hbm>> -> memref<128x24xf32, #tpu.memory_space<hbm>>
      %dma_start3A_123 = arith.constant 0 : i32
      %dma_start3A_124 = tpu.memref_slice %arg5[%arg0, %add3A_118, %dma_start3A_123] : memref<2x10240x24xf32, #tpu.memory_space<hbm>> -> memref<1x128x24xf32, #tpu.memory_space<hbm>>
      %dma_start3A_125 = tpu.memref_squeeze %dma_start3A_124 : memref<1x128x24xf32, #tpu.memory_space<hbm>> -> memref<128x24xf32, #tpu.memory_space<hbm>>
      tpu.enqueue_dma source(%arg13 : memref<128x24xf32, #tpu.memory_space<vmem>>) target(%dma_start3A_125 : memref<128x24xf32, #tpu.memory_space<hbm>>) target_semaphore(%run_scoped3A_119 : memref<!tpu.dma_semaphore, #tpu.memory_space<semaphore_mem>>)
      %dma_wait3A_126 = arith.constant 0 : i32
      %dma_wait3A_127 = tpu.memref_slice %arg5[%arg0, %add3A_118, %dma_wait3A_126] : memref<2x10240x24xf32, #tpu.memory_space<hbm>> -> memref<1x128x24xf32, #tpu.memory_space<hbm>>
      %dma_wait3A_128 = tpu.memref_squeeze %dma_wait3A_127 : memref<1x128x24xf32, #tpu.memory_space<hbm>> -> memref<128x24xf32, #tpu.memory_space<hbm>>
      %dma_wait3A_129 = arith.constant 0 : i32
      %dma_wait3A_130 = tpu.memref_slice %arg5[%arg0, %add3A_118, %dma_wait3A_129] : memref<2x10240x24xf32, #tpu.memory_space<hbm>> -> memref<1x128x24xf32, #tpu.memory_space<hbm>>
      %dma_wait3A_131 = tpu.memref_squeeze %dma_wait3A_130 : memref<1x128x24xf32, #tpu.memory_space<hbm>> -> memref<128x24xf32, #tpu.memory_space<hbm>>
      tpu.wait_dma2 semaphore(%run_scoped3A_119 : memref<!tpu.dma_semaphore, #tpu.memory_space<semaphore_mem>>) src(%arg13 : memref<128x24xf32, #tpu.memory_space<vmem>>) dst(%dma_wait3A_131 : memref<128x24xf32, #tpu.memory_space<hbm>>)
      tpu.yield
    }) : () -> ()
    return
  }
}

#map = affine_map<(d0, d1) -> (0, 0)>
#map1 = affine_map<(d0, d1) -> (0, 0, 0, 0)>
#map2 = affine_map<(d0, d1) -> (0, 0, 0)>
module attributes {stable_mosaic.version = 14 : i64} {
  func.func @body(%arg0: i32, %arg1: i32, %arg2: memref<20000x64xf32, #tpu.memory_space<hbm>>, %arg3: memref<2x16x250x80xi32, #tpu.memory_space<hbm>>, %arg4: memref<128x64xf32, #tpu.memory_space<hbm>>, %arg5: memref<80x8xf32, #tpu.memory_space<hbm>>, %arg6: memref<128x8xf32, #tpu.memory_space<hbm>>, %arg7: memref<2x10240x64xf32, #tpu.memory_space<hbm>>, %arg8: memref<2x10240x8xf32, #tpu.memory_space<hbm>>, %arg9: memref<250x80xi32, #tpu.memory_space<vmem>>, %arg10: memref<250x80xi32, #tpu.memory_space<vmem>>, %arg11: memref<80x64xf32, #tpu.memory_space<vmem>>, %arg12: memref<80x64xf32, #tpu.memory_space<vmem>>, %arg13: memref<80x64xf32, #tpu.memory_space<vmem>>, %arg14: memref<80x64xf32, #tpu.memory_space<vmem>>, %arg15: memref<80x64xf32, #tpu.memory_space<vmem>>, %arg16: memref<128x64xf32, #tpu.memory_space<vmem>>, %arg17: memref<10240x64xf32, #tpu.memory_space<vmem_shared>>, %arg18: memref<!tpu.dma_semaphore, #tpu.memory_space<semaphore_mem>>, %arg19: memref<!tpu.dma_semaphore, #tpu.memory_space<semaphore_mem>>, %arg20: memref<!tpu.dma_semaphore, #tpu.memory_space<semaphore_mem>>, %arg21: memref<!tpu.dma_semaphore, #tpu.memory_space<semaphore_mem>>, %arg22: memref<!tpu.dma_semaphore, #tpu.memory_space<semaphore_mem>>, %arg23: memref<!tpu.dma_semaphore, #tpu.memory_space<semaphore_mem>>, %arg24: memref<!tpu.dma_semaphore, #tpu.memory_space<semaphore_mem>>, %arg25: memref<!tpu.dma_semaphore, #tpu.memory_space<semaphore_mem>>, %arg26: memref<!tpu.dma_semaphore, #tpu.memory_space<semaphore_mem>>, %arg27: memref<!tpu.dma_semaphore, #tpu.memory_space<semaphore_mem>>, %arg28: memref<80x8xf32, #tpu.memory_space<vmem>>, %arg29: memref<128x8xf32, #tpu.memory_space<vmem>>, %arg30: memref<10240x8xf32, #tpu.memory_space<vmem_shared>>, %arg31: memref<!tpu.dma_semaphore, #tpu.memory_space<semaphore_mem>>) attributes {dimension_semantics = [#tpu.dimension_semantics<core_parallel>, #tpu.dimension_semantics<subcore_parallel>], iteration_bounds = array<i64: 2, 16>, scalar_prefetch = 0 : i64, scratch_operands = 23 : i64, tpu.core_type = #tpu.core_type<sc_vector_subcore>, window_params = [{transform_indices = #map}, {transform_indices = #map1}, {transform_indices = #map}, {transform_indices = #map}, {transform_indices = #map}, {transform_indices = #map2}, {transform_indices = #map2}]} {
    "tpu.region"() ({
      %run_scoped3A_151 = tpu.sem_alloc : memref<!tpu.dma_semaphore, #tpu.memory_space<semaphore_mem>>
      tpu.enqueue_dma source(%arg4 : memref<128x64xf32, #tpu.memory_space<hbm>>) target(%arg16 : memref<128x64xf32, #tpu.memory_space<vmem>>) target_semaphore(%run_scoped3A_151 : memref<!tpu.dma_semaphore, #tpu.memory_space<semaphore_mem>>)
      tpu.wait_dma2 semaphore(%run_scoped3A_151 : memref<!tpu.dma_semaphore, #tpu.memory_space<semaphore_mem>>) src(%arg4 : memref<128x64xf32, #tpu.memory_space<hbm>>) dst(%arg16 : memref<128x64xf32, #tpu.memory_space<vmem>>)
      tpu.yield
    }) : () -> ()
    %mul3A = arith.constant 640 : i32
    %mul3A_0 = arith.muli %arg1, %mul3A : i32
    %add3A = arith.constant 0 : i32
    %add3A_1 = arith.addi %mul3A_0, %add3A : i32
    "tpu.region"() ({
      %run_scoped3A_151 = tpu.sem_alloc : memref<!tpu.dma_semaphore, #tpu.memory_space<semaphore_mem>>
      %dma_start3A_152 = arith.constant 0 : i32
      %dma_start3A_153 = tpu.memref_slice %arg17[%add3A_1, %dma_start3A_152] : memref<10240x64xf32, #tpu.memory_space<vmem_shared>> -> memref<128x64xf32, #tpu.memory_space<vmem_shared>>
      %dma_start3A_154 = arith.constant 0 : i32
      %dma_start3A_155 = tpu.memref_slice %arg17[%add3A_1, %dma_start3A_154] : memref<10240x64xf32, #tpu.memory_space<vmem_shared>> -> memref<128x64xf32, #tpu.memory_space<vmem_shared>>
      tpu.enqueue_dma source(%arg16 : memref<128x64xf32, #tpu.memory_space<vmem>>) target(%dma_start3A_155 : memref<128x64xf32, #tpu.memory_space<vmem_shared>>) target_semaphore(%run_scoped3A_151 : memref<!tpu.dma_semaphore, #tpu.memory_space<semaphore_mem>>)
      %dma_wait3A_156 = arith.constant 0 : i32
      %dma_wait3A_157 = tpu.memref_slice %arg17[%add3A_1, %dma_wait3A_156] : memref<10240x64xf32, #tpu.memory_space<vmem_shared>> -> memref<128x64xf32, #tpu.memory_space<vmem_shared>>
      %dma_wait3A_158 = arith.constant 0 : i32
      %dma_wait3A_159 = tpu.memref_slice %arg17[%add3A_1, %dma_wait3A_158] : memref<10240x64xf32, #tpu.memory_space<vmem_shared>> -> memref<128x64xf32, #tpu.memory_space<vmem_shared>>
      tpu.wait_dma2 semaphore(%run_scoped3A_151 : memref<!tpu.dma_semaphore, #tpu.memory_space<semaphore_mem>>) src(%arg16 : memref<128x64xf32, #tpu.memory_space<vmem>>) dst(%dma_wait3A_159 : memref<128x64xf32, #tpu.memory_space<vmem_shared>>)
      tpu.yield
    }) : () -> ()
    %mul3A_2 = arith.constant 640 : i32
    %mul3A_3 = arith.muli %arg1, %mul3A_2 : i32
    %add3A_4 = arith.constant 128 : i32
    %add3A_5 = arith.addi %mul3A_3, %add3A_4 : i32
    "tpu.region"() ({
      %run_scoped3A_151 = tpu.sem_alloc : memref<!tpu.dma_semaphore, #tpu.memory_space<semaphore_mem>>
      %dma_start3A_152 = arith.constant 0 : i32
      %dma_start3A_153 = tpu.memref_slice %arg17[%add3A_5, %dma_start3A_152] : memref<10240x64xf32, #tpu.memory_space<vmem_shared>> -> memref<128x64xf32, #tpu.memory_space<vmem_shared>>
      %dma_start3A_154 = arith.constant 0 : i32
      %dma_start3A_155 = tpu.memref_slice %arg17[%add3A_5, %dma_start3A_154] : memref<10240x64xf32, #tpu.memory_space<vmem_shared>> -> memref<128x64xf32, #tpu.memory_space<vmem_shared>>
      tpu.enqueue_dma source(%arg16 : memref<128x64xf32, #tpu.memory_space<vmem>>) target(%dma_start3A_155 : memref<128x64xf32, #tpu.memory_space<vmem_shared>>) target_semaphore(%run_scoped3A_151 : memref<!tpu.dma_semaphore, #tpu.memory_space<semaphore_mem>>)
      %dma_wait3A_156 = arith.constant 0 : i32
      %dma_wait3A_157 = tpu.memref_slice %arg17[%add3A_5, %dma_wait3A_156] : memref<10240x64xf32, #tpu.memory_space<vmem_shared>> -> memref<128x64xf32, #tpu.memory_space<vmem_shared>>
      %dma_wait3A_158 = arith.constant 0 : i32
      %dma_wait3A_159 = tpu.memref_slice %arg17[%add3A_5, %dma_wait3A_158] : memref<10240x64xf32, #tpu.memory_space<vmem_shared>> -> memref<128x64xf32, #tpu.memory_space<vmem_shared>>
      tpu.wait_dma2 semaphore(%run_scoped3A_151 : memref<!tpu.dma_semaphore, #tpu.memory_space<semaphore_mem>>) src(%arg16 : memref<128x64xf32, #tpu.memory_space<vmem>>) dst(%dma_wait3A_159 : memref<128x64xf32, #tpu.memory_space<vmem_shared>>)
      tpu.yield
    }) : () -> ()
    %mul3A_6 = arith.constant 640 : i32
    %mul3A_7 = arith.muli %arg1, %mul3A_6 : i32
    %add3A_8 = arith.constant 256 : i32
    %add3A_9 = arith.addi %mul3A_7, %add3A_8 : i32
    "tpu.region"() ({
      %run_scoped3A_151 = tpu.sem_alloc : memref<!tpu.dma_semaphore, #tpu.memory_space<semaphore_mem>>
      %dma_start3A_152 = arith.constant 0 : i32
      %dma_start3A_153 = tpu.memref_slice %arg17[%add3A_9, %dma_start3A_152] : memref<10240x64xf32, #tpu.memory_space<vmem_shared>> -> memref<128x64xf32, #tpu.memory_space<vmem_shared>>
      %dma_start3A_154 = arith.constant 0 : i32
      %dma_start3A_155 = tpu.memref_slice %arg17[%add3A_9, %dma_start3A_154] : memref<10240x64xf32, #tpu.memory_space<vmem_shared>> -> memref<128x64xf32, #tpu.memory_space<vmem_shared>>
      tpu.enqueue_dma source(%arg16 : memref<128x64xf32, #tpu.memory_space<vmem>>) target(%dma_start3A_155 : memref<128x64xf32, #tpu.memory_space<vmem_shared>>) target_semaphore(%run_scoped3A_151 : memref<!tpu.dma_semaphore, #tpu.memory_space<semaphore_mem>>)
      %dma_wait3A_156 = arith.constant 0 : i32
      %dma_wait3A_157 = tpu.memref_slice %arg17[%add3A_9, %dma_wait3A_156] : memref<10240x64xf32, #tpu.memory_space<vmem_shared>> -> memref<128x64xf32, #tpu.memory_space<vmem_shared>>
      %dma_wait3A_158 = arith.constant 0 : i32
      %dma_wait3A_159 = tpu.memref_slice %arg17[%add3A_9, %dma_wait3A_158] : memref<10240x64xf32, #tpu.memory_space<vmem_shared>> -> memref<128x64xf32, #tpu.memory_space<vmem_shared>>
      tpu.wait_dma2 semaphore(%run_scoped3A_151 : memref<!tpu.dma_semaphore, #tpu.memory_space<semaphore_mem>>) src(%arg16 : memref<128x64xf32, #tpu.memory_space<vmem>>) dst(%dma_wait3A_159 : memref<128x64xf32, #tpu.memory_space<vmem_shared>>)
      tpu.yield
    }) : () -> ()
    %mul3A_10 = arith.constant 640 : i32
    %mul3A_11 = arith.muli %arg1, %mul3A_10 : i32
    %add3A_12 = arith.constant 384 : i32
    %add3A_13 = arith.addi %mul3A_11, %add3A_12 : i32
    "tpu.region"() ({
      %run_scoped3A_151 = tpu.sem_alloc : memref<!tpu.dma_semaphore, #tpu.memory_space<semaphore_mem>>
      %dma_start3A_152 = arith.constant 0 : i32
      %dma_start3A_153 = tpu.memref_slice %arg17[%add3A_13, %dma_start3A_152] : memref<10240x64xf32, #tpu.memory_space<vmem_shared>> -> memref<128x64xf32, #tpu.memory_space<vmem_shared>>
      %dma_start3A_154 = arith.constant 0 : i32
      %dma_start3A_155 = tpu.memref_slice %arg17[%add3A_13, %dma_start3A_154] : memref<10240x64xf32, #tpu.memory_space<vmem_shared>> -> memref<128x64xf32, #tpu.memory_space<vmem_shared>>
      tpu.enqueue_dma source(%arg16 : memref<128x64xf32, #tpu.memory_space<vmem>>) target(%dma_start3A_155 : memref<128x64xf32, #tpu.memory_space<vmem_shared>>) target_semaphore(%run_scoped3A_151 : memref<!tpu.dma_semaphore, #tpu.memory_space<semaphore_mem>>)
      %dma_wait3A_156 = arith.constant 0 : i32
      %dma_wait3A_157 = tpu.memref_slice %arg17[%add3A_13, %dma_wait3A_156] : memref<10240x64xf32, #tpu.memory_space<vmem_shared>> -> memref<128x64xf32, #tpu.memory_space<vmem_shared>>
      %dma_wait3A_158 = arith.constant 0 : i32
      %dma_wait3A_159 = tpu.memref_slice %arg17[%add3A_13, %dma_wait3A_158] : memref<10240x64xf32, #tpu.memory_space<vmem_shared>> -> memref<128x64xf32, #tpu.memory_space<vmem_shared>>
      tpu.wait_dma2 semaphore(%run_scoped3A_151 : memref<!tpu.dma_semaphore, #tpu.memory_space<semaphore_mem>>) src(%arg16 : memref<128x64xf32, #tpu.memory_space<vmem>>) dst(%dma_wait3A_159 : memref<128x64xf32, #tpu.memory_space<vmem_shared>>)
      tpu.yield
    }) : () -> ()
    %mul3A_14 = arith.constant 640 : i32
    %mul3A_15 = arith.muli %arg1, %mul3A_14 : i32
    %add3A_16 = arith.constant 512 : i32
    %add3A_17 = arith.addi %mul3A_15, %add3A_16 : i32
    "tpu.region"() ({
      %run_scoped3A_151 = tpu.sem_alloc : memref<!tpu.dma_semaphore, #tpu.memory_space<semaphore_mem>>
      %dma_start3A_152 = arith.constant 0 : i32
      %dma_start3A_153 = tpu.memref_slice %arg17[%add3A_17, %dma_start3A_152] : memref<10240x64xf32, #tpu.memory_space<vmem_shared>> -> memref<128x64xf32, #tpu.memory_space<vmem_shared>>
      %dma_start3A_154 = arith.constant 0 : i32
      %dma_start3A_155 = tpu.memref_slice %arg17[%add3A_17, %dma_start3A_154] : memref<10240x64xf32, #tpu.memory_space<vmem_shared>> -> memref<128x64xf32, #tpu.memory_space<vmem_shared>>
      tpu.enqueue_dma source(%arg16 : memref<128x64xf32, #tpu.memory_space<vmem>>) target(%dma_start3A_155 : memref<128x64xf32, #tpu.memory_space<vmem_shared>>) target_semaphore(%run_scoped3A_151 : memref<!tpu.dma_semaphore, #tpu.memory_space<semaphore_mem>>)
      %dma_wait3A_156 = arith.constant 0 : i32
      %dma_wait3A_157 = tpu.memref_slice %arg17[%add3A_17, %dma_wait3A_156] : memref<10240x64xf32, #tpu.memory_space<vmem_shared>> -> memref<128x64xf32, #tpu.memory_space<vmem_shared>>
      %dma_wait3A_158 = arith.constant 0 : i32
      %dma_wait3A_159 = tpu.memref_slice %arg17[%add3A_17, %dma_wait3A_158] : memref<10240x64xf32, #tpu.memory_space<vmem_shared>> -> memref<128x64xf32, #tpu.memory_space<vmem_shared>>
      tpu.wait_dma2 semaphore(%run_scoped3A_151 : memref<!tpu.dma_semaphore, #tpu.memory_space<semaphore_mem>>) src(%arg16 : memref<128x64xf32, #tpu.memory_space<vmem>>) dst(%dma_wait3A_159 : memref<128x64xf32, #tpu.memory_space<vmem_shared>>)
      tpu.yield
    }) : () -> ()
    "tpu.region"() ({
      %run_scoped3A_151 = tpu.sem_alloc : memref<!tpu.dma_semaphore, #tpu.memory_space<semaphore_mem>>
      tpu.enqueue_dma source(%arg5 : memref<80x8xf32, #tpu.memory_space<hbm>>) target(%arg28 : memref<80x8xf32, #tpu.memory_space<vmem>>) target_semaphore(%run_scoped3A_151 : memref<!tpu.dma_semaphore, #tpu.memory_space<semaphore_mem>>)
      tpu.wait_dma2 semaphore(%run_scoped3A_151 : memref<!tpu.dma_semaphore, #tpu.memory_space<semaphore_mem>>) src(%arg5 : memref<80x8xf32, #tpu.memory_space<hbm>>) dst(%arg28 : memref<80x8xf32, #tpu.memory_space<vmem>>)
      tpu.yield
    }) : () -> ()
    "tpu.region"() ({
      %run_scoped3A_151 = tpu.sem_alloc : memref<!tpu.dma_semaphore, #tpu.memory_space<semaphore_mem>>
      tpu.enqueue_dma source(%arg6 : memref<128x8xf32, #tpu.memory_space<hbm>>) target(%arg29 : memref<128x8xf32, #tpu.memory_space<vmem>>) target_semaphore(%run_scoped3A_151 : memref<!tpu.dma_semaphore, #tpu.memory_space<semaphore_mem>>)
      tpu.wait_dma2 semaphore(%run_scoped3A_151 : memref<!tpu.dma_semaphore, #tpu.memory_space<semaphore_mem>>) src(%arg6 : memref<128x8xf32, #tpu.memory_space<hbm>>) dst(%arg29 : memref<128x8xf32, #tpu.memory_space<vmem>>)
      tpu.yield
    }) : () -> ()
    %mul3A_18 = arith.constant 640 : i32
    %mul3A_19 = arith.muli %arg1, %mul3A_18 : i32
    %add3A_20 = arith.constant 0 : i32
    %add3A_21 = arith.addi %mul3A_19, %add3A_20 : i32
    "tpu.region"() ({
      %run_scoped3A_151 = tpu.sem_alloc : memref<!tpu.dma_semaphore, #tpu.memory_space<semaphore_mem>>
      %dma_start3A_152 = arith.constant 0 : i32
      %dma_start3A_153 = tpu.memref_slice %arg30[%add3A_21, %dma_start3A_152] : memref<10240x8xf32, #tpu.memory_space<vmem_shared>> -> memref<128x8xf32, #tpu.memory_space<vmem_shared>>
      %dma_start3A_154 = arith.constant 0 : i32
      %dma_start3A_155 = tpu.memref_slice %arg30[%add3A_21, %dma_start3A_154] : memref<10240x8xf32, #tpu.memory_space<vmem_shared>> -> memref<128x8xf32, #tpu.memory_space<vmem_shared>>
      tpu.enqueue_dma source(%arg29 : memref<128x8xf32, #tpu.memory_space<vmem>>) target(%dma_start3A_155 : memref<128x8xf32, #tpu.memory_space<vmem_shared>>) target_semaphore(%run_scoped3A_151 : memref<!tpu.dma_semaphore, #tpu.memory_space<semaphore_mem>>)
      %dma_wait3A_156 = arith.constant 0 : i32
      %dma_wait3A_157 = tpu.memref_slice %arg30[%add3A_21, %dma_wait3A_156] : memref<10240x8xf32, #tpu.memory_space<vmem_shared>> -> memref<128x8xf32, #tpu.memory_space<vmem_shared>>
      %dma_wait3A_158 = arith.constant 0 : i32
      %dma_wait3A_159 = tpu.memref_slice %arg30[%add3A_21, %dma_wait3A_158] : memref<10240x8xf32, #tpu.memory_space<vmem_shared>> -> memref<128x8xf32, #tpu.memory_space<vmem_shared>>
      tpu.wait_dma2 semaphore(%run_scoped3A_151 : memref<!tpu.dma_semaphore, #tpu.memory_space<semaphore_mem>>) src(%arg29 : memref<128x8xf32, #tpu.memory_space<vmem>>) dst(%dma_wait3A_159 : memref<128x8xf32, #tpu.memory_space<vmem_shared>>)
      tpu.yield
    }) : () -> ()
    %mul3A_22 = arith.constant 640 : i32
    %mul3A_23 = arith.muli %arg1, %mul3A_22 : i32
    %add3A_24 = arith.constant 128 : i32
    %add3A_25 = arith.addi %mul3A_23, %add3A_24 : i32
    "tpu.region"() ({
      %run_scoped3A_151 = tpu.sem_alloc : memref<!tpu.dma_semaphore, #tpu.memory_space<semaphore_mem>>
      %dma_start3A_152 = arith.constant 0 : i32
      %dma_start3A_153 = tpu.memref_slice %arg30[%add3A_25, %dma_start3A_152] : memref<10240x8xf32, #tpu.memory_space<vmem_shared>> -> memref<128x8xf32, #tpu.memory_space<vmem_shared>>
      %dma_start3A_154 = arith.constant 0 : i32
      %dma_start3A_155 = tpu.memref_slice %arg30[%add3A_25, %dma_start3A_154] : memref<10240x8xf32, #tpu.memory_space<vmem_shared>> -> memref<128x8xf32, #tpu.memory_space<vmem_shared>>
      tpu.enqueue_dma source(%arg29 : memref<128x8xf32, #tpu.memory_space<vmem>>) target(%dma_start3A_155 : memref<128x8xf32, #tpu.memory_space<vmem_shared>>) target_semaphore(%run_scoped3A_151 : memref<!tpu.dma_semaphore, #tpu.memory_space<semaphore_mem>>)
      %dma_wait3A_156 = arith.constant 0 : i32
      %dma_wait3A_157 = tpu.memref_slice %arg30[%add3A_25, %dma_wait3A_156] : memref<10240x8xf32, #tpu.memory_space<vmem_shared>> -> memref<128x8xf32, #tpu.memory_space<vmem_shared>>
      %dma_wait3A_158 = arith.constant 0 : i32
      %dma_wait3A_159 = tpu.memref_slice %arg30[%add3A_25, %dma_wait3A_158] : memref<10240x8xf32, #tpu.memory_space<vmem_shared>> -> memref<128x8xf32, #tpu.memory_space<vmem_shared>>
      tpu.wait_dma2 semaphore(%run_scoped3A_151 : memref<!tpu.dma_semaphore, #tpu.memory_space<semaphore_mem>>) src(%arg29 : memref<128x8xf32, #tpu.memory_space<vmem>>) dst(%dma_wait3A_159 : memref<128x8xf32, #tpu.memory_space<vmem_shared>>)
      tpu.yield
    }) : () -> ()
    %mul3A_26 = arith.constant 640 : i32
    %mul3A_27 = arith.muli %arg1, %mul3A_26 : i32
    %add3A_28 = arith.constant 256 : i32
    %add3A_29 = arith.addi %mul3A_27, %add3A_28 : i32
    "tpu.region"() ({
      %run_scoped3A_151 = tpu.sem_alloc : memref<!tpu.dma_semaphore, #tpu.memory_space<semaphore_mem>>
      %dma_start3A_152 = arith.constant 0 : i32
      %dma_start3A_153 = tpu.memref_slice %arg30[%add3A_29, %dma_start3A_152] : memref<10240x8xf32, #tpu.memory_space<vmem_shared>> -> memref<128x8xf32, #tpu.memory_space<vmem_shared>>
      %dma_start3A_154 = arith.constant 0 : i32
      %dma_start3A_155 = tpu.memref_slice %arg30[%add3A_29, %dma_start3A_154] : memref<10240x8xf32, #tpu.memory_space<vmem_shared>> -> memref<128x8xf32, #tpu.memory_space<vmem_shared>>
      tpu.enqueue_dma source(%arg29 : memref<128x8xf32, #tpu.memory_space<vmem>>) target(%dma_start3A_155 : memref<128x8xf32, #tpu.memory_space<vmem_shared>>) target_semaphore(%run_scoped3A_151 : memref<!tpu.dma_semaphore, #tpu.memory_space<semaphore_mem>>)
      %dma_wait3A_156 = arith.constant 0 : i32
      %dma_wait3A_157 = tpu.memref_slice %arg30[%add3A_29, %dma_wait3A_156] : memref<10240x8xf32, #tpu.memory_space<vmem_shared>> -> memref<128x8xf32, #tpu.memory_space<vmem_shared>>
      %dma_wait3A_158 = arith.constant 0 : i32
      %dma_wait3A_159 = tpu.memref_slice %arg30[%add3A_29, %dma_wait3A_158] : memref<10240x8xf32, #tpu.memory_space<vmem_shared>> -> memref<128x8xf32, #tpu.memory_space<vmem_shared>>
      tpu.wait_dma2 semaphore(%run_scoped3A_151 : memref<!tpu.dma_semaphore, #tpu.memory_space<semaphore_mem>>) src(%arg29 : memref<128x8xf32, #tpu.memory_space<vmem>>) dst(%dma_wait3A_159 : memref<128x8xf32, #tpu.memory_space<vmem_shared>>)
      tpu.yield
    }) : () -> ()
    %mul3A_30 = arith.constant 640 : i32
    %mul3A_31 = arith.muli %arg1, %mul3A_30 : i32
    %add3A_32 = arith.constant 384 : i32
    %add3A_33 = arith.addi %mul3A_31, %add3A_32 : i32
    "tpu.region"() ({
      %run_scoped3A_151 = tpu.sem_alloc : memref<!tpu.dma_semaphore, #tpu.memory_space<semaphore_mem>>
      %dma_start3A_152 = arith.constant 0 : i32
      %dma_start3A_153 = tpu.memref_slice %arg30[%add3A_33, %dma_start3A_152] : memref<10240x8xf32, #tpu.memory_space<vmem_shared>> -> memref<128x8xf32, #tpu.memory_space<vmem_shared>>
      %dma_start3A_154 = arith.constant 0 : i32
      %dma_start3A_155 = tpu.memref_slice %arg30[%add3A_33, %dma_start3A_154] : memref<10240x8xf32, #tpu.memory_space<vmem_shared>> -> memref<128x8xf32, #tpu.memory_space<vmem_shared>>
      tpu.enqueue_dma source(%arg29 : memref<128x8xf32, #tpu.memory_space<vmem>>) target(%dma_start3A_155 : memref<128x8xf32, #tpu.memory_space<vmem_shared>>) target_semaphore(%run_scoped3A_151 : memref<!tpu.dma_semaphore, #tpu.memory_space<semaphore_mem>>)
      %dma_wait3A_156 = arith.constant 0 : i32
      %dma_wait3A_157 = tpu.memref_slice %arg30[%add3A_33, %dma_wait3A_156] : memref<10240x8xf32, #tpu.memory_space<vmem_shared>> -> memref<128x8xf32, #tpu.memory_space<vmem_shared>>
      %dma_wait3A_158 = arith.constant 0 : i32
      %dma_wait3A_159 = tpu.memref_slice %arg30[%add3A_33, %dma_wait3A_158] : memref<10240x8xf32, #tpu.memory_space<vmem_shared>> -> memref<128x8xf32, #tpu.memory_space<vmem_shared>>
      tpu.wait_dma2 semaphore(%run_scoped3A_151 : memref<!tpu.dma_semaphore, #tpu.memory_space<semaphore_mem>>) src(%arg29 : memref<128x8xf32, #tpu.memory_space<vmem>>) dst(%dma_wait3A_159 : memref<128x8xf32, #tpu.memory_space<vmem_shared>>)
      tpu.yield
    }) : () -> ()
    %mul3A_34 = arith.constant 640 : i32
    %mul3A_35 = arith.muli %arg1, %mul3A_34 : i32
    %add3A_36 = arith.constant 512 : i32
    %add3A_37 = arith.addi %mul3A_35, %add3A_36 : i32
    "tpu.region"() ({
      %run_scoped3A_151 = tpu.sem_alloc : memref<!tpu.dma_semaphore, #tpu.memory_space<semaphore_mem>>
      %dma_start3A_152 = arith.constant 0 : i32
      %dma_start3A_153 = tpu.memref_slice %arg30[%add3A_37, %dma_start3A_152] : memref<10240x8xf32, #tpu.memory_space<vmem_shared>> -> memref<128x8xf32, #tpu.memory_space<vmem_shared>>
      %dma_start3A_154 = arith.constant 0 : i32
      %dma_start3A_155 = tpu.memref_slice %arg30[%add3A_37, %dma_start3A_154] : memref<10240x8xf32, #tpu.memory_space<vmem_shared>> -> memref<128x8xf32, #tpu.memory_space<vmem_shared>>
      tpu.enqueue_dma source(%arg29 : memref<128x8xf32, #tpu.memory_space<vmem>>) target(%dma_start3A_155 : memref<128x8xf32, #tpu.memory_space<vmem_shared>>) target_semaphore(%run_scoped3A_151 : memref<!tpu.dma_semaphore, #tpu.memory_space<semaphore_mem>>)
      %dma_wait3A_156 = arith.constant 0 : i32
      %dma_wait3A_157 = tpu.memref_slice %arg30[%add3A_37, %dma_wait3A_156] : memref<10240x8xf32, #tpu.memory_space<vmem_shared>> -> memref<128x8xf32, #tpu.memory_space<vmem_shared>>
      %dma_wait3A_158 = arith.constant 0 : i32
      %dma_wait3A_159 = tpu.memref_slice %arg30[%add3A_37, %dma_wait3A_158] : memref<10240x8xf32, #tpu.memory_space<vmem_shared>> -> memref<128x8xf32, #tpu.memory_space<vmem_shared>>
      tpu.wait_dma2 semaphore(%run_scoped3A_151 : memref<!tpu.dma_semaphore, #tpu.memory_space<semaphore_mem>>) src(%arg29 : memref<128x8xf32, #tpu.memory_space<vmem>>) dst(%dma_wait3A_159 : memref<128x8xf32, #tpu.memory_space<vmem_shared>>)
      tpu.yield
    }) : () -> ()
    %run_scoped3A = arith.constant 0 : i32
    "tpu.region"() ({
      %run_scoped3A_151 = tpu.sem_alloc : memref<!tpu.dma_semaphore, #tpu.memory_space<semaphore_mem>>
      %dma_start3A_152 = arith.constant 0 : i32
      %dma_start3A_153 = arith.constant 0 : i32
      %dma_start3A_154 = tpu.memref_slice %arg3[%run_scoped3A, %arg1, %dma_start3A_152, %dma_start3A_153] : memref<2x16x250x80xi32, #tpu.memory_space<hbm>> -> memref<1x1x250x80xi32, #tpu.memory_space<hbm>>
      %dma_start3A_155 = tpu.memref_squeeze %dma_start3A_154 : memref<1x1x250x80xi32, #tpu.memory_space<hbm>> -> memref<250x80xi32, #tpu.memory_space<hbm>>
      %dma_start3A_156 = arith.constant 0 : i32
      %dma_start3A_157 = arith.constant 0 : i32
      %dma_start3A_158 = tpu.memref_slice %arg3[%run_scoped3A, %arg1, %dma_start3A_156, %dma_start3A_157] : memref<2x16x250x80xi32, #tpu.memory_space<hbm>> -> memref<1x1x250x80xi32, #tpu.memory_space<hbm>>
      %dma_start3A_159 = tpu.memref_squeeze %dma_start3A_158 : memref<1x1x250x80xi32, #tpu.memory_space<hbm>> -> memref<250x80xi32, #tpu.memory_space<hbm>>
      tpu.enqueue_dma source(%dma_start3A_159 : memref<250x80xi32, #tpu.memory_space<hbm>>) target(%arg9 : memref<250x80xi32, #tpu.memory_space<vmem>>) target_semaphore(%run_scoped3A_151 : memref<!tpu.dma_semaphore, #tpu.memory_space<semaphore_mem>>)
      %dma_wait3A_160 = arith.constant 0 : i32
      %dma_wait3A_161 = arith.constant 0 : i32
      %dma_wait3A_162 = tpu.memref_slice %arg3[%run_scoped3A, %arg1, %dma_wait3A_160, %dma_wait3A_161] : memref<2x16x250x80xi32, #tpu.memory_space<hbm>> -> memref<1x1x250x80xi32, #tpu.memory_space<hbm>>
      %dma_wait3A_163 = tpu.memref_squeeze %dma_wait3A_162 : memref<1x1x250x80xi32, #tpu.memory_space<hbm>> -> memref<250x80xi32, #tpu.memory_space<hbm>>
      %dma_wait3A_164 = arith.constant 0 : i32
      %dma_wait3A_165 = arith.constant 0 : i32
      %dma_wait3A_166 = tpu.memref_slice %arg3[%run_scoped3A, %arg1, %dma_wait3A_164, %dma_wait3A_165] : memref<2x16x250x80xi32, #tpu.memory_space<hbm>> -> memref<1x1x250x80xi32, #tpu.memory_space<hbm>>
      %dma_wait3A_167 = tpu.memref_squeeze %dma_wait3A_166 : memref<1x1x250x80xi32, #tpu.memory_space<hbm>> -> memref<250x80xi32, #tpu.memory_space<hbm>>
      tpu.wait_dma2 semaphore(%run_scoped3A_151 : memref<!tpu.dma_semaphore, #tpu.memory_space<semaphore_mem>>) src(%dma_wait3A_167 : memref<250x80xi32, #tpu.memory_space<hbm>>) dst(%arg9 : memref<250x80xi32, #tpu.memory_space<vmem>>)
      tpu.yield
    }) : () -> ()
    %run_scoped3A_38 = arith.constant 1 : i32
    "tpu.region"() ({
      %run_scoped3A_151 = tpu.sem_alloc : memref<!tpu.dma_semaphore, #tpu.memory_space<semaphore_mem>>
      %dma_start3A_152 = arith.constant 0 : i32
      %dma_start3A_153 = arith.constant 0 : i32
      %dma_start3A_154 = tpu.memref_slice %arg3[%run_scoped3A_38, %arg1, %dma_start3A_152, %dma_start3A_153] : memref<2x16x250x80xi32, #tpu.memory_space<hbm>> -> memref<1x1x250x80xi32, #tpu.memory_space<hbm>>
      %dma_start3A_155 = tpu.memref_squeeze %dma_start3A_154 : memref<1x1x250x80xi32, #tpu.memory_space<hbm>> -> memref<250x80xi32, #tpu.memory_space<hbm>>
      %dma_start3A_156 = arith.constant 0 : i32
      %dma_start3A_157 = arith.constant 0 : i32
      %dma_start3A_158 = tpu.memref_slice %arg3[%run_scoped3A_38, %arg1, %dma_start3A_156, %dma_start3A_157] : memref<2x16x250x80xi32, #tpu.memory_space<hbm>> -> memref<1x1x250x80xi32, #tpu.memory_space<hbm>>
      %dma_start3A_159 = tpu.memref_squeeze %dma_start3A_158 : memref<1x1x250x80xi32, #tpu.memory_space<hbm>> -> memref<250x80xi32, #tpu.memory_space<hbm>>
      tpu.enqueue_dma source(%dma_start3A_159 : memref<250x80xi32, #tpu.memory_space<hbm>>) target(%arg10 : memref<250x80xi32, #tpu.memory_space<vmem>>) target_semaphore(%run_scoped3A_151 : memref<!tpu.dma_semaphore, #tpu.memory_space<semaphore_mem>>)
      %dma_wait3A_160 = arith.constant 0 : i32
      %dma_wait3A_161 = arith.constant 0 : i32
      %dma_wait3A_162 = tpu.memref_slice %arg3[%run_scoped3A_38, %arg1, %dma_wait3A_160, %dma_wait3A_161] : memref<2x16x250x80xi32, #tpu.memory_space<hbm>> -> memref<1x1x250x80xi32, #tpu.memory_space<hbm>>
      %dma_wait3A_163 = tpu.memref_squeeze %dma_wait3A_162 : memref<1x1x250x80xi32, #tpu.memory_space<hbm>> -> memref<250x80xi32, #tpu.memory_space<hbm>>
      %dma_wait3A_164 = arith.constant 0 : i32
      %dma_wait3A_165 = arith.constant 0 : i32
      %dma_wait3A_166 = tpu.memref_slice %arg3[%run_scoped3A_38, %arg1, %dma_wait3A_164, %dma_wait3A_165] : memref<2x16x250x80xi32, #tpu.memory_space<hbm>> -> memref<1x1x250x80xi32, #tpu.memory_space<hbm>>
      %dma_wait3A_167 = tpu.memref_squeeze %dma_wait3A_166 : memref<1x1x250x80xi32, #tpu.memory_space<hbm>> -> memref<250x80xi32, #tpu.memory_space<hbm>>
      tpu.wait_dma2 semaphore(%run_scoped3A_151 : memref<!tpu.dma_semaphore, #tpu.memory_space<semaphore_mem>>) src(%dma_wait3A_167 : memref<250x80xi32, #tpu.memory_space<hbm>>) dst(%arg10 : memref<250x80xi32, #tpu.memory_space<vmem>>)
      tpu.yield
    }) : () -> ()
    %scan3A = arith.constant 0 : i32
    %scan3A_39 = arith.constant 0 : i32
    %scan3A_40 = arith.constant 250 : i32
    %scan3A_41 = arith.addi %scan3A_39, %scan3A_40 : i32
    %scan3A_42 = arith.constant 1 : i32
    scf.for %scan3A_151 = %scan3A_39 to %scan3A_41 step %scan3A_42  : i32 {
      %get3A = arith.index_cast %scan3A_151 : i32 to index
      %get3A_152 = arith.constant 0 : index
      %get3A_153 = tpu.vector_load %arg9[%get3A, %get3A_152] {strides = array<i32>} : memref<250x80xi32, #tpu.memory_space<vmem>>, vector<1x16xi32>,
      %get3A_154 = vector.shape_cast %get3A_153 : vector<1x16xi32> to vector<16xi32>
      %add3A_155 = arith.addi %get3A_154, %get3A_154 : vector<16xi32>
      %add3A_156 = vector.broadcast %arg0 : i32 to vector<16xi32>
      %add3A_157 = arith.addi %add3A_155, %add3A_156 : vector<16xi32>
      %swap3A = arith.index_cast %scan3A_151 : i32 to index
      %swap3A_158 = arith.constant 0 : index
      %swap3A_159 = tpu.vector_load %arg9[%swap3A, %swap3A_158] {strides = array<i32>} : memref<250x80xi32, #tpu.memory_space<vmem>>, vector<1x16xi32>,
      %swap3A_160 = vector.shape_cast %swap3A_159 : vector<1x16xi32> to vector<16xi32>
      %swap3A_161 = vector.shape_cast %add3A_157 : vector<16xi32> to vector<1x16xi32>
      tpu.vector_store %arg9[%swap3A, %swap3A_158], %swap3A_161 {strides = array<i32>} : memref<250x80xi32, #tpu.memory_space<vmem>>, vector<1x16xi32>,
      %get3A_162 = arith.index_cast %scan3A_151 : i32 to index
      %get3A_163 = arith.constant 16 : index
      %get3A_164 = tpu.vector_load %arg9[%get3A_162, %get3A_163] {strides = array<i32>} : memref<250x80xi32, #tpu.memory_space<vmem>>, vector<1x16xi32>,
      %get3A_165 = vector.shape_cast %get3A_164 : vector<1x16xi32> to vector<16xi32>
      %add3A_166 = arith.addi %get3A_165, %get3A_165 : vector<16xi32>
      %add3A_167 = vector.broadcast %arg0 : i32 to vector<16xi32>
      %add3A_168 = arith.addi %add3A_166, %add3A_167 : vector<16xi32>
      %swap3A_169 = arith.index_cast %scan3A_151 : i32 to index
      %swap3A_170 = arith.constant 16 : index
      %swap3A_171 = tpu.vector_load %arg9[%swap3A_169, %swap3A_170] {strides = array<i32>} : memref<250x80xi32, #tpu.memory_space<vmem>>, vector<1x16xi32>,
      %swap3A_172 = vector.shape_cast %swap3A_171 : vector<1x16xi32> to vector<16xi32>
      %swap3A_173 = vector.shape_cast %add3A_168 : vector<16xi32> to vector<1x16xi32>
      tpu.vector_store %arg9[%swap3A_169, %swap3A_170], %swap3A_173 {strides = array<i32>} : memref<250x80xi32, #tpu.memory_space<vmem>>, vector<1x16xi32>,
      %get3A_174 = arith.index_cast %scan3A_151 : i32 to index
      %get3A_175 = arith.constant 32 : index
      %get3A_176 = tpu.vector_load %arg9[%get3A_174, %get3A_175] {strides = array<i32>} : memref<250x80xi32, #tpu.memory_space<vmem>>, vector<1x16xi32>,
      %get3A_177 = vector.shape_cast %get3A_176 : vector<1x16xi32> to vector<16xi32>
      %add3A_178 = arith.addi %get3A_177, %get3A_177 : vector<16xi32>
      %add3A_179 = vector.broadcast %arg0 : i32 to vector<16xi32>
      %add3A_180 = arith.addi %add3A_178, %add3A_179 : vector<16xi32>
      %swap3A_181 = arith.index_cast %scan3A_151 : i32 to index
      %swap3A_182 = arith.constant 32 : index
      %swap3A_183 = tpu.vector_load %arg9[%swap3A_181, %swap3A_182] {strides = array<i32>} : memref<250x80xi32, #tpu.memory_space<vmem>>, vector<1x16xi32>,
      %swap3A_184 = vector.shape_cast %swap3A_183 : vector<1x16xi32> to vector<16xi32>
      %swap3A_185 = vector.shape_cast %add3A_180 : vector<16xi32> to vector<1x16xi32>
      tpu.vector_store %arg9[%swap3A_181, %swap3A_182], %swap3A_185 {strides = array<i32>} : memref<250x80xi32, #tpu.memory_space<vmem>>, vector<1x16xi32>,
      %get3A_186 = arith.index_cast %scan3A_151 : i32 to index
      %get3A_187 = arith.constant 48 : index
      %get3A_188 = tpu.vector_load %arg9[%get3A_186, %get3A_187] {strides = array<i32>} : memref<250x80xi32, #tpu.memory_space<vmem>>, vector<1x16xi32>,
      %get3A_189 = vector.shape_cast %get3A_188 : vector<1x16xi32> to vector<16xi32>
      %add3A_190 = arith.addi %get3A_189, %get3A_189 : vector<16xi32>
      %add3A_191 = vector.broadcast %arg0 : i32 to vector<16xi32>
      %add3A_192 = arith.addi %add3A_190, %add3A_191 : vector<16xi32>
      %swap3A_193 = arith.index_cast %scan3A_151 : i32 to index
      %swap3A_194 = arith.constant 48 : index
      %swap3A_195 = tpu.vector_load %arg9[%swap3A_193, %swap3A_194] {strides = array<i32>} : memref<250x80xi32, #tpu.memory_space<vmem>>, vector<1x16xi32>,
      %swap3A_196 = vector.shape_cast %swap3A_195 : vector<1x16xi32> to vector<16xi32>
      %swap3A_197 = vector.shape_cast %add3A_192 : vector<16xi32> to vector<1x16xi32>
      tpu.vector_store %arg9[%swap3A_193, %swap3A_194], %swap3A_197 {strides = array<i32>} : memref<250x80xi32, #tpu.memory_space<vmem>>, vector<1x16xi32>,
      %get3A_198 = arith.index_cast %scan3A_151 : i32 to index
      %get3A_199 = arith.constant 64 : index
      %get3A_200 = tpu.vector_load %arg9[%get3A_198, %get3A_199] {strides = array<i32>} : memref<250x80xi32, #tpu.memory_space<vmem>>, vector<1x16xi32>,
      %get3A_201 = vector.shape_cast %get3A_200 : vector<1x16xi32> to vector<16xi32>
      %add3A_202 = arith.addi %get3A_201, %get3A_201 : vector<16xi32>
      %add3A_203 = vector.broadcast %arg0 : i32 to vector<16xi32>
      %add3A_204 = arith.addi %add3A_202, %add3A_203 : vector<16xi32>
      %swap3A_205 = arith.index_cast %scan3A_151 : i32 to index
      %swap3A_206 = arith.constant 64 : index
      %swap3A_207 = tpu.vector_load %arg9[%swap3A_205, %swap3A_206] {strides = array<i32>} : memref<250x80xi32, #tpu.memory_space<vmem>>, vector<1x16xi32>,
      %swap3A_208 = vector.shape_cast %swap3A_207 : vector<1x16xi32> to vector<16xi32>
      %swap3A_209 = vector.shape_cast %add3A_204 : vector<16xi32> to vector<1x16xi32>
      tpu.vector_store %arg9[%swap3A_205, %swap3A_206], %swap3A_209 {strides = array<i32>} : memref<250x80xi32, #tpu.memory_space<vmem>>, vector<1x16xi32>,
    }
    %scan3A_43 = arith.constant 250 : i32
    %barrier3A = arith.constant 0 : index
    tpu.barrier barrier_id(%barrier3A)
    %dma_start3A = arith.constant 0 : i32
    %dma_start3A_44 = arith.constant 0 : i32
    %dma_start3A_45 = tpu.memref_slice %arg9[%dma_start3A, %dma_start3A_44] : memref<250x80xi32, #tpu.memory_space<vmem>> -> memref<1x80xi32, #tpu.memory_space<vmem>>
    %dma_start3A_46 = tpu.memref_squeeze %dma_start3A_45 : memref<1x80xi32, #tpu.memory_space<vmem>> -> memref<80xi32, #tpu.memory_space<vmem>>
    %dma_start3A_47 = arith.constant 0 : i32
    %dma_start3A_48 = arith.constant 0 : i32
    %dma_start3A_49 = tpu.memref_slice %arg2[%dma_start3A_47, %dma_start3A_48] : memref<20000x64xf32, #tpu.memory_space<hbm>> -> memref<20000x64xf32, #tpu.memory_space<hbm>>
    tpu.enqueue_indirect_dma source(%dma_start3A_49 : memref<20000x64xf32, #tpu.memory_space<hbm>>) target(%arg11 : memref<80x64xf32, #tpu.memory_space<vmem>>) offsets(%dma_start3A_46 : memref<80xi32, #tpu.memory_space<vmem>>) semaphore(%arg18 : memref<!tpu.dma_semaphore, #tpu.memory_space<semaphore_mem>>)
    %dma_start3A_50 = arith.constant 1 : i32
    %dma_start3A_51 = arith.constant 0 : i32
    %dma_start3A_52 = tpu.memref_slice %arg9[%dma_start3A_50, %dma_start3A_51] : memref<250x80xi32, #tpu.memory_space<vmem>> -> memref<1x80xi32, #tpu.memory_space<vmem>>
    %dma_start3A_53 = tpu.memref_squeeze %dma_start3A_52 : memref<1x80xi32, #tpu.memory_space<vmem>> -> memref<80xi32, #tpu.memory_space<vmem>>
    %dma_start3A_54 = arith.constant 0 : i32
    %dma_start3A_55 = arith.constant 0 : i32
    %dma_start3A_56 = tpu.memref_slice %arg2[%dma_start3A_54, %dma_start3A_55] : memref<20000x64xf32, #tpu.memory_space<hbm>> -> memref<20000x64xf32, #tpu.memory_space<hbm>>
    tpu.enqueue_indirect_dma source(%dma_start3A_56 : memref<20000x64xf32, #tpu.memory_space<hbm>>) target(%arg12 : memref<80x64xf32, #tpu.memory_space<vmem>>) offsets(%dma_start3A_53 : memref<80xi32, #tpu.memory_space<vmem>>) semaphore(%arg19 : memref<!tpu.dma_semaphore, #tpu.memory_space<semaphore_mem>>)
    %dma_start3A_57 = arith.constant 2 : i32
    %dma_start3A_58 = arith.constant 0 : i32
    %dma_start3A_59 = tpu.memref_slice %arg9[%dma_start3A_57, %dma_start3A_58] : memref<250x80xi32, #tpu.memory_space<vmem>> -> memref<1x80xi32, #tpu.memory_space<vmem>>
    %dma_start3A_60 = tpu.memref_squeeze %dma_start3A_59 : memref<1x80xi32, #tpu.memory_space<vmem>> -> memref<80xi32, #tpu.memory_space<vmem>>
    %dma_start3A_61 = arith.constant 0 : i32
    %dma_start3A_62 = arith.constant 0 : i32
    %dma_start3A_63 = tpu.memref_slice %arg2[%dma_start3A_61, %dma_start3A_62] : memref<20000x64xf32, #tpu.memory_space<hbm>> -> memref<20000x64xf32, #tpu.memory_space<hbm>>
    tpu.enqueue_indirect_dma source(%dma_start3A_63 : memref<20000x64xf32, #tpu.memory_space<hbm>>) target(%arg13 : memref<80x64xf32, #tpu.memory_space<vmem>>) offsets(%dma_start3A_60 : memref<80xi32, #tpu.memory_space<vmem>>) semaphore(%arg20 : memref<!tpu.dma_semaphore, #tpu.memory_space<semaphore_mem>>)
    %dma_start3A_64 = arith.constant 3 : i32
    %dma_start3A_65 = arith.constant 0 : i32
    %dma_start3A_66 = tpu.memref_slice %arg9[%dma_start3A_64, %dma_start3A_65] : memref<250x80xi32, #tpu.memory_space<vmem>> -> memref<1x80xi32, #tpu.memory_space<vmem>>
    %dma_start3A_67 = tpu.memref_squeeze %dma_start3A_66 : memref<1x80xi32, #tpu.memory_space<vmem>> -> memref<80xi32, #tpu.memory_space<vmem>>
    %dma_start3A_68 = arith.constant 0 : i32
    %dma_start3A_69 = arith.constant 0 : i32
    %dma_start3A_70 = tpu.memref_slice %arg2[%dma_start3A_68, %dma_start3A_69] : memref<20000x64xf32, #tpu.memory_space<hbm>> -> memref<20000x64xf32, #tpu.memory_space<hbm>>
    tpu.enqueue_indirect_dma source(%dma_start3A_70 : memref<20000x64xf32, #tpu.memory_space<hbm>>) target(%arg14 : memref<80x64xf32, #tpu.memory_space<vmem>>) offsets(%dma_start3A_67 : memref<80xi32, #tpu.memory_space<vmem>>) semaphore(%arg21 : memref<!tpu.dma_semaphore, #tpu.memory_space<semaphore_mem>>)
    %dma_start3A_71 = arith.constant 4 : i32
    %dma_start3A_72 = arith.constant 0 : i32
    %dma_start3A_73 = tpu.memref_slice %arg9[%dma_start3A_71, %dma_start3A_72] : memref<250x80xi32, #tpu.memory_space<vmem>> -> memref<1x80xi32, #tpu.memory_space<vmem>>
    %dma_start3A_74 = tpu.memref_squeeze %dma_start3A_73 : memref<1x80xi32, #tpu.memory_space<vmem>> -> memref<80xi32, #tpu.memory_space<vmem>>
    %dma_start3A_75 = arith.constant 0 : i32
    %dma_start3A_76 = arith.constant 0 : i32
    %dma_start3A_77 = tpu.memref_slice %arg2[%dma_start3A_75, %dma_start3A_76] : memref<20000x64xf32, #tpu.memory_space<hbm>> -> memref<20000x64xf32, #tpu.memory_space<hbm>>
    tpu.enqueue_indirect_dma source(%dma_start3A_77 : memref<20000x64xf32, #tpu.memory_space<hbm>>) target(%arg15 : memref<80x64xf32, #tpu.memory_space<vmem>>) offsets(%dma_start3A_74 : memref<80xi32, #tpu.memory_space<vmem>>) semaphore(%arg22 : memref<!tpu.dma_semaphore, #tpu.memory_space<semaphore_mem>>)
    %scan3A_78 = arith.constant 0 : i32
    %scan3A_79 = arith.constant 0 : i32
    %scan3A_80 = arith.constant 50 : i32
    %scan3A_81 = arith.addi %scan3A_79, %scan3A_80 : i32
    %scan3A_82 = arith.constant 1 : i32
    scf.for %scan3A_151 = %scan3A_79 to %scan3A_81 step %scan3A_82  : i32 {
      %mul3A_152 = arith.constant 5 : i32
      %mul3A_153 = arith.muli %mul3A_152, %scan3A_151 : i32
      %dma_wait3A_154 = arith.constant 0 : i32
      %dma_wait3A_155 = arith.constant 0 : i32
      %dma_wait3A_156 = tpu.memref_slice %arg9[%dma_wait3A_154, %dma_wait3A_155] : memref<250x80xi32, #tpu.memory_space<vmem>> -> memref<1x80xi32, #tpu.memory_space<vmem>>
      %dma_wait3A_157 = tpu.memref_squeeze %dma_wait3A_156 : memref<1x80xi32, #tpu.memory_space<vmem>> -> memref<80xi32, #tpu.memory_space<vmem>>
      %dma_wait3A_158 = arith.constant 0 : i32
      %dma_wait3A_159 = arith.constant 0 : i32
      %dma_wait3A_160 = tpu.memref_slice %arg2[%dma_wait3A_158, %dma_wait3A_159] : memref<20000x64xf32, #tpu.memory_space<hbm>> -> memref<20000x64xf32, #tpu.memory_space<hbm>>
      tpu.wait_indirect_dma semaphore(%arg18 : memref<!tpu.dma_semaphore, #tpu.memory_space<semaphore_mem>>) src(%dma_wait3A_160 : memref<20000x64xf32, #tpu.memory_space<hbm>>) dst(%arg11 : memref<80x64xf32, #tpu.memory_space<vmem>>)
      %add3A_161 = arith.constant 0 : i32
      %add3A_162 = arith.addi %mul3A_153, %add3A_161 : i32
      %dma_start3A_163 = arith.constant 0 : i32
      %dma_start3A_164 = tpu.memref_slice %arg10[%add3A_162, %dma_start3A_163] : memref<250x80xi32, #tpu.memory_space<vmem>> -> memref<1x80xi32, #tpu.memory_space<vmem>>
      %dma_start3A_165 = tpu.memref_squeeze %dma_start3A_164 : memref<1x80xi32, #tpu.memory_space<vmem>> -> memref<80xi32, #tpu.memory_space<vmem>>
      %dma_start3A_166 = arith.constant 0 : i32
      %dma_start3A_167 = arith.constant 0 : i32
      %dma_start3A_168 = tpu.memref_slice %arg17[%dma_start3A_166, %dma_start3A_167] : memref<10240x64xf32, #tpu.memory_space<vmem_shared>> -> memref<10240x64xf32, #tpu.memory_space<vmem_shared>>
      tpu.enqueue_indirect_dma source(%arg11 : memref<80x64xf32, #tpu.memory_space<vmem>>) target(%dma_start3A_168 : memref<10240x64xf32, #tpu.memory_space<vmem_shared>>) offsets(%dma_start3A_165 : memref<80xi32, #tpu.memory_space<vmem>>) semaphore(%arg23 : memref<!tpu.dma_semaphore, #tpu.memory_space<semaphore_mem>>) {add = true}
      %dma_wait3A_169 = arith.constant 0 : i32
      %dma_wait3A_170 = arith.constant 0 : i32
      %dma_wait3A_171 = tpu.memref_slice %arg9[%dma_wait3A_169, %dma_wait3A_170] : memref<250x80xi32, #tpu.memory_space<vmem>> -> memref<1x80xi32, #tpu.memory_space<vmem>>
      %dma_wait3A_172 = tpu.memref_squeeze %dma_wait3A_171 : memref<1x80xi32, #tpu.memory_space<vmem>> -> memref<80xi32, #tpu.memory_space<vmem>>
      %dma_wait3A_173 = arith.constant 0 : i32
      %dma_wait3A_174 = arith.constant 0 : i32
      %dma_wait3A_175 = tpu.memref_slice %arg2[%dma_wait3A_173, %dma_wait3A_174] : memref<20000x64xf32, #tpu.memory_space<hbm>> -> memref<20000x64xf32, #tpu.memory_space<hbm>>
      tpu.wait_indirect_dma semaphore(%arg19 : memref<!tpu.dma_semaphore, #tpu.memory_space<semaphore_mem>>) src(%dma_wait3A_175 : memref<20000x64xf32, #tpu.memory_space<hbm>>) dst(%arg12 : memref<80x64xf32, #tpu.memory_space<vmem>>)
      %add3A_176 = arith.constant 1 : i32
      %add3A_177 = arith.addi %mul3A_153, %add3A_176 : i32
      %dma_start3A_178 = arith.constant 0 : i32
      %dma_start3A_179 = tpu.memref_slice %arg10[%add3A_177, %dma_start3A_178] : memref<250x80xi32, #tpu.memory_space<vmem>> -> memref<1x80xi32, #tpu.memory_space<vmem>>
      %dma_start3A_180 = tpu.memref_squeeze %dma_start3A_179 : memref<1x80xi32, #tpu.memory_space<vmem>> -> memref<80xi32, #tpu.memory_space<vmem>>
      %dma_start3A_181 = arith.constant 0 : i32
      %dma_start3A_182 = arith.constant 0 : i32
      %dma_start3A_183 = tpu.memref_slice %arg17[%dma_start3A_181, %dma_start3A_182] : memref<10240x64xf32, #tpu.memory_space<vmem_shared>> -> memref<10240x64xf32, #tpu.memory_space<vmem_shared>>
      tpu.enqueue_indirect_dma source(%arg12 : memref<80x64xf32, #tpu.memory_space<vmem>>) target(%dma_start3A_183 : memref<10240x64xf32, #tpu.memory_space<vmem_shared>>) offsets(%dma_start3A_180 : memref<80xi32, #tpu.memory_space<vmem>>) semaphore(%arg24 : memref<!tpu.dma_semaphore, #tpu.memory_space<semaphore_mem>>) {add = true}
      %dma_wait3A_184 = arith.constant 0 : i32
      %dma_wait3A_185 = arith.constant 0 : i32
      %dma_wait3A_186 = tpu.memref_slice %arg9[%dma_wait3A_184, %dma_wait3A_185] : memref<250x80xi32, #tpu.memory_space<vmem>> -> memref<1x80xi32, #tpu.memory_space<vmem>>
      %dma_wait3A_187 = tpu.memref_squeeze %dma_wait3A_186 : memref<1x80xi32, #tpu.memory_space<vmem>> -> memref<80xi32, #tpu.memory_space<vmem>>
      %dma_wait3A_188 = arith.constant 0 : i32
      %dma_wait3A_189 = arith.constant 0 : i32
      %dma_wait3A_190 = tpu.memref_slice %arg2[%dma_wait3A_188, %dma_wait3A_189] : memref<20000x64xf32, #tpu.memory_space<hbm>> -> memref<20000x64xf32, #tpu.memory_space<hbm>>
      tpu.wait_indirect_dma semaphore(%arg20 : memref<!tpu.dma_semaphore, #tpu.memory_space<semaphore_mem>>) src(%dma_wait3A_190 : memref<20000x64xf32, #tpu.memory_space<hbm>>) dst(%arg13 : memref<80x64xf32, #tpu.memory_space<vmem>>)
      %add3A_191 = arith.constant 2 : i32
      %add3A_192 = arith.addi %mul3A_153, %add3A_191 : i32
      %dma_start3A_193 = arith.constant 0 : i32
      %dma_start3A_194 = tpu.memref_slice %arg10[%add3A_192, %dma_start3A_193] : memref<250x80xi32, #tpu.memory_space<vmem>> -> memref<1x80xi32, #tpu.memory_space<vmem>>
      %dma_start3A_195 = tpu.memref_squeeze %dma_start3A_194 : memref<1x80xi32, #tpu.memory_space<vmem>> -> memref<80xi32, #tpu.memory_space<vmem>>
      %dma_start3A_196 = arith.constant 0 : i32
      %dma_start3A_197 = arith.constant 0 : i32
      %dma_start3A_198 = tpu.memref_slice %arg17[%dma_start3A_196, %dma_start3A_197] : memref<10240x64xf32, #tpu.memory_space<vmem_shared>> -> memref<10240x64xf32, #tpu.memory_space<vmem_shared>>
      tpu.enqueue_indirect_dma source(%arg13 : memref<80x64xf32, #tpu.memory_space<vmem>>) target(%dma_start3A_198 : memref<10240x64xf32, #tpu.memory_space<vmem_shared>>) offsets(%dma_start3A_195 : memref<80xi32, #tpu.memory_space<vmem>>) semaphore(%arg25 : memref<!tpu.dma_semaphore, #tpu.memory_space<semaphore_mem>>) {add = true}
      %dma_wait3A_199 = arith.constant 0 : i32
      %dma_wait3A_200 = arith.constant 0 : i32
      %dma_wait3A_201 = tpu.memref_slice %arg9[%dma_wait3A_199, %dma_wait3A_200] : memref<250x80xi32, #tpu.memory_space<vmem>> -> memref<1x80xi32, #tpu.memory_space<vmem>>
      %dma_wait3A_202 = tpu.memref_squeeze %dma_wait3A_201 : memref<1x80xi32, #tpu.memory_space<vmem>> -> memref<80xi32, #tpu.memory_space<vmem>>
      %dma_wait3A_203 = arith.constant 0 : i32
      %dma_wait3A_204 = arith.constant 0 : i32
      %dma_wait3A_205 = tpu.memref_slice %arg2[%dma_wait3A_203, %dma_wait3A_204] : memref<20000x64xf32, #tpu.memory_space<hbm>> -> memref<20000x64xf32, #tpu.memory_space<hbm>>
      tpu.wait_indirect_dma semaphore(%arg21 : memref<!tpu.dma_semaphore, #tpu.memory_space<semaphore_mem>>) src(%dma_wait3A_205 : memref<20000x64xf32, #tpu.memory_space<hbm>>) dst(%arg14 : memref<80x64xf32, #tpu.memory_space<vmem>>)
      %add3A_206 = arith.constant 3 : i32
      %add3A_207 = arith.addi %mul3A_153, %add3A_206 : i32
      %dma_start3A_208 = arith.constant 0 : i32
      %dma_start3A_209 = tpu.memref_slice %arg10[%add3A_207, %dma_start3A_208] : memref<250x80xi32, #tpu.memory_space<vmem>> -> memref<1x80xi32, #tpu.memory_space<vmem>>
      %dma_start3A_210 = tpu.memref_squeeze %dma_start3A_209 : memref<1x80xi32, #tpu.memory_space<vmem>> -> memref<80xi32, #tpu.memory_space<vmem>>
      %dma_start3A_211 = arith.constant 0 : i32
      %dma_start3A_212 = arith.constant 0 : i32
      %dma_start3A_213 = tpu.memref_slice %arg17[%dma_start3A_211, %dma_start3A_212] : memref<10240x64xf32, #tpu.memory_space<vmem_shared>> -> memref<10240x64xf32, #tpu.memory_space<vmem_shared>>
      tpu.enqueue_indirect_dma source(%arg14 : memref<80x64xf32, #tpu.memory_space<vmem>>) target(%dma_start3A_213 : memref<10240x64xf32, #tpu.memory_space<vmem_shared>>) offsets(%dma_start3A_210 : memref<80xi32, #tpu.memory_space<vmem>>) semaphore(%arg26 : memref<!tpu.dma_semaphore, #tpu.memory_space<semaphore_mem>>) {add = true}
      %dma_wait3A_214 = arith.constant 0 : i32
      %dma_wait3A_215 = arith.constant 0 : i32
      %dma_wait3A_216 = tpu.memref_slice %arg9[%dma_wait3A_214, %dma_wait3A_215] : memref<250x80xi32, #tpu.memory_space<vmem>> -> memref<1x80xi32, #tpu.memory_space<vmem>>
      %dma_wait3A_217 = tpu.memref_squeeze %dma_wait3A_216 : memref<1x80xi32, #tpu.memory_space<vmem>> -> memref<80xi32, #tpu.memory_space<vmem>>
      %dma_wait3A_218 = arith.constant 0 : i32
      %dma_wait3A_219 = arith.constant 0 : i32
      %dma_wait3A_220 = tpu.memref_slice %arg2[%dma_wait3A_218, %dma_wait3A_219] : memref<20000x64xf32, #tpu.memory_space<hbm>> -> memref<20000x64xf32, #tpu.memory_space<hbm>>
      tpu.wait_indirect_dma semaphore(%arg22 : memref<!tpu.dma_semaphore, #tpu.memory_space<semaphore_mem>>) src(%dma_wait3A_220 : memref<20000x64xf32, #tpu.memory_space<hbm>>) dst(%arg15 : memref<80x64xf32, #tpu.memory_space<vmem>>)
      %add3A_221 = arith.constant 4 : i32
      %add3A_222 = arith.addi %mul3A_153, %add3A_221 : i32
      %dma_start3A_223 = arith.constant 0 : i32
      %dma_start3A_224 = tpu.memref_slice %arg10[%add3A_222, %dma_start3A_223] : memref<250x80xi32, #tpu.memory_space<vmem>> -> memref<1x80xi32, #tpu.memory_space<vmem>>
      %dma_start3A_225 = tpu.memref_squeeze %dma_start3A_224 : memref<1x80xi32, #tpu.memory_space<vmem>> -> memref<80xi32, #tpu.memory_space<vmem>>
      %dma_start3A_226 = arith.constant 0 : i32
      %dma_start3A_227 = arith.constant 0 : i32
      %dma_start3A_228 = tpu.memref_slice %arg17[%dma_start3A_226, %dma_start3A_227] : memref<10240x64xf32, #tpu.memory_space<vmem_shared>> -> memref<10240x64xf32, #tpu.memory_space<vmem_shared>>
      tpu.enqueue_indirect_dma source(%arg15 : memref<80x64xf32, #tpu.memory_space<vmem>>) target(%dma_start3A_228 : memref<10240x64xf32, #tpu.memory_space<vmem_shared>>) offsets(%dma_start3A_225 : memref<80xi32, #tpu.memory_space<vmem>>) semaphore(%arg27 : memref<!tpu.dma_semaphore, #tpu.memory_space<semaphore_mem>>) {add = true}
      %mul3A_229 = arith.constant 125 : i32
      %mul3A_230 = arith.muli %arg0, %mul3A_229 : i32
      %mul3A_231 = arith.constant 2 : i32
      %mul3A_232 = arith.muli %mul3A_231, %scan3A_151 : i32
      %add3A_233 = arith.addi %mul3A_230, %mul3A_232 : i32
      %add3A_234 = arith.constant 0 : i32
      %add3A_235 = arith.addi %add3A_233, %add3A_234 : i32
      %dma_start3A_236 = arith.constant 0 : i32
      %dma_start3A_237 = tpu.memref_slice %arg10[%add3A_235, %dma_start3A_236] : memref<250x80xi32, #tpu.memory_space<vmem>> -> memref<1x80xi32, #tpu.memory_space<vmem>>
      %dma_start3A_238 = tpu.memref_squeeze %dma_start3A_237 : memref<1x80xi32, #tpu.memory_space<vmem>> -> memref<80xi32, #tpu.memory_space<vmem>>
      %dma_start3A_239 = arith.constant 0 : i32
      %dma_start3A_240 = arith.constant 0 : i32
      %dma_start3A_241 = tpu.memref_slice %arg30[%dma_start3A_239, %dma_start3A_240] : memref<10240x8xf32, #tpu.memory_space<vmem_shared>> -> memref<10240x8xf32, #tpu.memory_space<vmem_shared>>
      tpu.enqueue_indirect_dma source(%arg28 : memref<80x8xf32, #tpu.memory_space<vmem>>) target(%dma_start3A_241 : memref<10240x8xf32, #tpu.memory_space<vmem_shared>>) offsets(%dma_start3A_238 : memref<80xi32, #tpu.memory_space<vmem>>) semaphore(%arg31 : memref<!tpu.dma_semaphore, #tpu.memory_space<semaphore_mem>>) {add = true}
      %mul3A_242 = arith.constant 125 : i32
      %mul3A_243 = arith.muli %arg0, %mul3A_242 : i32
      %mul3A_244 = arith.constant 2 : i32
      %mul3A_245 = arith.muli %mul3A_244, %scan3A_151 : i32
      %add3A_246 = arith.addi %mul3A_243, %mul3A_245 : i32
      %add3A_247 = arith.constant 1 : i32
      %add3A_248 = arith.addi %add3A_246, %add3A_247 : i32
      %dma_start3A_249 = arith.constant 0 : i32
      %dma_start3A_250 = tpu.memref_slice %arg10[%add3A_248, %dma_start3A_249] : memref<250x80xi32, #tpu.memory_space<vmem>> -> memref<1x80xi32, #tpu.memory_space<vmem>>
      %dma_start3A_251 = tpu.memref_squeeze %dma_start3A_250 : memref<1x80xi32, #tpu.memory_space<vmem>> -> memref<80xi32, #tpu.memory_space<vmem>>
      %dma_start3A_252 = arith.constant 0 : i32
      %dma_start3A_253 = arith.constant 0 : i32
      %dma_start3A_254 = tpu.memref_slice %arg30[%dma_start3A_252, %dma_start3A_253] : memref<10240x8xf32, #tpu.memory_space<vmem_shared>> -> memref<10240x8xf32, #tpu.memory_space<vmem_shared>>
      tpu.enqueue_indirect_dma source(%arg28 : memref<80x8xf32, #tpu.memory_space<vmem>>) target(%dma_start3A_254 : memref<10240x8xf32, #tpu.memory_space<vmem_shared>>) offsets(%dma_start3A_251 : memref<80xi32, #tpu.memory_space<vmem>>) semaphore(%arg31 : memref<!tpu.dma_semaphore, #tpu.memory_space<semaphore_mem>>) {add = true}
      %add3A_255 = arith.constant 5 : i32
      %add3A_256 = arith.addi %mul3A_153, %add3A_255 : i32
      %add3A_257 = arith.constant 0 : i32
      %add3A_258 = arith.addi %add3A_256, %add3A_257 : i32
      %min3A = arith.constant 249 : i32
      %min3A_259 = arith.minsi %add3A_258, %min3A : i32
      %dma_wait3A_260 = arith.constant 0 : i32
      %dma_wait3A_261 = arith.constant 0 : i32
      %dma_wait3A_262 = tpu.memref_slice %arg10[%dma_wait3A_260, %dma_wait3A_261] : memref<250x80xi32, #tpu.memory_space<vmem>> -> memref<1x80xi32, #tpu.memory_space<vmem>>
      %dma_wait3A_263 = tpu.memref_squeeze %dma_wait3A_262 : memref<1x80xi32, #tpu.memory_space<vmem>> -> memref<80xi32, #tpu.memory_space<vmem>>
      %dma_wait3A_264 = arith.constant 0 : i32
      %dma_wait3A_265 = arith.constant 0 : i32
      %dma_wait3A_266 = tpu.memref_slice %arg17[%dma_wait3A_264, %dma_wait3A_265] : memref<10240x64xf32, #tpu.memory_space<vmem_shared>> -> memref<10240x64xf32, #tpu.memory_space<vmem_shared>>
      tpu.wait_indirect_dma semaphore(%arg23 : memref<!tpu.dma_semaphore, #tpu.memory_space<semaphore_mem>>) src(%arg11 : memref<80x64xf32, #tpu.memory_space<vmem>>) dst(%dma_wait3A_266 : memref<10240x64xf32, #tpu.memory_space<vmem_shared>>)
      %dma_start3A_267 = arith.constant 0 : i32
      %dma_start3A_268 = tpu.memref_slice %arg9[%min3A_259, %dma_start3A_267] : memref<250x80xi32, #tpu.memory_space<vmem>> -> memref<1x80xi32, #tpu.memory_space<vmem>>
      %dma_start3A_269 = tpu.memref_squeeze %dma_start3A_268 : memref<1x80xi32, #tpu.memory_space<vmem>> -> memref<80xi32, #tpu.memory_space<vmem>>
      %dma_start3A_270 = arith.constant 0 : i32
      %dma_start3A_271 = arith.constant 0 : i32
      %dma_start3A_272 = tpu.memref_slice %arg2[%dma_start3A_270, %dma_start3A_271] : memref<20000x64xf32, #tpu.memory_space<hbm>> -> memref<20000x64xf32, #tpu.memory_space<hbm>>
      tpu.enqueue_indirect_dma source(%dma_start3A_272 : memref<20000x64xf32, #tpu.memory_space<hbm>>) target(%arg11 : memref<80x64xf32, #tpu.memory_space<vmem>>) offsets(%dma_start3A_269 : memref<80xi32, #tpu.memory_space<vmem>>) semaphore(%arg18 : memref<!tpu.dma_semaphore, #tpu.memory_space<semaphore_mem>>)
      %add3A_273 = arith.constant 5 : i32
      %add3A_274 = arith.addi %mul3A_153, %add3A_273 : i32
      %add3A_275 = arith.constant 1 : i32
      %add3A_276 = arith.addi %add3A_274, %add3A_275 : i32
      %min3A_277 = arith.constant 249 : i32
      %min3A_278 = arith.minsi %add3A_276, %min3A_277 : i32
      %dma_wait3A_279 = arith.constant 0 : i32
      %dma_wait3A_280 = arith.constant 0 : i32
      %dma_wait3A_281 = tpu.memref_slice %arg10[%dma_wait3A_279, %dma_wait3A_280] : memref<250x80xi32, #tpu.memory_space<vmem>> -> memref<1x80xi32, #tpu.memory_space<vmem>>
      %dma_wait3A_282 = tpu.memref_squeeze %dma_wait3A_281 : memref<1x80xi32, #tpu.memory_space<vmem>> -> memref<80xi32, #tpu.memory_space<vmem>>
      %dma_wait3A_283 = arith.constant 0 : i32
      %dma_wait3A_284 = arith.constant 0 : i32
      %dma_wait3A_285 = tpu.memref_slice %arg17[%dma_wait3A_283, %dma_wait3A_284] : memref<10240x64xf32, #tpu.memory_space<vmem_shared>> -> memref<10240x64xf32, #tpu.memory_space<vmem_shared>>
      tpu.wait_indirect_dma semaphore(%arg24 : memref<!tpu.dma_semaphore, #tpu.memory_space<semaphore_mem>>) src(%arg12 : memref<80x64xf32, #tpu.memory_space<vmem>>) dst(%dma_wait3A_285 : memref<10240x64xf32, #tpu.memory_space<vmem_shared>>)
      %dma_start3A_286 = arith.constant 0 : i32
      %dma_start3A_287 = tpu.memref_slice %arg9[%min3A_278, %dma_start3A_286] : memref<250x80xi32, #tpu.memory_space<vmem>> -> memref<1x80xi32, #tpu.memory_space<vmem>>
      %dma_start3A_288 = tpu.memref_squeeze %dma_start3A_287 : memref<1x80xi32, #tpu.memory_space<vmem>> -> memref<80xi32, #tpu.memory_space<vmem>>
      %dma_start3A_289 = arith.constant 0 : i32
      %dma_start3A_290 = arith.constant 0 : i32
      %dma_start3A_291 = tpu.memref_slice %arg2[%dma_start3A_289, %dma_start3A_290] : memref<20000x64xf32, #tpu.memory_space<hbm>> -> memref<20000x64xf32, #tpu.memory_space<hbm>>
      tpu.enqueue_indirect_dma source(%dma_start3A_291 : memref<20000x64xf32, #tpu.memory_space<hbm>>) target(%arg12 : memref<80x64xf32, #tpu.memory_space<vmem>>) offsets(%dma_start3A_288 : memref<80xi32, #tpu.memory_space<vmem>>) semaphore(%arg19 : memref<!tpu.dma_semaphore, #tpu.memory_space<semaphore_mem>>)
      %add3A_292 = arith.constant 5 : i32
      %add3A_293 = arith.addi %mul3A_153, %add3A_292 : i32
      %add3A_294 = arith.constant 2 : i32
      %add3A_295 = arith.addi %add3A_293, %add3A_294 : i32
      %min3A_296 = arith.constant 249 : i32
      %min3A_297 = arith.minsi %add3A_295, %min3A_296 : i32
      %dma_wait3A_298 = arith.constant 0 : i32
      %dma_wait3A_299 = arith.constant 0 : i32
      %dma_wait3A_300 = tpu.memref_slice %arg10[%dma_wait3A_298, %dma_wait3A_299] : memref<250x80xi32, #tpu.memory_space<vmem>> -> memref<1x80xi32, #tpu.memory_space<vmem>>
      %dma_wait3A_301 = tpu.memref_squeeze %dma_wait3A_300 : memref<1x80xi32, #tpu.memory_space<vmem>> -> memref<80xi32, #tpu.memory_space<vmem>>
      %dma_wait3A_302 = arith.constant 0 : i32
      %dma_wait3A_303 = arith.constant 0 : i32
      %dma_wait3A_304 = tpu.memref_slice %arg17[%dma_wait3A_302, %dma_wait3A_303] : memref<10240x64xf32, #tpu.memory_space<vmem_shared>> -> memref<10240x64xf32, #tpu.memory_space<vmem_shared>>
      tpu.wait_indirect_dma semaphore(%arg25 : memref<!tpu.dma_semaphore, #tpu.memory_space<semaphore_mem>>) src(%arg13 : memref<80x64xf32, #tpu.memory_space<vmem>>) dst(%dma_wait3A_304 : memref<10240x64xf32, #tpu.memory_space<vmem_shared>>)
      %dma_start3A_305 = arith.constant 0 : i32
      %dma_start3A_306 = tpu.memref_slice %arg9[%min3A_297, %dma_start3A_305] : memref<250x80xi32, #tpu.memory_space<vmem>> -> memref<1x80xi32, #tpu.memory_space<vmem>>
      %dma_start3A_307 = tpu.memref_squeeze %dma_start3A_306 : memref<1x80xi32, #tpu.memory_space<vmem>> -> memref<80xi32, #tpu.memory_space<vmem>>
      %dma_start3A_308 = arith.constant 0 : i32
      %dma_start3A_309 = arith.constant 0 : i32
      %dma_start3A_310 = tpu.memref_slice %arg2[%dma_start3A_308, %dma_start3A_309] : memref<20000x64xf32, #tpu.memory_space<hbm>> -> memref<20000x64xf32, #tpu.memory_space<hbm>>
      tpu.enqueue_indirect_dma source(%dma_start3A_310 : memref<20000x64xf32, #tpu.memory_space<hbm>>) target(%arg13 : memref<80x64xf32, #tpu.memory_space<vmem>>) offsets(%dma_start3A_307 : memref<80xi32, #tpu.memory_space<vmem>>) semaphore(%arg20 : memref<!tpu.dma_semaphore, #tpu.memory_space<semaphore_mem>>)
      %add3A_311 = arith.constant 5 : i32
      %add3A_312 = arith.addi %mul3A_153, %add3A_311 : i32
      %add3A_313 = arith.constant 3 : i32
      %add3A_314 = arith.addi %add3A_312, %add3A_313 : i32
      %min3A_315 = arith.constant 249 : i32
      %min3A_316 = arith.minsi %add3A_314, %min3A_315 : i32
      %dma_wait3A_317 = arith.constant 0 : i32
      %dma_wait3A_318 = arith.constant 0 : i32
      %dma_wait3A_319 = tpu.memref_slice %arg10[%dma_wait3A_317, %dma_wait3A_318] : memref<250x80xi32, #tpu.memory_space<vmem>> -> memref<1x80xi32, #tpu.memory_space<vmem>>
      %dma_wait3A_320 = tpu.memref_squeeze %dma_wait3A_319 : memref<1x80xi32, #tpu.memory_space<vmem>> -> memref<80xi32, #tpu.memory_space<vmem>>
      %dma_wait3A_321 = arith.constant 0 : i32
      %dma_wait3A_322 = arith.constant 0 : i32
      %dma_wait3A_323 = tpu.memref_slice %arg17[%dma_wait3A_321, %dma_wait3A_322] : memref<10240x64xf32, #tpu.memory_space<vmem_shared>> -> memref<10240x64xf32, #tpu.memory_space<vmem_shared>>
      tpu.wait_indirect_dma semaphore(%arg26 : memref<!tpu.dma_semaphore, #tpu.memory_space<semaphore_mem>>) src(%arg14 : memref<80x64xf32, #tpu.memory_space<vmem>>) dst(%dma_wait3A_323 : memref<10240x64xf32, #tpu.memory_space<vmem_shared>>)
      %dma_start3A_324 = arith.constant 0 : i32
      %dma_start3A_325 = tpu.memref_slice %arg9[%min3A_316, %dma_start3A_324] : memref<250x80xi32, #tpu.memory_space<vmem>> -> memref<1x80xi32, #tpu.memory_space<vmem>>
      %dma_start3A_326 = tpu.memref_squeeze %dma_start3A_325 : memref<1x80xi32, #tpu.memory_space<vmem>> -> memref<80xi32, #tpu.memory_space<vmem>>
      %dma_start3A_327 = arith.constant 0 : i32
      %dma_start3A_328 = arith.constant 0 : i32
      %dma_start3A_329 = tpu.memref_slice %arg2[%dma_start3A_327, %dma_start3A_328] : memref<20000x64xf32, #tpu.memory_space<hbm>> -> memref<20000x64xf32, #tpu.memory_space<hbm>>
      tpu.enqueue_indirect_dma source(%dma_start3A_329 : memref<20000x64xf32, #tpu.memory_space<hbm>>) target(%arg14 : memref<80x64xf32, #tpu.memory_space<vmem>>) offsets(%dma_start3A_326 : memref<80xi32, #tpu.memory_space<vmem>>) semaphore(%arg21 : memref<!tpu.dma_semaphore, #tpu.memory_space<semaphore_mem>>)
      %add3A_330 = arith.constant 5 : i32
      %add3A_331 = arith.addi %mul3A_153, %add3A_330 : i32
      %add3A_332 = arith.constant 4 : i32
      %add3A_333 = arith.addi %add3A_331, %add3A_332 : i32
      %min3A_334 = arith.constant 249 : i32
      %min3A_335 = arith.minsi %add3A_333, %min3A_334 : i32
      %dma_wait3A_336 = arith.constant 0 : i32
      %dma_wait3A_337 = arith.constant 0 : i32
      %dma_wait3A_338 = tpu.memref_slice %arg10[%dma_wait3A_336, %dma_wait3A_337] : memref<250x80xi32, #tpu.memory_space<vmem>> -> memref<1x80xi32, #tpu.memory_space<vmem>>
      %dma_wait3A_339 = tpu.memref_squeeze %dma_wait3A_338 : memref<1x80xi32, #tpu.memory_space<vmem>> -> memref<80xi32, #tpu.memory_space<vmem>>
      %dma_wait3A_340 = arith.constant 0 : i32
      %dma_wait3A_341 = arith.constant 0 : i32
      %dma_wait3A_342 = tpu.memref_slice %arg17[%dma_wait3A_340, %dma_wait3A_341] : memref<10240x64xf32, #tpu.memory_space<vmem_shared>> -> memref<10240x64xf32, #tpu.memory_space<vmem_shared>>
      tpu.wait_indirect_dma semaphore(%arg27 : memref<!tpu.dma_semaphore, #tpu.memory_space<semaphore_mem>>) src(%arg15 : memref<80x64xf32, #tpu.memory_space<vmem>>) dst(%dma_wait3A_342 : memref<10240x64xf32, #tpu.memory_space<vmem_shared>>)
      %dma_start3A_343 = arith.constant 0 : i32
      %dma_start3A_344 = tpu.memref_slice %arg9[%min3A_335, %dma_start3A_343] : memref<250x80xi32, #tpu.memory_space<vmem>> -> memref<1x80xi32, #tpu.memory_space<vmem>>
      %dma_start3A_345 = tpu.memref_squeeze %dma_start3A_344 : memref<1x80xi32, #tpu.memory_space<vmem>> -> memref<80xi32, #tpu.memory_space<vmem>>
      %dma_start3A_346 = arith.constant 0 : i32
      %dma_start3A_347 = arith.constant 0 : i32
      %dma_start3A_348 = tpu.memref_slice %arg2[%dma_start3A_346, %dma_start3A_347] : memref<20000x64xf32, #tpu.memory_space<hbm>> -> memref<20000x64xf32, #tpu.memory_space<hbm>>
      tpu.enqueue_indirect_dma source(%dma_start3A_348 : memref<20000x64xf32, #tpu.memory_space<hbm>>) target(%arg15 : memref<80x64xf32, #tpu.memory_space<vmem>>) offsets(%dma_start3A_345 : memref<80xi32, #tpu.memory_space<vmem>>) semaphore(%arg22 : memref<!tpu.dma_semaphore, #tpu.memory_space<semaphore_mem>>)
    }
    %scan3A_83 = arith.constant 50 : i32
    %scan3A_84 = arith.constant 0 : i32
    %scan3A_85 = arith.constant 0 : i32
    %scan3A_86 = arith.constant 25 : i32
    %scan3A_87 = arith.addi %scan3A_85, %scan3A_86 : i32
    %scan3A_88 = arith.constant 1 : i32
    scf.for %scan3A_151 = %scan3A_85 to %scan3A_87 step %scan3A_88  : i32 {
      %mul3A_152 = arith.constant 125 : i32
      %mul3A_153 = arith.muli %arg0, %mul3A_152 : i32
      %add3A_154 = arith.constant 100 : i32
      %add3A_155 = arith.addi %mul3A_153, %add3A_154 : i32
      %add3A_156 = arith.addi %add3A_155, %scan3A_151 : i32
      %dma_start3A_157 = arith.constant 0 : i32
      %dma_start3A_158 = tpu.memref_slice %arg10[%add3A_156, %dma_start3A_157] : memref<250x80xi32, #tpu.memory_space<vmem>> -> memref<1x80xi32, #tpu.memory_space<vmem>>
      %dma_start3A_159 = tpu.memref_squeeze %dma_start3A_158 : memref<1x80xi32, #tpu.memory_space<vmem>> -> memref<80xi32, #tpu.memory_space<vmem>>
      %dma_start3A_160 = arith.constant 0 : i32
      %dma_start3A_161 = arith.constant 0 : i32
      %dma_start3A_162 = tpu.memref_slice %arg30[%dma_start3A_160, %dma_start3A_161] : memref<10240x8xf32, #tpu.memory_space<vmem_shared>> -> memref<10240x8xf32, #tpu.memory_space<vmem_shared>>
      tpu.enqueue_indirect_dma source(%arg28 : memref<80x8xf32, #tpu.memory_space<vmem>>) target(%dma_start3A_162 : memref<10240x8xf32, #tpu.memory_space<vmem_shared>>) offsets(%dma_start3A_159 : memref<80xi32, #tpu.memory_space<vmem>>) semaphore(%arg31 : memref<!tpu.dma_semaphore, #tpu.memory_space<semaphore_mem>>) {add = true}
    }
    %scan3A_89 = arith.constant 25 : i32
    %dma_wait3A = arith.constant 0 : i32
    %dma_wait3A_90 = arith.constant 0 : i32
    %dma_wait3A_91 = tpu.memref_slice %arg9[%dma_wait3A, %dma_wait3A_90] : memref<250x80xi32, #tpu.memory_space<vmem>> -> memref<1x80xi32, #tpu.memory_space<vmem>>
    %dma_wait3A_92 = tpu.memref_squeeze %dma_wait3A_91 : memref<1x80xi32, #tpu.memory_space<vmem>> -> memref<80xi32, #tpu.memory_space<vmem>>
    %dma_wait3A_93 = arith.constant 0 : i32
    %dma_wait3A_94 = arith.constant 0 : i32
    %dma_wait3A_95 = tpu.memref_slice %arg2[%dma_wait3A_93, %dma_wait3A_94] : memref<20000x64xf32, #tpu.memory_space<hbm>> -> memref<20000x64xf32, #tpu.memory_space<hbm>>
    tpu.wait_indirect_dma semaphore(%arg18 : memref<!tpu.dma_semaphore, #tpu.memory_space<semaphore_mem>>) src(%dma_wait3A_95 : memref<20000x64xf32, #tpu.memory_space<hbm>>) dst(%arg11 : memref<80x64xf32, #tpu.memory_space<vmem>>)
    %dma_wait3A_96 = arith.constant 0 : i32
    %dma_wait3A_97 = arith.constant 0 : i32
    %dma_wait3A_98 = tpu.memref_slice %arg9[%dma_wait3A_96, %dma_wait3A_97] : memref<250x80xi32, #tpu.memory_space<vmem>> -> memref<1x80xi32, #tpu.memory_space<vmem>>
    %dma_wait3A_99 = tpu.memref_squeeze %dma_wait3A_98 : memref<1x80xi32, #tpu.memory_space<vmem>> -> memref<80xi32, #tpu.memory_space<vmem>>
    %dma_wait3A_100 = arith.constant 0 : i32
    %dma_wait3A_101 = arith.constant 0 : i32
    %dma_wait3A_102 = tpu.memref_slice %arg2[%dma_wait3A_100, %dma_wait3A_101] : memref<20000x64xf32, #tpu.memory_space<hbm>> -> memref<20000x64xf32, #tpu.memory_space<hbm>>
    tpu.wait_indirect_dma semaphore(%arg19 : memref<!tpu.dma_semaphore, #tpu.memory_space<semaphore_mem>>) src(%dma_wait3A_102 : memref<20000x64xf32, #tpu.memory_space<hbm>>) dst(%arg12 : memref<80x64xf32, #tpu.memory_space<vmem>>)
    %dma_wait3A_103 = arith.constant 0 : i32
    %dma_wait3A_104 = arith.constant 0 : i32
    %dma_wait3A_105 = tpu.memref_slice %arg9[%dma_wait3A_103, %dma_wait3A_104] : memref<250x80xi32, #tpu.memory_space<vmem>> -> memref<1x80xi32, #tpu.memory_space<vmem>>
    %dma_wait3A_106 = tpu.memref_squeeze %dma_wait3A_105 : memref<1x80xi32, #tpu.memory_space<vmem>> -> memref<80xi32, #tpu.memory_space<vmem>>
    %dma_wait3A_107 = arith.constant 0 : i32
    %dma_wait3A_108 = arith.constant 0 : i32
    %dma_wait3A_109 = tpu.memref_slice %arg2[%dma_wait3A_107, %dma_wait3A_108] : memref<20000x64xf32, #tpu.memory_space<hbm>> -> memref<20000x64xf32, #tpu.memory_space<hbm>>
    tpu.wait_indirect_dma semaphore(%arg20 : memref<!tpu.dma_semaphore, #tpu.memory_space<semaphore_mem>>) src(%dma_wait3A_109 : memref<20000x64xf32, #tpu.memory_space<hbm>>) dst(%arg13 : memref<80x64xf32, #tpu.memory_space<vmem>>)
    %dma_wait3A_110 = arith.constant 0 : i32
    %dma_wait3A_111 = arith.constant 0 : i32
    %dma_wait3A_112 = tpu.memref_slice %arg9[%dma_wait3A_110, %dma_wait3A_111] : memref<250x80xi32, #tpu.memory_space<vmem>> -> memref<1x80xi32, #tpu.memory_space<vmem>>
    %dma_wait3A_113 = tpu.memref_squeeze %dma_wait3A_112 : memref<1x80xi32, #tpu.memory_space<vmem>> -> memref<80xi32, #tpu.memory_space<vmem>>
    %dma_wait3A_114 = arith.constant 0 : i32
    %dma_wait3A_115 = arith.constant 0 : i32
    %dma_wait3A_116 = tpu.memref_slice %arg2[%dma_wait3A_114, %dma_wait3A_115] : memref<20000x64xf32, #tpu.memory_space<hbm>> -> memref<20000x64xf32, #tpu.memory_space<hbm>>
    tpu.wait_indirect_dma semaphore(%arg21 : memref<!tpu.dma_semaphore, #tpu.memory_space<semaphore_mem>>) src(%dma_wait3A_116 : memref<20000x64xf32, #tpu.memory_space<hbm>>) dst(%arg14 : memref<80x64xf32, #tpu.memory_space<vmem>>)
    %dma_wait3A_117 = arith.constant 0 : i32
    %dma_wait3A_118 = arith.constant 0 : i32
    %dma_wait3A_119 = tpu.memref_slice %arg9[%dma_wait3A_117, %dma_wait3A_118] : memref<250x80xi32, #tpu.memory_space<vmem>> -> memref<1x80xi32, #tpu.memory_space<vmem>>
    %dma_wait3A_120 = tpu.memref_squeeze %dma_wait3A_119 : memref<1x80xi32, #tpu.memory_space<vmem>> -> memref<80xi32, #tpu.memory_space<vmem>>
    %dma_wait3A_121 = arith.constant 0 : i32
    %dma_wait3A_122 = arith.constant 0 : i32
    %dma_wait3A_123 = tpu.memref_slice %arg2[%dma_wait3A_121, %dma_wait3A_122] : memref<20000x64xf32, #tpu.memory_space<hbm>> -> memref<20000x64xf32, #tpu.memory_space<hbm>>
    tpu.wait_indirect_dma semaphore(%arg22 : memref<!tpu.dma_semaphore, #tpu.memory_space<semaphore_mem>>) src(%dma_wait3A_123 : memref<20000x64xf32, #tpu.memory_space<hbm>>) dst(%arg15 : memref<80x64xf32, #tpu.memory_space<vmem>>)
    %scan3A_124 = arith.constant 0 : i32
    %scan3A_125 = arith.constant 0 : i32
    %scan3A_126 = arith.constant 125 : i32
    %scan3A_127 = arith.addi %scan3A_125, %scan3A_126 : i32
    %scan3A_128 = arith.constant 1 : i32
    scf.for %scan3A_151 = %scan3A_125 to %scan3A_127 step %scan3A_128  : i32 {
      %dma_wait3A_152 = arith.constant 0 : i32
      %dma_wait3A_153 = arith.constant 0 : i32
      %dma_wait3A_154 = tpu.memref_slice %arg10[%dma_wait3A_152, %dma_wait3A_153] : memref<250x80xi32, #tpu.memory_space<vmem>> -> memref<1x80xi32, #tpu.memory_space<vmem>>
      %dma_wait3A_155 = tpu.memref_squeeze %dma_wait3A_154 : memref<1x80xi32, #tpu.memory_space<vmem>> -> memref<80xi32, #tpu.memory_space<vmem>>
      %dma_wait3A_156 = arith.constant 0 : i32
      %dma_wait3A_157 = arith.constant 0 : i32
      %dma_wait3A_158 = tpu.memref_slice %arg30[%dma_wait3A_156, %dma_wait3A_157] : memref<10240x8xf32, #tpu.memory_space<vmem_shared>> -> memref<10240x8xf32, #tpu.memory_space<vmem_shared>>
      tpu.wait_indirect_dma semaphore(%arg31 : memref<!tpu.dma_semaphore, #tpu.memory_space<semaphore_mem>>) src(%arg28 : memref<80x8xf32, #tpu.memory_space<vmem>>) dst(%dma_wait3A_158 : memref<10240x8xf32, #tpu.memory_space<vmem_shared>>)
    }
    %scan3A_129 = arith.constant 125 : i32
    %barrier3A_130 = arith.constant 0 : index
    tpu.barrier barrier_id(%barrier3A_130)
    %mul3A_131 = arith.constant 640 : i32
    %mul3A_132 = arith.muli %arg1, %mul3A_131 : i32
    %add3A_133 = arith.constant 0 : i32
    %add3A_134 = arith.addi %mul3A_132, %add3A_133 : i32
    "tpu.region"() ({
      %run_scoped3A_151 = tpu.sem_alloc : memref<!tpu.dma_semaphore, #tpu.memory_space<semaphore_mem>>
      %dma_start3A_152 = arith.constant 0 : i32
      %dma_start3A_153 = tpu.memref_slice %arg17[%add3A_134, %dma_start3A_152] : memref<10240x64xf32, #tpu.memory_space<vmem_shared>> -> memref<128x64xf32, #tpu.memory_space<vmem_shared>>
      %dma_start3A_154 = arith.constant 0 : i32
      %dma_start3A_155 = tpu.memref_slice %arg17[%add3A_134, %dma_start3A_154] : memref<10240x64xf32, #tpu.memory_space<vmem_shared>> -> memref<128x64xf32, #tpu.memory_space<vmem_shared>>
      tpu.enqueue_dma source(%dma_start3A_155 : memref<128x64xf32, #tpu.memory_space<vmem_shared>>) target(%arg16 : memref<128x64xf32, #tpu.memory_space<vmem>>) target_semaphore(%run_scoped3A_151 : memref<!tpu.dma_semaphore, #tpu.memory_space<semaphore_mem>>)
      %dma_wait3A_156 = arith.constant 0 : i32
      %dma_wait3A_157 = tpu.memref_slice %arg17[%add3A_134, %dma_wait3A_156] : memref<10240x64xf32, #tpu.memory_space<vmem_shared>> -> memref<128x64xf32, #tpu.memory_space<vmem_shared>>
      %dma_wait3A_158 = arith.constant 0 : i32
      %dma_wait3A_159 = tpu.memref_slice %arg17[%add3A_134, %dma_wait3A_158] : memref<10240x64xf32, #tpu.memory_space<vmem_shared>> -> memref<128x64xf32, #tpu.memory_space<vmem_shared>>
      tpu.wait_dma2 semaphore(%run_scoped3A_151 : memref<!tpu.dma_semaphore, #tpu.memory_space<semaphore_mem>>) src(%dma_wait3A_159 : memref<128x64xf32, #tpu.memory_space<vmem_shared>>) dst(%arg16 : memref<128x64xf32, #tpu.memory_space<vmem>>)
      tpu.yield
    }) : () -> ()
    "tpu.region"() ({
      %run_scoped3A_151 = tpu.sem_alloc : memref<!tpu.dma_semaphore, #tpu.memory_space<semaphore_mem>>
      %dma_start3A_152 = arith.constant 0 : i32
      %dma_start3A_153 = tpu.memref_slice %arg7[%arg0, %add3A_134, %dma_start3A_152] : memref<2x10240x64xf32, #tpu.memory_space<hbm>> -> memref<1x128x64xf32, #tpu.memory_space<hbm>>
      %dma_start3A_154 = tpu.memref_squeeze %dma_start3A_153 : memref<1x128x64xf32, #tpu.memory_space<hbm>> -> memref<128x64xf32, #tpu.memory_space<hbm>>
      %dma_start3A_155 = arith.constant 0 : i32
      %dma_start3A_156 = tpu.memref_slice %arg7[%arg0, %add3A_134, %dma_start3A_155] : memref<2x10240x64xf32, #tpu.memory_space<hbm>> -> memref<1x128x64xf32, #tpu.memory_space<hbm>>
      %dma_start3A_157 = tpu.memref_squeeze %dma_start3A_156 : memref<1x128x64xf32, #tpu.memory_space<hbm>> -> memref<128x64xf32, #tpu.memory_space<hbm>>
      tpu.enqueue_dma source(%arg16 : memref<128x64xf32, #tpu.memory_space<vmem>>) target(%dma_start3A_157 : memref<128x64xf32, #tpu.memory_space<hbm>>) target_semaphore(%run_scoped3A_151 : memref<!tpu.dma_semaphore, #tpu.memory_space<semaphore_mem>>)
      %dma_wait3A_158 = arith.constant 0 : i32
      %dma_wait3A_159 = tpu.memref_slice %arg7[%arg0, %add3A_134, %dma_wait3A_158] : memref<2x10240x64xf32, #tpu.memory_space<hbm>> -> memref<1x128x64xf32, #tpu.memory_space<hbm>>
      %dma_wait3A_160 = tpu.memref_squeeze %dma_wait3A_159 : memref<1x128x64xf32, #tpu.memory_space<hbm>> -> memref<128x64xf32, #tpu.memory_space<hbm>>
      %dma_wait3A_161 = arith.constant 0 : i32
      %dma_wait3A_162 = tpu.memref_slice %arg7[%arg0, %add3A_134, %dma_wait3A_161] : memref<2x10240x64xf32, #tpu.memory_space<hbm>> -> memref<1x128x64xf32, #tpu.memory_space<hbm>>
      %dma_wait3A_163 = tpu.memref_squeeze %dma_wait3A_162 : memref<1x128x64xf32, #tpu.memory_space<hbm>> -> memref<128x64xf32, #tpu.memory_space<hbm>>
      tpu.wait_dma2 semaphore(%run_scoped3A_151 : memref<!tpu.dma_semaphore, #tpu.memory_space<semaphore_mem>>) src(%arg16 : memref<128x64xf32, #tpu.memory_space<vmem>>) dst(%dma_wait3A_163 : memref<128x64xf32, #tpu.memory_space<hbm>>)
      tpu.yield
    }) : () -> ()
    "tpu.region"() ({
      %run_scoped3A_151 = tpu.sem_alloc : memref<!tpu.dma_semaphore, #tpu.memory_space<semaphore_mem>>
      %dma_start3A_152 = arith.constant 0 : i32
      %dma_start3A_153 = tpu.memref_slice %arg30[%add3A_134, %dma_start3A_152] : memref<10240x8xf32, #tpu.memory_space<vmem_shared>> -> memref<128x8xf32, #tpu.memory_space<vmem_shared>>
      %dma_start3A_154 = arith.constant 0 : i32
      %dma_start3A_155 = tpu.memref_slice %arg30[%add3A_134, %dma_start3A_154] : memref<10240x8xf32, #tpu.memory_space<vmem_shared>> -> memref<128x8xf32, #tpu.memory_space<vmem_shared>>
      tpu.enqueue_dma source(%dma_start3A_155 : memref<128x8xf32, #tpu.memory_space<vmem_shared>>) target(%arg29 : memref<128x8xf32, #tpu.memory_space<vmem>>) target_semaphore(%run_scoped3A_151 : memref<!tpu.dma_semaphore, #tpu.memory_space<semaphore_mem>>)
      %dma_wait3A_156 = arith.constant 0 : i32
      %dma_wait3A_157 = tpu.memref_slice %arg30[%add3A_134, %dma_wait3A_156] : memref<10240x8xf32, #tpu.memory_space<vmem_shared>> -> memref<128x8xf32, #tpu.memory_space<vmem_shared>>
      %dma_wait3A_158 = arith.constant 0 : i32
      %dma_wait3A_159 = tpu.memref_slice %arg30[%add3A_134, %dma_wait3A_158] : memref<10240x8xf32, #tpu.memory_space<vmem_shared>> -> memref<128x8xf32, #tpu.memory_space<vmem_shared>>
      tpu.wait_dma2 semaphore(%run_scoped3A_151 : memref<!tpu.dma_semaphore, #tpu.memory_space<semaphore_mem>>) src(%dma_wait3A_159 : memref<128x8xf32, #tpu.memory_space<vmem_shared>>) dst(%arg29 : memref<128x8xf32, #tpu.memory_space<vmem>>)
      tpu.yield
    }) : () -> ()
    "tpu.region"() ({
      %run_scoped3A_151 = tpu.sem_alloc : memref<!tpu.dma_semaphore, #tpu.memory_space<semaphore_mem>>
      %dma_start3A_152 = arith.constant 0 : i32
      %dma_start3A_153 = tpu.memref_slice %arg8[%arg0, %add3A_134, %dma_start3A_152] : memref<2x10240x8xf32, #tpu.memory_space<hbm>> -> memref<1x128x8xf32, #tpu.memory_space<hbm>>
      %dma_start3A_154 = tpu.memref_squeeze %dma_start3A_153 : memref<1x128x8xf32, #tpu.memory_space<hbm>> -> memref<128x8xf32, #tpu.memory_space<hbm>>
      %dma_start3A_155 = arith.constant 0 : i32
      %dma_start3A_156 = tpu.memref_slice %arg8[%arg0, %add3A_134, %dma_start3A_155] : memref<2x10240x8xf32, #tpu.memory_space<hbm>> -> memref<1x128x8xf32, #tpu.memory_space<hbm>>
      %dma_start3A_157 = tpu.memref_squeeze %dma_start3A_156 : memref<1x128x8xf32, #tpu.memory_space<hbm>> -> memref<128x8xf32, #tpu.memory_space<hbm>>
      tpu.enqueue_dma source(%arg29 : memref<128x8xf32, #tpu.memory_space<vmem>>) target(%dma_start3A_157 : memref<128x8xf32, #tpu.memory_space<hbm>>) target_semaphore(%run_scoped3A_151 : memref<!tpu.dma_semaphore, #tpu.memory_space<semaphore_mem>>)
      %dma_wait3A_158 = arith.constant 0 : i32
      %dma_wait3A_159 = tpu.memref_slice %arg8[%arg0, %add3A_134, %dma_wait3A_158] : memref<2x10240x8xf32, #tpu.memory_space<hbm>> -> memref<1x128x8xf32, #tpu.memory_space<hbm>>
      %dma_wait3A_160 = tpu.memref_squeeze %dma_wait3A_159 : memref<1x128x8xf32, #tpu.memory_space<hbm>> -> memref<128x8xf32, #tpu.memory_space<hbm>>
      %dma_wait3A_161 = arith.constant 0 : i32
      %dma_wait3A_162 = tpu.memref_slice %arg8[%arg0, %add3A_134, %dma_wait3A_161] : memref<2x10240x8xf32, #tpu.memory_space<hbm>> -> memref<1x128x8xf32, #tpu.memory_space<hbm>>
      %dma_wait3A_163 = tpu.memref_squeeze %dma_wait3A_162 : memref<1x128x8xf32, #tpu.memory_space<hbm>> -> memref<128x8xf32, #tpu.memory_space<hbm>>
      tpu.wait_dma2 semaphore(%run_scoped3A_151 : memref<!tpu.dma_semaphore, #tpu.memory_space<semaphore_mem>>) src(%arg29 : memref<128x8xf32, #tpu.memory_space<vmem>>) dst(%dma_wait3A_163 : memref<128x8xf32, #tpu.memory_space<hbm>>)
      tpu.yield
    }) : () -> ()
    %mul3A_135 = arith.constant 640 : i32
    %mul3A_136 = arith.muli %arg1, %mul3A_135 : i32
    %add3A_137 = arith.constant 128 : i32
    %add3A_138 = arith.addi %mul3A_136, %add3A_137 : i32
    "tpu.region"() ({
      %run_scoped3A_151 = tpu.sem_alloc : memref<!tpu.dma_semaphore, #tpu.memory_space<semaphore_mem>>
      %dma_start3A_152 = arith.constant 0 : i32
      %dma_start3A_153 = tpu.memref_slice %arg17[%add3A_138, %dma_start3A_152] : memref<10240x64xf32, #tpu.memory_space<vmem_shared>> -> memref<128x64xf32, #tpu.memory_space<vmem_shared>>
      %dma_start3A_154 = arith.constant 0 : i32
      %dma_start3A_155 = tpu.memref_slice %arg17[%add3A_138, %dma_start3A_154] : memref<10240x64xf32, #tpu.memory_space<vmem_shared>> -> memref<128x64xf32, #tpu.memory_space<vmem_shared>>
      tpu.enqueue_dma source(%dma_start3A_155 : memref<128x64xf32, #tpu.memory_space<vmem_shared>>) target(%arg16 : memref<128x64xf32, #tpu.memory_space<vmem>>) target_semaphore(%run_scoped3A_151 : memref<!tpu.dma_semaphore, #tpu.memory_space<semaphore_mem>>)
      %dma_wait3A_156 = arith.constant 0 : i32
      %dma_wait3A_157 = tpu.memref_slice %arg17[%add3A_138, %dma_wait3A_156] : memref<10240x64xf32, #tpu.memory_space<vmem_shared>> -> memref<128x64xf32, #tpu.memory_space<vmem_shared>>
      %dma_wait3A_158 = arith.constant 0 : i32
      %dma_wait3A_159 = tpu.memref_slice %arg17[%add3A_138, %dma_wait3A_158] : memref<10240x64xf32, #tpu.memory_space<vmem_shared>> -> memref<128x64xf32, #tpu.memory_space<vmem_shared>>
      tpu.wait_dma2 semaphore(%run_scoped3A_151 : memref<!tpu.dma_semaphore, #tpu.memory_space<semaphore_mem>>) src(%dma_wait3A_159 : memref<128x64xf32, #tpu.memory_space<vmem_shared>>) dst(%arg16 : memref<128x64xf32, #tpu.memory_space<vmem>>)
      tpu.yield
    }) : () -> ()
    "tpu.region"() ({
      %run_scoped3A_151 = tpu.sem_alloc : memref<!tpu.dma_semaphore, #tpu.memory_space<semaphore_mem>>
      %dma_start3A_152 = arith.constant 0 : i32
      %dma_start3A_153 = tpu.memref_slice %arg7[%arg0, %add3A_138, %dma_start3A_152] : memref<2x10240x64xf32, #tpu.memory_space<hbm>> -> memref<1x128x64xf32, #tpu.memory_space<hbm>>
      %dma_start3A_154 = tpu.memref_squeeze %dma_start3A_153 : memref<1x128x64xf32, #tpu.memory_space<hbm>> -> memref<128x64xf32, #tpu.memory_space<hbm>>
      %dma_start3A_155 = arith.constant 0 : i32
      %dma_start3A_156 = tpu.memref_slice %arg7[%arg0, %add3A_138, %dma_start3A_155] : memref<2x10240x64xf32, #tpu.memory_space<hbm>> -> memref<1x128x64xf32, #tpu.memory_space<hbm>>
      %dma_start3A_157 = tpu.memref_squeeze %dma_start3A_156 : memref<1x128x64xf32, #tpu.memory_space<hbm>> -> memref<128x64xf32, #tpu.memory_space<hbm>>
      tpu.enqueue_dma source(%arg16 : memref<128x64xf32, #tpu.memory_space<vmem>>) target(%dma_start3A_157 : memref<128x64xf32, #tpu.memory_space<hbm>>) target_semaphore(%run_scoped3A_151 : memref<!tpu.dma_semaphore, #tpu.memory_space<semaphore_mem>>)
      %dma_wait3A_158 = arith.constant 0 : i32
      %dma_wait3A_159 = tpu.memref_slice %arg7[%arg0, %add3A_138, %dma_wait3A_158] : memref<2x10240x64xf32, #tpu.memory_space<hbm>> -> memref<1x128x64xf32, #tpu.memory_space<hbm>>
      %dma_wait3A_160 = tpu.memref_squeeze %dma_wait3A_159 : memref<1x128x64xf32, #tpu.memory_space<hbm>> -> memref<128x64xf32, #tpu.memory_space<hbm>>
      %dma_wait3A_161 = arith.constant 0 : i32
      %dma_wait3A_162 = tpu.memref_slice %arg7[%arg0, %add3A_138, %dma_wait3A_161] : memref<2x10240x64xf32, #tpu.memory_space<hbm>> -> memref<1x128x64xf32, #tpu.memory_space<hbm>>
      %dma_wait3A_163 = tpu.memref_squeeze %dma_wait3A_162 : memref<1x128x64xf32, #tpu.memory_space<hbm>> -> memref<128x64xf32, #tpu.memory_space<hbm>>
      tpu.wait_dma2 semaphore(%run_scoped3A_151 : memref<!tpu.dma_semaphore, #tpu.memory_space<semaphore_mem>>) src(%arg16 : memref<128x64xf32, #tpu.memory_space<vmem>>) dst(%dma_wait3A_163 : memref<128x64xf32, #tpu.memory_space<hbm>>)
      tpu.yield
    }) : () -> ()
    "tpu.region"() ({
      %run_scoped3A_151 = tpu.sem_alloc : memref<!tpu.dma_semaphore, #tpu.memory_space<semaphore_mem>>
      %dma_start3A_152 = arith.constant 0 : i32
      %dma_start3A_153 = tpu.memref_slice %arg30[%add3A_138, %dma_start3A_152] : memref<10240x8xf32, #tpu.memory_space<vmem_shared>> -> memref<128x8xf32, #tpu.memory_space<vmem_shared>>
      %dma_start3A_154 = arith.constant 0 : i32
      %dma_start3A_155 = tpu.memref_slice %arg30[%add3A_138, %dma_start3A_154] : memref<10240x8xf32, #tpu.memory_space<vmem_shared>> -> memref<128x8xf32, #tpu.memory_space<vmem_shared>>
      tpu.enqueue_dma source(%dma_start3A_155 : memref<128x8xf32, #tpu.memory_space<vmem_shared>>) target(%arg29 : memref<128x8xf32, #tpu.memory_space<vmem>>) target_semaphore(%run_scoped3A_151 : memref<!tpu.dma_semaphore, #tpu.memory_space<semaphore_mem>>)
      %dma_wait3A_156 = arith.constant 0 : i32
      %dma_wait3A_157 = tpu.memref_slice %arg30[%add3A_138, %dma_wait3A_156] : memref<10240x8xf32, #tpu.memory_space<vmem_shared>> -> memref<128x8xf32, #tpu.memory_space<vmem_shared>>
      %dma_wait3A_158 = arith.constant 0 : i32
      %dma_wait3A_159 = tpu.memref_slice %arg30[%add3A_138, %dma_wait3A_158] : memref<10240x8xf32, #tpu.memory_space<vmem_shared>> -> memref<128x8xf32, #tpu.memory_space<vmem_shared>>
      tpu.wait_dma2 semaphore(%run_scoped3A_151 : memref<!tpu.dma_semaphore, #tpu.memory_space<semaphore_mem>>) src(%dma_wait3A_159 : memref<128x8xf32, #tpu.memory_space<vmem_shared>>) dst(%arg29 : memref<128x8xf32, #tpu.memory_space<vmem>>)
      tpu.yield
    }) : () -> ()
    "tpu.region"() ({
      %run_scoped3A_151 = tpu.sem_alloc : memref<!tpu.dma_semaphore, #tpu.memory_space<semaphore_mem>>
      %dma_start3A_152 = arith.constant 0 : i32
      %dma_start3A_153 = tpu.memref_slice %arg8[%arg0, %add3A_138, %dma_start3A_152] : memref<2x10240x8xf32, #tpu.memory_space<hbm>> -> memref<1x128x8xf32, #tpu.memory_space<hbm>>
      %dma_start3A_154 = tpu.memref_squeeze %dma_start3A_153 : memref<1x128x8xf32, #tpu.memory_space<hbm>> -> memref<128x8xf32, #tpu.memory_space<hbm>>
      %dma_start3A_155 = arith.constant 0 : i32
      %dma_start3A_156 = tpu.memref_slice %arg8[%arg0, %add3A_138, %dma_start3A_155] : memref<2x10240x8xf32, #tpu.memory_space<hbm>> -> memref<1x128x8xf32, #tpu.memory_space<hbm>>
      %dma_start3A_157 = tpu.memref_squeeze %dma_start3A_156 : memref<1x128x8xf32, #tpu.memory_space<hbm>> -> memref<128x8xf32, #tpu.memory_space<hbm>>
      tpu.enqueue_dma source(%arg29 : memref<128x8xf32, #tpu.memory_space<vmem>>) target(%dma_start3A_157 : memref<128x8xf32, #tpu.memory_space<hbm>>) target_semaphore(%run_scoped3A_151 : memref<!tpu.dma_semaphore, #tpu.memory_space<semaphore_mem>>)
      %dma_wait3A_158 = arith.constant 0 : i32
      %dma_wait3A_159 = tpu.memref_slice %arg8[%arg0, %add3A_138, %dma_wait3A_158] : memref<2x10240x8xf32, #tpu.memory_space<hbm>> -> memref<1x128x8xf32, #tpu.memory_space<hbm>>
      %dma_wait3A_160 = tpu.memref_squeeze %dma_wait3A_159 : memref<1x128x8xf32, #tpu.memory_space<hbm>> -> memref<128x8xf32, #tpu.memory_space<hbm>>
      %dma_wait3A_161 = arith.constant 0 : i32
      %dma_wait3A_162 = tpu.memref_slice %arg8[%arg0, %add3A_138, %dma_wait3A_161] : memref<2x10240x8xf32, #tpu.memory_space<hbm>> -> memref<1x128x8xf32, #tpu.memory_space<hbm>>
      %dma_wait3A_163 = tpu.memref_squeeze %dma_wait3A_162 : memref<1x128x8xf32, #tpu.memory_space<hbm>> -> memref<128x8xf32, #tpu.memory_space<hbm>>
      tpu.wait_dma2 semaphore(%run_scoped3A_151 : memref<!tpu.dma_semaphore, #tpu.memory_space<semaphore_mem>>) src(%arg29 : memref<128x8xf32, #tpu.memory_space<vmem>>) dst(%dma_wait3A_163 : memref<128x8xf32, #tpu.memory_space<hbm>>)
      tpu.yield
    }) : () -> ()
    %mul3A_139 = arith.constant 640 : i32
    %mul3A_140 = arith.muli %arg1, %mul3A_139 : i32
    %add3A_141 = arith.constant 256 : i32
    %add3A_142 = arith.addi %mul3A_140, %add3A_141 : i32
    "tpu.region"() ({
      %run_scoped3A_151 = tpu.sem_alloc : memref<!tpu.dma_semaphore, #tpu.memory_space<semaphore_mem>>
      %dma_start3A_152 = arith.constant 0 : i32
      %dma_start3A_153 = tpu.memref_slice %arg17[%add3A_142, %dma_start3A_152] : memref<10240x64xf32, #tpu.memory_space<vmem_shared>> -> memref<128x64xf32, #tpu.memory_space<vmem_shared>>
      %dma_start3A_154 = arith.constant 0 : i32
      %dma_start3A_155 = tpu.memref_slice %arg17[%add3A_142, %dma_start3A_154] : memref<10240x64xf32, #tpu.memory_space<vmem_shared>> -> memref<128x64xf32, #tpu.memory_space<vmem_shared>>
      tpu.enqueue_dma source(%dma_start3A_155 : memref<128x64xf32, #tpu.memory_space<vmem_shared>>) target(%arg16 : memref<128x64xf32, #tpu.memory_space<vmem>>) target_semaphore(%run_scoped3A_151 : memref<!tpu.dma_semaphore, #tpu.memory_space<semaphore_mem>>)
      %dma_wait3A_156 = arith.constant 0 : i32
      %dma_wait3A_157 = tpu.memref_slice %arg17[%add3A_142, %dma_wait3A_156] : memref<10240x64xf32, #tpu.memory_space<vmem_shared>> -> memref<128x64xf32, #tpu.memory_space<vmem_shared>>
      %dma_wait3A_158 = arith.constant 0 : i32
      %dma_wait3A_159 = tpu.memref_slice %arg17[%add3A_142, %dma_wait3A_158] : memref<10240x64xf32, #tpu.memory_space<vmem_shared>> -> memref<128x64xf32, #tpu.memory_space<vmem_shared>>
      tpu.wait_dma2 semaphore(%run_scoped3A_151 : memref<!tpu.dma_semaphore, #tpu.memory_space<semaphore_mem>>) src(%dma_wait3A_159 : memref<128x64xf32, #tpu.memory_space<vmem_shared>>) dst(%arg16 : memref<128x64xf32, #tpu.memory_space<vmem>>)
      tpu.yield
    }) : () -> ()
    "tpu.region"() ({
      %run_scoped3A_151 = tpu.sem_alloc : memref<!tpu.dma_semaphore, #tpu.memory_space<semaphore_mem>>
      %dma_start3A_152 = arith.constant 0 : i32
      %dma_start3A_153 = tpu.memref_slice %arg7[%arg0, %add3A_142, %dma_start3A_152] : memref<2x10240x64xf32, #tpu.memory_space<hbm>> -> memref<1x128x64xf32, #tpu.memory_space<hbm>>
      %dma_start3A_154 = tpu.memref_squeeze %dma_start3A_153 : memref<1x128x64xf32, #tpu.memory_space<hbm>> -> memref<128x64xf32, #tpu.memory_space<hbm>>
      %dma_start3A_155 = arith.constant 0 : i32
      %dma_start3A_156 = tpu.memref_slice %arg7[%arg0, %add3A_142, %dma_start3A_155] : memref<2x10240x64xf32, #tpu.memory_space<hbm>> -> memref<1x128x64xf32, #tpu.memory_space<hbm>>
      %dma_start3A_157 = tpu.memref_squeeze %dma_start3A_156 : memref<1x128x64xf32, #tpu.memory_space<hbm>> -> memref<128x64xf32, #tpu.memory_space<hbm>>
      tpu.enqueue_dma source(%arg16 : memref<128x64xf32, #tpu.memory_space<vmem>>) target(%dma_start3A_157 : memref<128x64xf32, #tpu.memory_space<hbm>>) target_semaphore(%run_scoped3A_151 : memref<!tpu.dma_semaphore, #tpu.memory_space<semaphore_mem>>)
      %dma_wait3A_158 = arith.constant 0 : i32
      %dma_wait3A_159 = tpu.memref_slice %arg7[%arg0, %add3A_142, %dma_wait3A_158] : memref<2x10240x64xf32, #tpu.memory_space<hbm>> -> memref<1x128x64xf32, #tpu.memory_space<hbm>>
      %dma_wait3A_160 = tpu.memref_squeeze %dma_wait3A_159 : memref<1x128x64xf32, #tpu.memory_space<hbm>> -> memref<128x64xf32, #tpu.memory_space<hbm>>
      %dma_wait3A_161 = arith.constant 0 : i32
      %dma_wait3A_162 = tpu.memref_slice %arg7[%arg0, %add3A_142, %dma_wait3A_161] : memref<2x10240x64xf32, #tpu.memory_space<hbm>> -> memref<1x128x64xf32, #tpu.memory_space<hbm>>
      %dma_wait3A_163 = tpu.memref_squeeze %dma_wait3A_162 : memref<1x128x64xf32, #tpu.memory_space<hbm>> -> memref<128x64xf32, #tpu.memory_space<hbm>>
      tpu.wait_dma2 semaphore(%run_scoped3A_151 : memref<!tpu.dma_semaphore, #tpu.memory_space<semaphore_mem>>) src(%arg16 : memref<128x64xf32, #tpu.memory_space<vmem>>) dst(%dma_wait3A_163 : memref<128x64xf32, #tpu.memory_space<hbm>>)
      tpu.yield
    }) : () -> ()
    "tpu.region"() ({
      %run_scoped3A_151 = tpu.sem_alloc : memref<!tpu.dma_semaphore, #tpu.memory_space<semaphore_mem>>
      %dma_start3A_152 = arith.constant 0 : i32
      %dma_start3A_153 = tpu.memref_slice %arg30[%add3A_142, %dma_start3A_152] : memref<10240x8xf32, #tpu.memory_space<vmem_shared>> -> memref<128x8xf32, #tpu.memory_space<vmem_shared>>
      %dma_start3A_154 = arith.constant 0 : i32
      %dma_start3A_155 = tpu.memref_slice %arg30[%add3A_142, %dma_start3A_154] : memref<10240x8xf32, #tpu.memory_space<vmem_shared>> -> memref<128x8xf32, #tpu.memory_space<vmem_shared>>
      tpu.enqueue_dma source(%dma_start3A_155 : memref<128x8xf32, #tpu.memory_space<vmem_shared>>) target(%arg29 : memref<128x8xf32, #tpu.memory_space<vmem>>) target_semaphore(%run_scoped3A_151 : memref<!tpu.dma_semaphore, #tpu.memory_space<semaphore_mem>>)
      %dma_wait3A_156 = arith.constant 0 : i32
      %dma_wait3A_157 = tpu.memref_slice %arg30[%add3A_142, %dma_wait3A_156] : memref<10240x8xf32, #tpu.memory_space<vmem_shared>> -> memref<128x8xf32, #tpu.memory_space<vmem_shared>>
      %dma_wait3A_158 = arith.constant 0 : i32
      %dma_wait3A_159 = tpu.memref_slice %arg30[%add3A_142, %dma_wait3A_158] : memref<10240x8xf32, #tpu.memory_space<vmem_shared>> -> memref<128x8xf32, #tpu.memory_space<vmem_shared>>
      tpu.wait_dma2 semaphore(%run_scoped3A_151 : memref<!tpu.dma_semaphore, #tpu.memory_space<semaphore_mem>>) src(%dma_wait3A_159 : memref<128x8xf32, #tpu.memory_space<vmem_shared>>) dst(%arg29 : memref<128x8xf32, #tpu.memory_space<vmem>>)
      tpu.yield
    }) : () -> ()
    "tpu.region"() ({
      %run_scoped3A_151 = tpu.sem_alloc : memref<!tpu.dma_semaphore, #tpu.memory_space<semaphore_mem>>
      %dma_start3A_152 = arith.constant 0 : i32
      %dma_start3A_153 = tpu.memref_slice %arg8[%arg0, %add3A_142, %dma_start3A_152] : memref<2x10240x8xf32, #tpu.memory_space<hbm>> -> memref<1x128x8xf32, #tpu.memory_space<hbm>>
      %dma_start3A_154 = tpu.memref_squeeze %dma_start3A_153 : memref<1x128x8xf32, #tpu.memory_space<hbm>> -> memref<128x8xf32, #tpu.memory_space<hbm>>
      %dma_start3A_155 = arith.constant 0 : i32
      %dma_start3A_156 = tpu.memref_slice %arg8[%arg0, %add3A_142, %dma_start3A_155] : memref<2x10240x8xf32, #tpu.memory_space<hbm>> -> memref<1x128x8xf32, #tpu.memory_space<hbm>>
      %dma_start3A_157 = tpu.memref_squeeze %dma_start3A_156 : memref<1x128x8xf32, #tpu.memory_space<hbm>> -> memref<128x8xf32, #tpu.memory_space<hbm>>
      tpu.enqueue_dma source(%arg29 : memref<128x8xf32, #tpu.memory_space<vmem>>) target(%dma_start3A_157 : memref<128x8xf32, #tpu.memory_space<hbm>>) target_semaphore(%run_scoped3A_151 : memref<!tpu.dma_semaphore, #tpu.memory_space<semaphore_mem>>)
      %dma_wait3A_158 = arith.constant 0 : i32
      %dma_wait3A_159 = tpu.memref_slice %arg8[%arg0, %add3A_142, %dma_wait3A_158] : memref<2x10240x8xf32, #tpu.memory_space<hbm>> -> memref<1x128x8xf32, #tpu.memory_space<hbm>>
      %dma_wait3A_160 = tpu.memref_squeeze %dma_wait3A_159 : memref<1x128x8xf32, #tpu.memory_space<hbm>> -> memref<128x8xf32, #tpu.memory_space<hbm>>
      %dma_wait3A_161 = arith.constant 0 : i32
      %dma_wait3A_162 = tpu.memref_slice %arg8[%arg0, %add3A_142, %dma_wait3A_161] : memref<2x10240x8xf32, #tpu.memory_space<hbm>> -> memref<1x128x8xf32, #tpu.memory_space<hbm>>
      %dma_wait3A_163 = tpu.memref_squeeze %dma_wait3A_162 : memref<1x128x8xf32, #tpu.memory_space<hbm>> -> memref<128x8xf32, #tpu.memory_space<hbm>>
      tpu.wait_dma2 semaphore(%run_scoped3A_151 : memref<!tpu.dma_semaphore, #tpu.memory_space<semaphore_mem>>) src(%arg29 : memref<128x8xf32, #tpu.memory_space<vmem>>) dst(%dma_wait3A_163 : memref<128x8xf32, #tpu.memory_space<hbm>>)
      tpu.yield
    }) : () -> ()
    %mul3A_143 = arith.constant 640 : i32
    %mul3A_144 = arith.muli %arg1, %mul3A_143 : i32
    %add3A_145 = arith.constant 384 : i32
    %add3A_146 = arith.addi %mul3A_144, %add3A_145 : i32
    "tpu.region"() ({
      %run_scoped3A_151 = tpu.sem_alloc : memref<!tpu.dma_semaphore, #tpu.memory_space<semaphore_mem>>
      %dma_start3A_152 = arith.constant 0 : i32
      %dma_start3A_153 = tpu.memref_slice %arg17[%add3A_146, %dma_start3A_152] : memref<10240x64xf32, #tpu.memory_space<vmem_shared>> -> memref<128x64xf32, #tpu.memory_space<vmem_shared>>
      %dma_start3A_154 = arith.constant 0 : i32
      %dma_start3A_155 = tpu.memref_slice %arg17[%add3A_146, %dma_start3A_154] : memref<10240x64xf32, #tpu.memory_space<vmem_shared>> -> memref<128x64xf32, #tpu.memory_space<vmem_shared>>
      tpu.enqueue_dma source(%dma_start3A_155 : memref<128x64xf32, #tpu.memory_space<vmem_shared>>) target(%arg16 : memref<128x64xf32, #tpu.memory_space<vmem>>) target_semaphore(%run_scoped3A_151 : memref<!tpu.dma_semaphore, #tpu.memory_space<semaphore_mem>>)
      %dma_wait3A_156 = arith.constant 0 : i32
      %dma_wait3A_157 = tpu.memref_slice %arg17[%add3A_146, %dma_wait3A_156] : memref<10240x64xf32, #tpu.memory_space<vmem_shared>> -> memref<128x64xf32, #tpu.memory_space<vmem_shared>>
      %dma_wait3A_158 = arith.constant 0 : i32
      %dma_wait3A_159 = tpu.memref_slice %arg17[%add3A_146, %dma_wait3A_158] : memref<10240x64xf32, #tpu.memory_space<vmem_shared>> -> memref<128x64xf32, #tpu.memory_space<vmem_shared>>
      tpu.wait_dma2 semaphore(%run_scoped3A_151 : memref<!tpu.dma_semaphore, #tpu.memory_space<semaphore_mem>>) src(%dma_wait3A_159 : memref<128x64xf32, #tpu.memory_space<vmem_shared>>) dst(%arg16 : memref<128x64xf32, #tpu.memory_space<vmem>>)
      tpu.yield
    }) : () -> ()
    "tpu.region"() ({
      %run_scoped3A_151 = tpu.sem_alloc : memref<!tpu.dma_semaphore, #tpu.memory_space<semaphore_mem>>
      %dma_start3A_152 = arith.constant 0 : i32
      %dma_start3A_153 = tpu.memref_slice %arg7[%arg0, %add3A_146, %dma_start3A_152] : memref<2x10240x64xf32, #tpu.memory_space<hbm>> -> memref<1x128x64xf32, #tpu.memory_space<hbm>>
      %dma_start3A_154 = tpu.memref_squeeze %dma_start3A_153 : memref<1x128x64xf32, #tpu.memory_space<hbm>> -> memref<128x64xf32, #tpu.memory_space<hbm>>
      %dma_start3A_155 = arith.constant 0 : i32
      %dma_start3A_156 = tpu.memref_slice %arg7[%arg0, %add3A_146, %dma_start3A_155] : memref<2x10240x64xf32, #tpu.memory_space<hbm>> -> memref<1x128x64xf32, #tpu.memory_space<hbm>>
      %dma_start3A_157 = tpu.memref_squeeze %dma_start3A_156 : memref<1x128x64xf32, #tpu.memory_space<hbm>> -> memref<128x64xf32, #tpu.memory_space<hbm>>
      tpu.enqueue_dma source(%arg16 : memref<128x64xf32, #tpu.memory_space<vmem>>) target(%dma_start3A_157 : memref<128x64xf32, #tpu.memory_space<hbm>>) target_semaphore(%run_scoped3A_151 : memref<!tpu.dma_semaphore, #tpu.memory_space<semaphore_mem>>)
      %dma_wait3A_158 = arith.constant 0 : i32
      %dma_wait3A_159 = tpu.memref_slice %arg7[%arg0, %add3A_146, %dma_wait3A_158] : memref<2x10240x64xf32, #tpu.memory_space<hbm>> -> memref<1x128x64xf32, #tpu.memory_space<hbm>>
      %dma_wait3A_160 = tpu.memref_squeeze %dma_wait3A_159 : memref<1x128x64xf32, #tpu.memory_space<hbm>> -> memref<128x64xf32, #tpu.memory_space<hbm>>
      %dma_wait3A_161 = arith.constant 0 : i32
      %dma_wait3A_162 = tpu.memref_slice %arg7[%arg0, %add3A_146, %dma_wait3A_161] : memref<2x10240x64xf32, #tpu.memory_space<hbm>> -> memref<1x128x64xf32, #tpu.memory_space<hbm>>
      %dma_wait3A_163 = tpu.memref_squeeze %dma_wait3A_162 : memref<1x128x64xf32, #tpu.memory_space<hbm>> -> memref<128x64xf32, #tpu.memory_space<hbm>>
      tpu.wait_dma2 semaphore(%run_scoped3A_151 : memref<!tpu.dma_semaphore, #tpu.memory_space<semaphore_mem>>) src(%arg16 : memref<128x64xf32, #tpu.memory_space<vmem>>) dst(%dma_wait3A_163 : memref<128x64xf32, #tpu.memory_space<hbm>>)
      tpu.yield
    }) : () -> ()
    "tpu.region"() ({
      %run_scoped3A_151 = tpu.sem_alloc : memref<!tpu.dma_semaphore, #tpu.memory_space<semaphore_mem>>
      %dma_start3A_152 = arith.constant 0 : i32
      %dma_start3A_153 = tpu.memref_slice %arg30[%add3A_146, %dma_start3A_152] : memref<10240x8xf32, #tpu.memory_space<vmem_shared>> -> memref<128x8xf32, #tpu.memory_space<vmem_shared>>
      %dma_start3A_154 = arith.constant 0 : i32
      %dma_start3A_155 = tpu.memref_slice %arg30[%add3A_146, %dma_start3A_154] : memref<10240x8xf32, #tpu.memory_space<vmem_shared>> -> memref<128x8xf32, #tpu.memory_space<vmem_shared>>
      tpu.enqueue_dma source(%dma_start3A_155 : memref<128x8xf32, #tpu.memory_space<vmem_shared>>) target(%arg29 : memref<128x8xf32, #tpu.memory_space<vmem>>) target_semaphore(%run_scoped3A_151 : memref<!tpu.dma_semaphore, #tpu.memory_space<semaphore_mem>>)
      %dma_wait3A_156 = arith.constant 0 : i32
      %dma_wait3A_157 = tpu.memref_slice %arg30[%add3A_146, %dma_wait3A_156] : memref<10240x8xf32, #tpu.memory_space<vmem_shared>> -> memref<128x8xf32, #tpu.memory_space<vmem_shared>>
      %dma_wait3A_158 = arith.constant 0 : i32
      %dma_wait3A_159 = tpu.memref_slice %arg30[%add3A_146, %dma_wait3A_158] : memref<10240x8xf32, #tpu.memory_space<vmem_shared>> -> memref<128x8xf32, #tpu.memory_space<vmem_shared>>
      tpu.wait_dma2 semaphore(%run_scoped3A_151 : memref<!tpu.dma_semaphore, #tpu.memory_space<semaphore_mem>>) src(%dma_wait3A_159 : memref<128x8xf32, #tpu.memory_space<vmem_shared>>) dst(%arg29 : memref<128x8xf32, #tpu.memory_space<vmem>>)
      tpu.yield
    }) : () -> ()
    "tpu.region"() ({
      %run_scoped3A_151 = tpu.sem_alloc : memref<!tpu.dma_semaphore, #tpu.memory_space<semaphore_mem>>
      %dma_start3A_152 = arith.constant 0 : i32
      %dma_start3A_153 = tpu.memref_slice %arg8[%arg0, %add3A_146, %dma_start3A_152] : memref<2x10240x8xf32, #tpu.memory_space<hbm>> -> memref<1x128x8xf32, #tpu.memory_space<hbm>>
      %dma_start3A_154 = tpu.memref_squeeze %dma_start3A_153 : memref<1x128x8xf32, #tpu.memory_space<hbm>> -> memref<128x8xf32, #tpu.memory_space<hbm>>
      %dma_start3A_155 = arith.constant 0 : i32
      %dma_start3A_156 = tpu.memref_slice %arg8[%arg0, %add3A_146, %dma_start3A_155] : memref<2x10240x8xf32, #tpu.memory_space<hbm>> -> memref<1x128x8xf32, #tpu.memory_space<hbm>>
      %dma_start3A_157 = tpu.memref_squeeze %dma_start3A_156 : memref<1x128x8xf32, #tpu.memory_space<hbm>> -> memref<128x8xf32, #tpu.memory_space<hbm>>
      tpu.enqueue_dma source(%arg29 : memref<128x8xf32, #tpu.memory_space<vmem>>) target(%dma_start3A_157 : memref<128x8xf32, #tpu.memory_space<hbm>>) target_semaphore(%run_scoped3A_151 : memref<!tpu.dma_semaphore, #tpu.memory_space<semaphore_mem>>)
      %dma_wait3A_158 = arith.constant 0 : i32
      %dma_wait3A_159 = tpu.memref_slice %arg8[%arg0, %add3A_146, %dma_wait3A_158] : memref<2x10240x8xf32, #tpu.memory_space<hbm>> -> memref<1x128x8xf32, #tpu.memory_space<hbm>>
      %dma_wait3A_160 = tpu.memref_squeeze %dma_wait3A_159 : memref<1x128x8xf32, #tpu.memory_space<hbm>> -> memref<128x8xf32, #tpu.memory_space<hbm>>
      %dma_wait3A_161 = arith.constant 0 : i32
      %dma_wait3A_162 = tpu.memref_slice %arg8[%arg0, %add3A_146, %dma_wait3A_161] : memref<2x10240x8xf32, #tpu.memory_space<hbm>> -> memref<1x128x8xf32, #tpu.memory_space<hbm>>
      %dma_wait3A_163 = tpu.memref_squeeze %dma_wait3A_162 : memref<1x128x8xf32, #tpu.memory_space<hbm>> -> memref<128x8xf32, #tpu.memory_space<hbm>>
      tpu.wait_dma2 semaphore(%run_scoped3A_151 : memref<!tpu.dma_semaphore, #tpu.memory_space<semaphore_mem>>) src(%arg29 : memref<128x8xf32, #tpu.memory_space<vmem>>) dst(%dma_wait3A_163 : memref<128x8xf32, #tpu.memory_space<hbm>>)
      tpu.yield
    }) : () -> ()
    %mul3A_147 = arith.constant 640 : i32
    %mul3A_148 = arith.muli %arg1, %mul3A_147 : i32
    %add3A_149 = arith.constant 512 : i32
    %add3A_150 = arith.addi %mul3A_148, %add3A_149 : i32
    "tpu.region"() ({
      %run_scoped3A_151 = tpu.sem_alloc : memref<!tpu.dma_semaphore, #tpu.memory_space<semaphore_mem>>
      %dma_start3A_152 = arith.constant 0 : i32
      %dma_start3A_153 = tpu.memref_slice %arg17[%add3A_150, %dma_start3A_152] : memref<10240x64xf32, #tpu.memory_space<vmem_shared>> -> memref<128x64xf32, #tpu.memory_space<vmem_shared>>
      %dma_start3A_154 = arith.constant 0 : i32
      %dma_start3A_155 = tpu.memref_slice %arg17[%add3A_150, %dma_start3A_154] : memref<10240x64xf32, #tpu.memory_space<vmem_shared>> -> memref<128x64xf32, #tpu.memory_space<vmem_shared>>
      tpu.enqueue_dma source(%dma_start3A_155 : memref<128x64xf32, #tpu.memory_space<vmem_shared>>) target(%arg16 : memref<128x64xf32, #tpu.memory_space<vmem>>) target_semaphore(%run_scoped3A_151 : memref<!tpu.dma_semaphore, #tpu.memory_space<semaphore_mem>>)
      %dma_wait3A_156 = arith.constant 0 : i32
      %dma_wait3A_157 = tpu.memref_slice %arg17[%add3A_150, %dma_wait3A_156] : memref<10240x64xf32, #tpu.memory_space<vmem_shared>> -> memref<128x64xf32, #tpu.memory_space<vmem_shared>>
      %dma_wait3A_158 = arith.constant 0 : i32
      %dma_wait3A_159 = tpu.memref_slice %arg17[%add3A_150, %dma_wait3A_158] : memref<10240x64xf32, #tpu.memory_space<vmem_shared>> -> memref<128x64xf32, #tpu.memory_space<vmem_shared>>
      tpu.wait_dma2 semaphore(%run_scoped3A_151 : memref<!tpu.dma_semaphore, #tpu.memory_space<semaphore_mem>>) src(%dma_wait3A_159 : memref<128x64xf32, #tpu.memory_space<vmem_shared>>) dst(%arg16 : memref<128x64xf32, #tpu.memory_space<vmem>>)
      tpu.yield
    }) : () -> ()
    "tpu.region"() ({
      %run_scoped3A_151 = tpu.sem_alloc : memref<!tpu.dma_semaphore, #tpu.memory_space<semaphore_mem>>
      %dma_start3A_152 = arith.constant 0 : i32
      %dma_start3A_153 = tpu.memref_slice %arg7[%arg0, %add3A_150, %dma_start3A_152] : memref<2x10240x64xf32, #tpu.memory_space<hbm>> -> memref<1x128x64xf32, #tpu.memory_space<hbm>>
      %dma_start3A_154 = tpu.memref_squeeze %dma_start3A_153 : memref<1x128x64xf32, #tpu.memory_space<hbm>> -> memref<128x64xf32, #tpu.memory_space<hbm>>
      %dma_start3A_155 = arith.constant 0 : i32
      %dma_start3A_156 = tpu.memref_slice %arg7[%arg0, %add3A_150, %dma_start3A_155] : memref<2x10240x64xf32, #tpu.memory_space<hbm>> -> memref<1x128x64xf32, #tpu.memory_space<hbm>>
      %dma_start3A_157 = tpu.memref_squeeze %dma_start3A_156 : memref<1x128x64xf32, #tpu.memory_space<hbm>> -> memref<128x64xf32, #tpu.memory_space<hbm>>
      tpu.enqueue_dma source(%arg16 : memref<128x64xf32, #tpu.memory_space<vmem>>) target(%dma_start3A_157 : memref<128x64xf32, #tpu.memory_space<hbm>>) target_semaphore(%run_scoped3A_151 : memref<!tpu.dma_semaphore, #tpu.memory_space<semaphore_mem>>)
      %dma_wait3A_158 = arith.constant 0 : i32
      %dma_wait3A_159 = tpu.memref_slice %arg7[%arg0, %add3A_150, %dma_wait3A_158] : memref<2x10240x64xf32, #tpu.memory_space<hbm>> -> memref<1x128x64xf32, #tpu.memory_space<hbm>>
      %dma_wait3A_160 = tpu.memref_squeeze %dma_wait3A_159 : memref<1x128x64xf32, #tpu.memory_space<hbm>> -> memref<128x64xf32, #tpu.memory_space<hbm>>
      %dma_wait3A_161 = arith.constant 0 : i32
      %dma_wait3A_162 = tpu.memref_slice %arg7[%arg0, %add3A_150, %dma_wait3A_161] : memref<2x10240x64xf32, #tpu.memory_space<hbm>> -> memref<1x128x64xf32, #tpu.memory_space<hbm>>
      %dma_wait3A_163 = tpu.memref_squeeze %dma_wait3A_162 : memref<1x128x64xf32, #tpu.memory_space<hbm>> -> memref<128x64xf32, #tpu.memory_space<hbm>>
      tpu.wait_dma2 semaphore(%run_scoped3A_151 : memref<!tpu.dma_semaphore, #tpu.memory_space<semaphore_mem>>) src(%arg16 : memref<128x64xf32, #tpu.memory_space<vmem>>) dst(%dma_wait3A_163 : memref<128x64xf32, #tpu.memory_space<hbm>>)
      tpu.yield
    }) : () -> ()
    "tpu.region"() ({
      %run_scoped3A_151 = tpu.sem_alloc : memref<!tpu.dma_semaphore, #tpu.memory_space<semaphore_mem>>
      %dma_start3A_152 = arith.constant 0 : i32
      %dma_start3A_153 = tpu.memref_slice %arg30[%add3A_150, %dma_start3A_152] : memref<10240x8xf32, #tpu.memory_space<vmem_shared>> -> memref<128x8xf32, #tpu.memory_space<vmem_shared>>
      %dma_start3A_154 = arith.constant 0 : i32
      %dma_start3A_155 = tpu.memref_slice %arg30[%add3A_150, %dma_start3A_154] : memref<10240x8xf32, #tpu.memory_space<vmem_shared>> -> memref<128x8xf32, #tpu.memory_space<vmem_shared>>
      tpu.enqueue_dma source(%dma_start3A_155 : memref<128x8xf32, #tpu.memory_space<vmem_shared>>) target(%arg29 : memref<128x8xf32, #tpu.memory_space<vmem>>) target_semaphore(%run_scoped3A_151 : memref<!tpu.dma_semaphore, #tpu.memory_space<semaphore_mem>>)
      %dma_wait3A_156 = arith.constant 0 : i32
      %dma_wait3A_157 = tpu.memref_slice %arg30[%add3A_150, %dma_wait3A_156] : memref<10240x8xf32, #tpu.memory_space<vmem_shared>> -> memref<128x8xf32, #tpu.memory_space<vmem_shared>>
      %dma_wait3A_158 = arith.constant 0 : i32
      %dma_wait3A_159 = tpu.memref_slice %arg30[%add3A_150, %dma_wait3A_158] : memref<10240x8xf32, #tpu.memory_space<vmem_shared>> -> memref<128x8xf32, #tpu.memory_space<vmem_shared>>
      tpu.wait_dma2 semaphore(%run_scoped3A_151 : memref<!tpu.dma_semaphore, #tpu.memory_space<semaphore_mem>>) src(%dma_wait3A_159 : memref<128x8xf32, #tpu.memory_space<vmem_shared>>) dst(%arg29 : memref<128x8xf32, #tpu.memory_space<vmem>>)
      tpu.yield
    }) : () -> ()
    "tpu.region"() ({
      %run_scoped3A_151 = tpu.sem_alloc : memref<!tpu.dma_semaphore, #tpu.memory_space<semaphore_mem>>
      %dma_start3A_152 = arith.constant 0 : i32
      %dma_start3A_153 = tpu.memref_slice %arg8[%arg0, %add3A_150, %dma_start3A_152] : memref<2x10240x8xf32, #tpu.memory_space<hbm>> -> memref<1x128x8xf32, #tpu.memory_space<hbm>>
      %dma_start3A_154 = tpu.memref_squeeze %dma_start3A_153 : memref<1x128x8xf32, #tpu.memory_space<hbm>> -> memref<128x8xf32, #tpu.memory_space<hbm>>
      %dma_start3A_155 = arith.constant 0 : i32
      %dma_start3A_156 = tpu.memref_slice %arg8[%arg0, %add3A_150, %dma_start3A_155] : memref<2x10240x8xf32, #tpu.memory_space<hbm>> -> memref<1x128x8xf32, #tpu.memory_space<hbm>>
      %dma_start3A_157 = tpu.memref_squeeze %dma_start3A_156 : memref<1x128x8xf32, #tpu.memory_space<hbm>> -> memref<128x8xf32, #tpu.memory_space<hbm>>
      tpu.enqueue_dma source(%arg29 : memref<128x8xf32, #tpu.memory_space<vmem>>) target(%dma_start3A_157 : memref<128x8xf32, #tpu.memory_space<hbm>>) target_semaphore(%run_scoped3A_151 : memref<!tpu.dma_semaphore, #tpu.memory_space<semaphore_mem>>)
      %dma_wait3A_158 = arith.constant 0 : i32
      %dma_wait3A_159 = tpu.memref_slice %arg8[%arg0, %add3A_150, %dma_wait3A_158] : memref<2x10240x8xf32, #tpu.memory_space<hbm>> -> memref<1x128x8xf32, #tpu.memory_space<hbm>>
      %dma_wait3A_160 = tpu.memref_squeeze %dma_wait3A_159 : memref<1x128x8xf32, #tpu.memory_space<hbm>> -> memref<128x8xf32, #tpu.memory_space<hbm>>
      %dma_wait3A_161 = arith.constant 0 : i32
      %dma_wait3A_162 = tpu.memref_slice %arg8[%arg0, %add3A_150, %dma_wait3A_161] : memref<2x10240x8xf32, #tpu.memory_space<hbm>> -> memref<1x128x8xf32, #tpu.memory_space<hbm>>
      %dma_wait3A_163 = tpu.memref_squeeze %dma_wait3A_162 : memref<1x128x8xf32, #tpu.memory_space<hbm>> -> memref<128x8xf32, #tpu.memory_space<hbm>>
      tpu.wait_dma2 semaphore(%run_scoped3A_151 : memref<!tpu.dma_semaphore, #tpu.memory_space<semaphore_mem>>) src(%arg29 : memref<128x8xf32, #tpu.memory_space<vmem>>) dst(%dma_wait3A_163 : memref<128x8xf32, #tpu.memory_space<hbm>>)
      tpu.yield
    }) : () -> ()
    return
  }
}

module attributes {stable_mosaic.version = 14 : i64} {
  func.func @_tc0_body(%arg0: i32, %arg1: memref<2000x128xf32, #tpu.memory_space<vmem>>, %arg2: memref<128x128xf32, #tpu.memory_space<vmem>>, %arg3: memref<1x128xf32, #tpu.memory_space<vmem>>, %arg4: memref<2000x128xf32, #tpu.memory_space<vmem>>) attributes {dimension_semantics = [#tpu.dimension_semantics<arbitrary>], iteration_bounds = array<i64: 5>, scalar_prefetch = 0 : i64, scratch_operands = 0 : i64, tpu.core_type = #tpu.core_type<tc>, window_params = [{transform_indices = @transform_0, window_bounds = array<i64: 2000, 128>}, {pipeline_mode = #tpu.pipeline_mode<synchronous>, transform_indices = @transform_1, window_bounds = array<i64: 128, 128>}, {pipeline_mode = #tpu.pipeline_mode<synchronous>, transform_indices = @transform_2, window_bounds = array<i64: 1, 128>}, {transform_indices = @transform_3, window_bounds = array<i64: 2000, 128>}]} {
    %get3A = arith.constant 0 : index
    %get3A_0 = arith.constant 0 : index
    %get3A_1 = vector.load %arg1[%get3A, %get3A_0] : memref<2000x128xf32, #tpu.memory_space<vmem>>, vector<2000x128xf32>
    %get3A_2 = arith.constant 0 : index
    %get3A_3 = arith.constant 0 : index
    %get3A_4 = vector.load %arg2[%get3A_2, %get3A_3] : memref<128x128xf32, #tpu.memory_space<vmem>>, vector<128x128xf32>
    %dot_general3A = arith.constant dense<0.000000e+00> : vector<2000x128xf32>
    %dot_general3A_5 = tpu.matmul %get3A_1, %get3A_4, %dot_general3A {dimension_numbers = #tpu.dot_dimension_numbers<[1], [0], [0], [1], [0, 0, 1, 1], [], []>, transpose_lhs_hint = false} : vector<2000x128xf32>, vector<128x128xf32>, vector<2000x128xf32> -> vector<2000x128xf32>
    %get3A_6 = arith.constant 0 : index
    %get3A_7 = arith.constant 0 : index
    %get3A_8 = vector.load %arg3[%get3A_6, %get3A_7] : memref<1x128xf32, #tpu.memory_space<vmem>>, vector<1x128xf32>
    %add3A = vector.broadcast %get3A_8 : vector<1x128xf32> to vector<2000x128xf32>
    %add3A_9 = arith.addf %dot_general3A_5, %add3A : vector<2000x128xf32>
    %swap3A = arith.constant 0 : index
    %swap3A_10 = arith.constant 0 : index
    %swap3A_11 = vector.load %arg4[%swap3A, %swap3A_10] : memref<2000x128xf32, #tpu.memory_space<vmem>>, vector<2000x128xf32>
    tpu.vector_store %arg4[%swap3A, %swap3A_10], %add3A_9 {strides = array<i32>} : memref<2000x128xf32, #tpu.memory_space<vmem>>, vector<2000x128xf32>,
    return
  }
  func.func @transform_0(%arg0: i32) -> (i32, i32) {
    %c0_i32 = arith.constant 0 : i32
    %c0_i32_0 = arith.constant 0 : i32
    return %arg0, %c0_i32 : i32, i32
  }
  func.func @transform_1(%arg0: i32) -> (i32, i32) {
    %c0_i32 = arith.constant 0 : i32
    %c0_i32_0 = arith.constant 0 : i32
    %c0_i32_1 = arith.constant 0 : i32
    return %c0_i32, %c0_i32_0 : i32, i32
  }
  func.func @transform_2(%arg0: i32) -> (i32, i32) {
    %c0_i32 = arith.constant 0 : i32
    %c0_i32_0 = arith.constant 0 : i32
    %c0_i32_1 = arith.constant 0 : i32
    return %c0_i32, %c0_i32_0 : i32, i32
  }
  func.func @transform_3(%arg0: i32) -> (i32, i32) {
    %c0_i32 = arith.constant 0 : i32
    %c0_i32_0 = arith.constant 0 : i32
    return %arg0, %c0_i32 : i32, i32
  }
}

module attributes {stable_mosaic.version = 14 : i64} {
  func.func @_tc1_body(%arg0: i32, %arg1: memref<2x2000x64xf32, #tpu.memory_space<vmem>>, %arg2: memref<2x2000x8xf32, #tpu.memory_space<vmem>>, %arg3: memref<2000x128xf32, #tpu.memory_space<vmem>>, %arg4: memref<128x128xf32, #tpu.memory_space<vmem>>, %arg5: memref<128x48xf32, #tpu.memory_space<vmem>>, %arg6: memref<128x48xf32, #tpu.memory_space<vmem>>, %arg7: memref<1x48xf32, #tpu.memory_space<vmem>>, %arg8: memref<2000x48xf32, #tpu.memory_space<vmem>>, %arg9: memref<2000x48xf32, #tpu.memory_space<vmem>>, %arg10: memref<2000x1xf32, #tpu.memory_space<vmem>>) attributes {dimension_semantics = [#tpu.dimension_semantics<arbitrary>], iteration_bounds = array<i64: 5>, scalar_prefetch = 0 : i64, scratch_operands = 0 : i64, tpu.core_type = #tpu.core_type<tc>, window_params = [{transform_indices = @transform_0, window_bounds = array<i64: 2, 2000, 64>}, {transform_indices = @transform_1, window_bounds = array<i64: 2, 2000, 8>}, {transform_indices = @transform_2, window_bounds = array<i64: 2000, 128>}, {pipeline_mode = #tpu.pipeline_mode<synchronous>, transform_indices = @transform_3, window_bounds = array<i64: 128, 128>}, {pipeline_mode = #tpu.pipeline_mode<synchronous>, transform_indices = @transform_4, window_bounds = array<i64: 128, 48>}, {pipeline_mode = #tpu.pipeline_mode<synchronous>, transform_indices = @transform_5, window_bounds = array<i64: 128, 48>}, {pipeline_mode = #tpu.pipeline_mode<synchronous>, transform_indices = @transform_6, window_bounds = array<i64: 1, 48>}, {transform_indices = @transform_7, window_bounds = array<i64: 2000, 48>}, {transform_indices = @transform_8, window_bounds = array<i64: 2000, 48>}, {transform_indices = @transform_9, window_bounds = array<i64: 2000, 1>}]} {
    %get3A = arith.constant 0 : index
    %get3A_0 = arith.constant 0 : index
    %get3A_1 = arith.constant 0 : index
    %get3A_2 = vector.load %arg2[%get3A, %get3A_0, %get3A_1] : memref<2x2000x8xf32, #tpu.memory_space<vmem>>, vector<1x2000x1xf32>
    %get3A_3 = vector.shape_cast %get3A_2 : vector<1x2000x1xf32> to vector<2000x1xf32>
    %get3A_4 = arith.constant 1 : index
    %get3A_5 = arith.constant 0 : index
    %get3A_6 = arith.constant 0 : index
    %get3A_7 = vector.load %arg2[%get3A_4, %get3A_5, %get3A_6] : memref<2x2000x8xf32, #tpu.memory_space<vmem>>, vector<1x2000x1xf32>
    %get3A_8 = vector.shape_cast %get3A_7 : vector<1x2000x1xf32> to vector<2000x1xf32>
    %add3A = arith.addf %get3A_3, %get3A_8 : vector<2000x1xf32>
    %max3A = arith.constant 1.000000e+00 : f32
    %max3A_9 = vector.broadcast %max3A : f32 to vector<2000x1xf32>
    %max3A_10 = arith.maximumf %add3A, %max3A_9 : vector<2000x1xf32>
    %div3A = arith.constant 1.000000e+00 : f32
    %div3A_11 = vector.broadcast %div3A : f32 to vector<2000x1xf32>
    %div3A_12 = arith.divf %div3A_11, %max3A_10 : vector<2000x1xf32>
    %swap3A = arith.constant 0 : index
    %swap3A_13 = arith.constant 0 : index
    %swap3A_14 = vector.load %arg10[%swap3A, %swap3A_13] : memref<2000x1xf32, #tpu.memory_space<vmem>>, vector<2000x1xf32>
    tpu.vector_store %arg10[%swap3A, %swap3A_13], %div3A_12 {strides = array<i32>} : memref<2000x1xf32, #tpu.memory_space<vmem>>, vector<2000x1xf32>,
    %get3A_15 = arith.constant 0 : index
    %get3A_16 = arith.constant 0 : index
    %get3A_17 = arith.constant 0 : index
    %get3A_18 = vector.load %arg1[%get3A_15, %get3A_16, %get3A_17] : memref<2x2000x64xf32, #tpu.memory_space<vmem>>, vector<1x2000x64xf32>
    %get3A_19 = vector.shape_cast %get3A_18 : vector<1x2000x64xf32> to vector<2000x64xf32>
    %get3A_20 = arith.constant 1 : index
    %get3A_21 = arith.constant 0 : index
    %get3A_22 = arith.constant 0 : index
    %get3A_23 = vector.load %arg1[%get3A_20, %get3A_21, %get3A_22] : memref<2x2000x64xf32, #tpu.memory_space<vmem>>, vector<1x2000x64xf32>
    %get3A_24 = vector.shape_cast %get3A_23 : vector<1x2000x64xf32> to vector<2000x64xf32>
    %concatenate3A = tpu.concatenate %get3A_19, %get3A_24 in 1 : vector<2000x64xf32>, vector<2000x64xf32> -> vector<2000x128xf32>
    %mul3A = vector.broadcast %div3A_12 : vector<2000x1xf32> to vector<2000x128xf32>
    %mul3A_25 = arith.mulf %concatenate3A, %mul3A : vector<2000x128xf32>
    %get3A_26 = arith.constant 0 : index
    %get3A_27 = arith.constant 0 : index
    %get3A_28 = vector.load %arg4[%get3A_26, %get3A_27] : memref<128x128xf32, #tpu.memory_space<vmem>>, vector<128x128xf32>
    %dot_general3A = arith.constant dense<0.000000e+00> : vector<2000x128xf32>
    %dot_general3A_29 = tpu.matmul %mul3A_25, %get3A_28, %dot_general3A {dimension_numbers = #tpu.dot_dimension_numbers<[1], [0], [0], [1], [0, 0, 1, 1], [], []>, transpose_lhs_hint = false} : vector<2000x128xf32>, vector<128x128xf32>, vector<2000x128xf32> -> vector<2000x128xf32>
    %get3A_30 = arith.constant 0 : index
    %get3A_31 = arith.constant 0 : index
    %get3A_32 = vector.load %arg3[%get3A_30, %get3A_31] : memref<2000x128xf32, #tpu.memory_space<vmem>>, vector<2000x128xf32>
    %add3A_33 = arith.addf %dot_general3A_29, %get3A_32 : vector<2000x128xf32>
    %max3A_34 = arith.constant 0.000000e+00 : f32
    %max3A_35 = vector.broadcast %max3A_34 : f32 to vector<2000x128xf32>
    %max3A_36 = arith.maximumf %add3A_33, %max3A_35 : vector<2000x128xf32>
    %get3A_37 = arith.constant 0 : index
    %get3A_38 = arith.constant 0 : index
    %get3A_39 = vector.load %arg5[%get3A_37, %get3A_38] : memref<128x48xf32, #tpu.memory_space<vmem>>, vector<128x48xf32>
    %dot_general3A_40 = arith.constant dense<0.000000e+00> : vector<2000x48xf32>
    %dot_general3A_41 = tpu.matmul %max3A_36, %get3A_39, %dot_general3A_40 {dimension_numbers = #tpu.dot_dimension_numbers<[1], [0], [0], [1], [0, 0, 1, 1], [], []>, transpose_lhs_hint = false} : vector<2000x128xf32>, vector<128x48xf32>, vector<2000x48xf32> -> vector<2000x48xf32>
    %swap3A_42 = arith.constant 0 : index
    %swap3A_43 = arith.constant 0 : index
    %swap3A_44 = vector.load %arg8[%swap3A_42, %swap3A_43] : memref<2000x48xf32, #tpu.memory_space<vmem>>, vector<2000x48xf32>
    tpu.vector_store %arg8[%swap3A_42, %swap3A_43], %dot_general3A_41 {strides = array<i32>} : memref<2000x48xf32, #tpu.memory_space<vmem>>, vector<2000x48xf32>,
    %get3A_45 = arith.constant 0 : index
    %get3A_46 = arith.constant 0 : index
    %get3A_47 = vector.load %arg6[%get3A_45, %get3A_46] : memref<128x48xf32, #tpu.memory_space<vmem>>, vector<128x48xf32>
    %dot_general3A_48 = arith.constant dense<0.000000e+00> : vector<2000x48xf32>
    %dot_general3A_49 = tpu.matmul %max3A_36, %get3A_47, %dot_general3A_48 {dimension_numbers = #tpu.dot_dimension_numbers<[1], [0], [0], [1], [0, 0, 1, 1], [], []>, transpose_lhs_hint = false} : vector<2000x128xf32>, vector<128x48xf32>, vector<2000x48xf32> -> vector<2000x48xf32>
    %get3A_50 = arith.constant 0 : index
    %get3A_51 = arith.constant 0 : index
    %get3A_52 = vector.load %arg7[%get3A_50, %get3A_51] : memref<1x48xf32, #tpu.memory_space<vmem>>, vector<1x48xf32>
    %add3A_53 = vector.broadcast %get3A_52 : vector<1x48xf32> to vector<2000x48xf32>
    %add3A_54 = arith.addf %dot_general3A_49, %add3A_53 : vector<2000x48xf32>
    %swap3A_55 = arith.constant 0 : index
    %swap3A_56 = arith.constant 0 : index
    %swap3A_57 = vector.load %arg9[%swap3A_55, %swap3A_56] : memref<2000x48xf32, #tpu.memory_space<vmem>>, vector<2000x48xf32>
    tpu.vector_store %arg9[%swap3A_55, %swap3A_56], %add3A_54 {strides = array<i32>} : memref<2000x48xf32, #tpu.memory_space<vmem>>, vector<2000x48xf32>,
    return
  }
  func.func @transform_0(%arg0: i32) -> (i32, i32, i32) {
    %c0_i32 = arith.constant 0 : i32
    %c0_i32_0 = arith.constant 0 : i32
    %c0_i32_1 = arith.constant 0 : i32
    return %c0_i32, %arg0, %c0_i32_0 : i32, i32, i32
  }
  func.func @transform_1(%arg0: i32) -> (i32, i32, i32) {
    %c0_i32 = arith.constant 0 : i32
    %c0_i32_0 = arith.constant 0 : i32
    %c0_i32_1 = arith.constant 0 : i32
    return %c0_i32, %arg0, %c0_i32_0 : i32, i32, i32
  }
  func.func @transform_2(%arg0: i32) -> (i32, i32) {
    %c0_i32 = arith.constant 0 : i32
    %c0_i32_0 = arith.constant 0 : i32
    return %arg0, %c0_i32 : i32, i32
  }
  func.func @transform_3(%arg0: i32) -> (i32, i32) {
    %c0_i32 = arith.constant 0 : i32
    %c0_i32_0 = arith.constant 0 : i32
    %c0_i32_1 = arith.constant 0 : i32
    return %c0_i32, %c0_i32_0 : i32, i32
  }
  func.func @transform_4(%arg0: i32) -> (i32, i32) {
    %c0_i32 = arith.constant 0 : i32
    %c0_i32_0 = arith.constant 0 : i32
    %c0_i32_1 = arith.constant 0 : i32
    return %c0_i32, %c0_i32_0 : i32, i32
  }
  func.func @transform_5(%arg0: i32) -> (i32, i32) {
    %c0_i32 = arith.constant 0 : i32
    %c0_i32_0 = arith.constant 0 : i32
    %c0_i32_1 = arith.constant 0 : i32
    return %c0_i32, %c0_i32_0 : i32, i32
  }
  func.func @transform_6(%arg0: i32) -> (i32, i32) {
    %c0_i32 = arith.constant 0 : i32
    %c0_i32_0 = arith.constant 0 : i32
    %c0_i32_1 = arith.constant 0 : i32
    return %c0_i32, %c0_i32_0 : i32, i32
  }
  func.func @transform_7(%arg0: i32) -> (i32, i32) {
    %c0_i32 = arith.constant 0 : i32
    %c0_i32_0 = arith.constant 0 : i32
    return %arg0, %c0_i32 : i32, i32
  }
  func.func @transform_8(%arg0: i32) -> (i32, i32) {
    %c0_i32 = arith.constant 0 : i32
    %c0_i32_0 = arith.constant 0 : i32
    return %arg0, %c0_i32 : i32, i32
  }
  func.func @transform_9(%arg0: i32) -> (i32, i32) {
    %c0_i32 = arith.constant 0 : i32
    %c0_i32_0 = arith.constant 0 : i32
    return %arg0, %c0_i32 : i32, i32
  }
}

module attributes {stable_mosaic.version = 14 : i64} {
  func.func @_tc2_body(%arg0: i32, %arg1: memref<2x2000x24xf32, #tpu.memory_space<vmem>>, %arg2: memref<2000x1xf32, #tpu.memory_space<vmem>>, %arg3: memref<2000x48xf32, #tpu.memory_space<vmem>>, %arg4: memref<2000x40xf32, #tpu.memory_space<vmem>>) attributes {dimension_semantics = [#tpu.dimension_semantics<arbitrary>], iteration_bounds = array<i64: 5>, scalar_prefetch = 0 : i64, scratch_operands = 0 : i64, tpu.core_type = #tpu.core_type<tc>, window_params = [{transform_indices = @transform_0, window_bounds = array<i64: 2, 2000, 24>}, {transform_indices = @transform_1, window_bounds = array<i64: 2000, 1>}, {transform_indices = @transform_2, window_bounds = array<i64: 2000, 48>}, {transform_indices = @transform_3, window_bounds = array<i64: 2000, 40>}]} {
    %get3A = arith.constant 0 : index
    %get3A_0 = arith.constant 0 : index
    %get3A_1 = arith.constant 0 : index
    %get3A_2 = vector.load %arg1[%get3A, %get3A_0, %get3A_1] : memref<2x2000x24xf32, #tpu.memory_space<vmem>>, vector<1x2000x24xf32>
    %get3A_3 = vector.shape_cast %get3A_2 : vector<1x2000x24xf32> to vector<2000x24xf32>
    %get3A_4 = arith.constant 1 : index
    %get3A_5 = arith.constant 0 : index
    %get3A_6 = arith.constant 0 : index
    %get3A_7 = vector.load %arg1[%get3A_4, %get3A_5, %get3A_6] : memref<2x2000x24xf32, #tpu.memory_space<vmem>>, vector<1x2000x24xf32>
    %get3A_8 = vector.shape_cast %get3A_7 : vector<1x2000x24xf32> to vector<2000x24xf32>
    %concatenate3A = tpu.concatenate %get3A_3, %get3A_8 in 1 : vector<2000x24xf32>, vector<2000x24xf32> -> vector<2000x48xf32>
    %get3A_9 = arith.constant 0 : index
    %get3A_10 = arith.constant 0 : index
    %get3A_11 = vector.load %arg2[%get3A_9, %get3A_10] : memref<2000x1xf32, #tpu.memory_space<vmem>>, vector<2000x1xf32>
    %mul3A = vector.broadcast %get3A_11 : vector<2000x1xf32> to vector<2000x48xf32>
    %mul3A_12 = arith.mulf %concatenate3A, %mul3A : vector<2000x48xf32>
    %get3A_13 = arith.constant 0 : index
    %get3A_14 = arith.constant 0 : index
    %get3A_15 = vector.load %arg3[%get3A_13, %get3A_14] : memref<2000x48xf32, #tpu.memory_space<vmem>>, vector<2000x48xf32>
    %add3A = arith.addf %mul3A_12, %get3A_15 : vector<2000x48xf32>
    %slice3A = vector.extract_strided_slice %add3A {offsets = [0, 0], sizes = [2000, 40], strides = [1, 1]} : vector<2000x48xf32> to vector<2000x40xf32>
    %swap3A = arith.constant 0 : index
    %swap3A_16 = arith.constant 0 : index
    %swap3A_17 = vector.load %arg4[%swap3A, %swap3A_16] : memref<2000x40xf32, #tpu.memory_space<vmem>>, vector<2000x40xf32>
    tpu.vector_store %arg4[%swap3A, %swap3A_16], %slice3A {strides = array<i32>} : memref<2000x40xf32, #tpu.memory_space<vmem>>, vector<2000x40xf32>,
    return
  }
  func.func @transform_0(%arg0: i32) -> (i32, i32, i32) {
    %c0_i32 = arith.constant 0 : i32
    %c0_i32_0 = arith.constant 0 : i32
    %c0_i32_1 = arith.constant 0 : i32
    return %c0_i32, %arg0, %c0_i32_0 : i32, i32, i32
  }
  func.func @transform_1(%arg0: i32) -> (i32, i32) {
    %c0_i32 = arith.constant 0 : i32
    %c0_i32_0 = arith.constant 0 : i32
    return %arg0, %c0_i32 : i32, i32
  }
  func.func @transform_2(%arg0: i32) -> (i32, i32) {
    %c0_i32 = arith.constant 0 : i32
    %c0_i32_0 = arith.constant 0 : i32
    return %arg0, %c0_i32 : i32, i32
  }
  func.func @transform_3(%arg0: i32) -> (i32, i32) {
    %c0_i32 = arith.constant 0 : i32
    %c0_i32_0 = arith.constant 0 : i32
    return %arg0, %c0_i32 : i32, i32
  }
}

</mosaic_0001>

<sc_bundles>
// kernel: kernel.10.cloned.1.call-start
scs
__scs_entry_jumppad:
0x0: {  	(pc) =	sbr.rel $0x88, $3  }
0x1: {  	(tag) =	ssettag $0x0;
	lr =	simm.s32 $0x1  }
0x2: {  	[smem:$0x3F99] =	sst lr;
	_ =	strace $0xD0000000  }
0x3: {  	_ = 	snop  }
0x4: {  	_ = 	snop  }
0x5: {  	_ = 	snop  }
0x6: {  	_ = 	snop  }
0x7: {  	_ = 	snop  }
__scs_overlays_trampoline_lowered:
0x8: {  	[smem:$0x3FA8] =	sst s0  }
0x9: {  	[smem:$0x3FA9] =	sst s1  }
0xa: {  	[smem:$0x3FAA] =	sst s2  }
0xb: {  	[smem:$0x3FAB] =	sst s3  }
0xc: {  	[smem:$0x3FAC] =	sst s4  }
0xd: {  	[smem:$0x3FAD] =	sst s5  }
0xe: {  	[smem:$0x3FAE] =	sst s6  }
0xf: {  	[smem:$0x3FAF] =	sst s7  }
0x10: {  	[smem:$0x3FB0] =	sst s8  }
0x11: {  	[smem:$0x3FB1] =	sst s9;
	s0 =	simm.s32 @!p0 $0x0  }
0x12: {  	s1 =	sld [smem:$0x3F97];
	s0 =	simm.s32 @p0 $0x1  }
0x13: {  	[smem:$0x3FB2] =	sst s0;
	s0 =	simm.s32 @!p1 $0x0  }
0x14: {  	s2 =	sld [smem:$0x3F96];
	s0 =	simm.s32 @p1 $0x1  }
0x15: {  	[smem:$0x3FB3] =	sst s0;
	s0 =	simm.s32 @!p2 $0x0  }
0x16: {  	s3 =	sld [smem:$0x3FDB];
	s0 =	simm.s32 @p2 $0x1  }
0x17: {  	s4 =	simm.s32 $0x1BF5;
	[smem:$0x3FB5] =	sst s0  }
0x18: {  	s0 =	sld [smem:$0x3F98];
	_ =	swait.ge [sflag:s4], $0x0  }
0x19: {  	s7 =	sld [smem:$0x3F99]  }
0x1a: {  	s8 =	sadd.s32 $0xFFFFE003, lr  }
0x1b: {  	s9 =	sadd.s32 $0xFFFFFEF7, lr;
	s5 =	simm.s32 $0xFFFFFFFF;
	p2 =	slt.u32 s8, $0xFFFFF086  }
0x1c: {  	p1 =	slt.u32 s9, $0xF7A;
	s5 =	simm.s32 @!p2 $0x0  }
0x1d: {  	s5 =	simm.s32 @p1 $0x1;
	p0 =	seq.s32 s7, s2  }
0x1e: {  	s7 =	smul.u32 @!p0 $0xF7A, s2;
	p2 =	seq.s32 @!p0 s5, $0x0  }
0x1f: {  	s9 =	smul.u32 $0xF7A, s1;
	s8 =	simm.s32 @!p0 $0x1BF5;
	p2 =	por !p2, p0  }
0x20: {  	[sflag:s8] =	ssyncset.s32 @!p0 $0xFFFFF086;
	s6 =	sadd.s32 @!p0 s3, s7;
	s7 =	simm.s32 @!p0 $0x108  }
0x21: {  	s3 =	sadd.s32 s3, s9;
	s6 =	sadd.s32 @!p0 $0x88, s6;
	s7 =	simm.s32 @p2 $0x1082  }
0x22: {  	[simem:s7], [sflag:s8] =	dma.local @!p0 [hbm:s6], $0xF7A  }
0x23: {  	s9 =	sor.u32 $0xD0000000, s2;
	s6 =	simm.s32 $0x108;
	_ =	swait.ge @!p0 [sflag:s8], $0x0  }
0x24: {  	s3 =	sadd.s32 $0x88, s3;
	s6 =	simm.s32 @!p1 $0x1082;
	[sflag:s4] =	ssyncset.s32 $0xFFFFF086  }
0x25: {  	[simem:s6], [sflag:s4] =	dma.local [hbm:s3], $0xF7A  }
0x26: {  	[smem:$0x3F99] =	sst s1;
	(tag) =	ssettag s2;
	_ =	strace s9  }
0x27: {  	s1 =	sld [smem:$0x3FA9]  }
0x28: {  	s2 =	sld [smem:$0x3FAA]  }
0x29: {  	s4 =	sld [smem:$0x3FAC]  }
0x2a: {  	p0 =	seq.s32 s5, $0x0;
	s5 =	sld [smem:$0x3FAD]  }
0x2b: {  	s6 =	sld [smem:$0x3FAE]  }
0x2c: {  	s7 =	sld [smem:$0x3FAF]  }
0x2d: {  	s3 =	simm.s32 $0x108;
	s8 =	sld [smem:$0x3FB0]  }
0x2e: {  	s3 =	simm.s32 @!p0 $0x1082;
	s9 =	sld [smem:$0x3FB1]  }
0x2f: {  	lr =	sadd.s32 s0, s3;
	s0 =	sld [smem:$0x3FA8]  }
0x30: {  	s3 =	sld [smem:$0x3FAB]  }
0x31: {  	[smem:$0x3FB4] =	sst s10  }
0x32: {  	s10 =	sld [smem:$0x3FB2];
	_ =	sdelay $0x3  }
0x33: {  	p0 =	seq.s32 s10, $0x1;
	s10 =	sld [smem:$0x3FB4];
	_ =	sdelay $0x3  }
0x34: {  	[smem:$0x3FB4] =	sst s10  }
0x35: {  	s10 =	sld [smem:$0x3FB3];
	_ =	sdelay $0x3  }
0x36: {  	p1 =	seq.s32 s10, $0x1;
	s10 =	sld [smem:$0x3FB4];
	_ =	sdelay $0x3  }
0x37: {  	[smem:$0x3FB4] =	sst s10  }
0x38: {  	s10 =	sld [smem:$0x3FB5]  }
0x39: {  	_ = 	snop;
	(pc) =	sbr.ind lr, $3  }
0x3a: {  	_ = 	snop  }
0x3b: {  	_ = 	snop  }
0x3c: {  	p2 =	seq.s32 s10, $0x1;
	s10 =	sld [smem:$0x3FB4]  }
0x3d: {  	_ =	shalt  }
0x3e: {  	_ =	shalt  }
0x3f: {  	_ =	shalt  }
0x40: {  	_ =	shalt  }
0x41: {  	_ =	shalt  }
0x42: {  	_ =	shalt  }
0x43: {  	_ =	shalt  }
0x44: {  	_ =	shalt  }
0x45: {  	_ =	shalt  }
0x46: {  	_ =	shalt  }
0x47: {  	_ =	shalt  }
0x48: {  	_ =	shalt  }
0x49: {  	_ =	shalt  }
0x4a: {  	_ =	shalt  }
0x4b: {  	_ =	shalt  }
0x4c: {  	_ =	shalt  }
0x4d: {  	_ =	shalt  }
0x4e: {  	_ =	shalt  }
0x4f: {  	_ =	shalt  }
0x50: {  	_ =	shalt  }
0x51: {  	_ =	shalt  }
0x52: {  	_ =	shalt  }
0x53: {  	_ =	shalt  }
0x54: {  	_ =	shalt  }
0x55: {  	_ =	shalt  }
0x56: {  	_ =	shalt  }
0x57: {  	_ =	shalt  }
0x58: {  	_ =	shalt  }
0x59: {  	_ =	shalt  }
0x5a: {  	_ =	shalt  }
0x5b: {  	_ =	shalt  }
0x5c: {  	_ =	shalt  }
0x5d: {  	_ =	shalt  }
0x5e: {  	_ =	shalt  }
0x5f: {  	_ =	shalt  }
0x60: {  	_ =	shalt  }
0x61: {  	_ =	shalt  }
0x62: {  	_ =	shalt  }
0x63: {  	_ =	shalt  }
0x64: {  	_ =	shalt  }
0x65: {  	_ =	shalt  }
0x66: {  	_ =	shalt  }
0x67: {  	_ =	shalt  }
0x68: {  	_ =	shalt  }
0x69: {  	_ =	shalt  }
0x6a: {  	_ =	shalt  }
0x6b: {  	_ =	shalt  }
0x6c: {  	_ =	shalt  }
0x6d: {  	_ =	shalt  }
0x6e: {  	_ =	shalt  }
0x6f: {  	_ =	shalt  }
0x70: {  	_ =	shalt  }
0x71: {  	_ =	shalt  }
0x72: {  	_ =	shalt  }
0x73: {  	_ =	shalt  }
0x74: {  	_ =	shalt  }
0x75: {  	_ =	shalt  }
0x76: {  	_ =	shalt  }
0x77: {  	_ =	shalt  }
0x78: {  	_ =	shalt  }
0x79: {  	_ =	shalt  }
0x7a: {  	_ =	shalt  }
0x7b: {  	_ =	shalt  }
0x7c: {  	_ =	shalt  }
0x7d: {  	_ =	shalt  }
0x7e: {  	_ =	shalt  }
0x7f: {  	_ =	shalt  }
0x80: {  	_ =	shalt  }
0x81: {  	_ =	shalt  }
0x82: {  	_ =	shalt  }
0x83: {  	_ =	shalt  }
0x84: {  	_ =	shalt  }
0x85: {  	_ =	shalt  }
0x86: {  	_ =	shalt  }
0x87: {  	_ =	shalt  }
.Lfunc_end0:
.L_simem_size_0:
called_computation.1_lowered:
.L_overlay_start_0:
0x88: {  	s2 =	sld [smem:$0x3FD9]  }
0x89: {  	s3 =	sld [smem:$0x3FFE];
	_ =	sdelay $0x1  }
0x8a: {  	s1 =	srdreg.scid  }
0x8b: {  	s0 =	sand.u32 $0x1, s1  }
0x8c: {  	s17 =	sshll.u32 s0, $0xA;
	s2 =	sadd.s32 s3, s2  }
0x8d: {  	s2 =	sadd.s32 s2, s17  }
0x8e: {  	[smem:$0x3FC0] =	sst s2  }
0x8f: {  	_ = 	snop  }
0x90: {  	s2 =	sld [smem:$0x3FD0];
	(tm) =	ssettm $0x1  }
0x91: {  	s18 =	sld [smem:$0x3FFB];
	_ =	sdelay $0x3  }
0x92: {  	_ =	strace s18  }
0x93: {  	s3 =	sld [smem:$0x3FFC];
	_ =	sdelay $0x3  }
0x94: {  	_ =	strace s3  }
0x95: {  	s3 =	sld [smem:$0x3FFD];
	_ =	sdelay $0x3  }
0x96: {  	_ =	strace s3  }
0x97: {  	_ =	strace $0x8FFFFFFF  }
0x98: {  	s19 =	sld [smem:$0x3FDB];
	_ =	sdelay $0x1  }
0x99: {  	s4 =	simm.s32 $_scs_section_size  }
0x9a: {  	s5 =	simm.s32 $_size__tile_overlayer_lowered;
	s6 =	simm.s32 $_tile_overlayer_lowered  }
0x9b: {  	s22 =	simm.s32 $0x1BFF;
	s21 =	sshll.u32 s6, $0x1;
	s3 =	sadd.s32 s4, s19  }
0x9c: {  	s7 =	simm.s32 $0x0;
	s20 =	sshll.u32 s5, $0x1;
	s5 =	sadd.s32 s21, s3  }
0x9d: {  	[timem:s7], [sflag:s22] =	dma.local [hbm:s5], s20  }
0x9e: {  	_ =	swait.ge [sflag:s22], s20  }
0x9f: {  	s4 =	ssub.s32 $0x0, s20;
	[sflag:s22] =	ssyncset.done $0x0  }
0xa0: {  	[sflag:s22] =	ssyncadd.s32 s4;
	_ =	sdelay $0x1  }
0xa1: {  	s23 =	simm.s32 $0x1B8B  }
0xa2: {  	_ =	swait.ge [sflag:s23], $0x1  }
0xa3: {  	[sflag:s23] =	ssyncset.done $0x0  }
0xa4: {  	s25 =	simm.s32 $0x1B8E;
	s24 =	sld [smem:$0x3FFE];
	[sflag:s23] =	ssyncadd.s32 $0xFFFFFFFF  }
0xa5: {  	s26 =	simm.s32 $execute0_lowered;
	[smem:$0x3FD2] =	sst s25  }
0xa6: {  	s5 =	sshll.u32 s26, $0x1;
	_ =	strace $0x80000049;
	[dreg:$0x1] =	wrdreg $0xFFFFFFFF  }
0xa7: {  	s28 =	simm.s32 $_size_execute0_lowered;
	s3 =	sadd.s32 s3, s5;
	[dreg:$0x0] =	wrdreg $0x0  }
0xa8: {  	s5 =	sshll.u32 s28, $0x1;
	[dreg:$0x2] =	wrdreg s3  }
0xa9: {  	[dreg:$0x3] =	wrdreg s5  }
0xaa: {  	[dreg:$0x4] =	wrdreg $0xC0  }
0xab: {  	_ =	task [dreg:s7], $0x5FFFF  }
0xac: {  	[dreg:$0x1] =	wrdreg $0xFFFFFFFF  }
0xad: {  	[dreg:$0x0] =	wrdreg $0x60  }
0xae: {  	[dreg:$0x2] =	wrdreg s24  }
0xaf: {  	[dreg:$0x3] =	wrdreg s2  }
0xb0: {  	[dreg:$0x4] =	wrdreg $0xCDC00  }
0xb1: {  	[dreg:$0x5] =	wrdreg $0x9  }
0xb2: {  	_ =	task.clear_ibuf [dreg:s7], $0x6FFFF;
	_ =	strace $0x90000049  }
0xb3: {  	s29 =	simm.s32 $0x9;
	_ =	strace $0x8000004B  }
0xb4: {  	_ =	swait.ge [sflag:s29], $0x1  }
0xb5: {  	[sflag:s29] =	ssyncadd.s32 $0xFFFFFFFF  }
0xb6: {  	_ =	strace $0x9000004B  }
0xb7: {  	_ =	sfence  }
0xb8: {  	s30 =	sld [smem:$0x0];
	_ =	sdelay $0x2  }
0xb9: {  	s31 =	sshll.u32 s1, $0xD;
	s1 =	sshrl.u32 s1, $0x2  }
0xba: {  	s3 =	sand.u32 $0x4000, s31;
	s1 =	sadd.s32 s1, s30  }
0xbb: {  	s0 =	sor.u32 s3, s0;
	s1 =	sshll.u32 s1, $0x11  }
0xbc: {  	s0 =	sor.u32 s1, s0  }
0xbd: {  	s0 =	sadd.s32 $0x8F2B, s0  }
0xbe: {  	[sflag:s0] =	ssyncadd.remote.s32 $0x1  }
0xbf: {  	_ =	sfence.sel $0xFFFF  }
0xc0: {  	[dreg:$0x0] =	wrdreg $0xFFFFFFFF;
	(pc) =	sbr.abs _section_cstart, $3  }
0xc1: {  	[dreg:$0x1] =	wrdreg $0xFFFFFFFF  }
0xc2: {  	_ =	task.clear_ibuf [dreg:s7], $0x2FFFF;
	_ =	strace $0x9FFFFFFF  }
0xc3: {  	(tm) =	ssettm $0x7FFFFFFF  }
tec
execute0_lowered:
.L_overlay_start_1:
0x0: {  	(tag) =	ssettag $0x1  }
0x1: {  	s0 =	rddreg [dreg:$0x0]  }
0x2: {  	s3 =	rddreg [dreg:$0x2];
	s4 =	simm.s32 $0x0;
	s5 =	stileid.u32  }
0x3: {  	s2 =	srdreg.scid;
	s29 =	simm.s32 $0xB2C0;
	s31 =	simm.s32 $0xBA40  }
0x4: {  	s28 =	simm.s32 $0x6;
	s30 =	simm.s32 $0x7;
	s1 =	smul.u32 $0x4E20, s5  }
0x5: {  	[smem:$0x7FF] =	sst s4;
	s14 =	sand.u32 $0x1, s2;
	s19 =	smul.u32 $0x3C00, s5  }
0x6: {  	s5 =	sadd.s32 $0x15E00, s0;
	_ =	strace $0x8000004A;
	s6 =	ssub.s32 $0x2, s14  }
0x7: {  	s16 =	smul.u32 $0x3C000, s14;
	v0 =	vmov s14;
	s14 =	simm.s32 $0x4DD0;
	s1 =	sshrl.u32 s1, $0x3  }
0x8: {  	s7 =	sshrl.u32 s6, $0x1;
	s11 =	sadd.s32 $0xC00, s19;
	s13 =	sadd.s32 $0x1800, s19  }
0x9: {  	s15 =	sadd.s32 $0x2400, s19;
	s17 =	sadd.s32 $0x3000, s19;
	s1 =	sadd.s32 s1, s0  }
0xa: {  	s0 =	sadd.s32 $0x24A00, s0;
	s12 =	ssub.s32 s6, s7;
	s6 =	sadd.s32 s19, s3  }
0xb: {  	s7 =	sadd.s32 s11, s3;
	s8 =	sadd.s32 s13, s3;
	s9 =	sadd.s32 s15, s3  }
0xc: {  	s10 =	sadd.s32 s17, s3;
	s2 =	sadd.s32 s19, s16;
	s11 =	sadd.s32 s16, s11  }
0xd: {  	s22 =	sadd.s32 s16, s13;
	s23 =	sadd.s32 s16, s15;
	s24 =	sadd.s32 s16, s17  }
0xe: {  	s19 =	simm.s32 $0xC1C0;
	s13 =	simm.s32 $0xA;
	s15 =	simm.s32 $0x0  }
0xf: {  	s18 =	sadd.s32 $0x2400, s1;
	s2 =	sshrl.u32 s2, $0x3;
	s11 =	sshrl.u32 s11, $0x3  }
0x10: {  	s1 =	sadd.s32 $0xC040, s1;
	s26 =	smax.u32 s12, $0x1;
	[dreg:$0x4] =	wrdreg s18  }
0x11: {  	s12 =	simm.s32 $0x9;
	[dreg:$0x5] =	wrdreg s1;
	s20 =	sadd.s32 s0, s2  }
0x12: {  	s21 =	sadd.s32 s0, s11;
	s1 =	sshrl.u32 s22, $0x3;
	s2 =	sshrl.u32 s23, $0x3  }
0x13: {  	s11 =	sshrl.u32 s24, $0x3;
	[dreg:$0xb] =	wrdreg s26;
	s22 =	simm.s32 $0x50  }
0x14: {  	s23 =	simm.s32 $0x9C40;
	s24 =	simm.s32 $0xA3C0;
	[dreg:$0x6] =	wrdreg s20  }
0x15: {  	s26 =	simm.s32 $0xAB40;
	[dreg:$0x7] =	wrdreg s21;
	s1 =	sadd.s32 s0, s1  }
0x16: {  	s25 =	sadd.s32 s0, s2;
	s0 =	sadd.s32 s0, s11;
	[dreg:$0x8] =	wrdreg s1  }
0x17: {  	s20 =	simm.s32 $0xB;
	s2 =	simm.s32 $0x3;
	[dreg:$0x9] =	wrdreg s25  }
0x18: {  	s21 =	simm.s32 $0x4;
	s11 =	simm.s32 $0x8;
	[dreg:$0xa] =	wrdreg s0  }
0x19: {  	s0 =	simm.s32 $0x1;
	s1 =	simm.s32 $0x2;
	s25 =	simm.s32 $0x5  }
.LBB2_1:
0x1a: {  	s16 =	rddreg [dreg:$0x1]  }
0x1b: {  	[tilespmem:s19], [sflag:$0xB] =	stream.linear.gather [hbm4b:s16+s4], $0xC00, $0x38;
	[tilespmem:$0x109C0] =	vst v63  }
0x1c: {  	_ =	swait.ge [sflag:s20], $0xC00  }
0x1d: {  	[sflag:s20] =	ssyncset.done $0x0  }
0x1e: {  	[sflag:s20] =	ssyncadd.s32 $0xFFFFF400  }
0x1f: {  	[spmem:s6] =	stream.linear.scatter [tilespmem:s19], [sflag:$0xB], $0xC00, $0x38;
	[tilespmem:$0x109C0] =	vst v63  }
0x20: {  	_ =	swait.ge [sflag:s20], $0xC00  }
0x21: {  	[sflag:s20] =	ssyncset.done $0x0  }
0x22: {  	[sflag:s20] =	ssyncadd.s32 $0xFFFFF400  }
0x23: {  	[spmem:s7] =	stream.linear.scatter [tilespmem:s19], [sflag:$0xB], $0xC00, $0x38;
	[tilespmem:$0x109C0] =	vst v63  }
0x24: {  	_ =	swait.ge [sflag:s20], $0xC00  }
0x25: {  	[sflag:s20] =	ssyncset.done $0x0  }
0x26: {  	[sflag:s20] =	ssyncadd.s32 $0xFFFFF400  }
0x27: {  	[spmem:s8] =	stream.linear.scatter [tilespmem:s19], [sflag:$0xB], $0xC00, $0x38;
	[tilespmem:$0x109C0] =	vst v63  }
0x28: {  	_ =	swait.ge [sflag:s20], $0xC00  }
0x29: {  	[sflag:s20] =	ssyncset.done $0x0  }
0x2a: {  	[sflag:s20] =	ssyncadd.s32 $0xFFFFF400  }
0x2b: {  	[spmem:s9] =	stream.linear.scatter [tilespmem:s19], [sflag:$0xB], $0xC00, $0x38;
	[tilespmem:$0x109C0] =	vst v63  }
0x2c: {  	_ =	swait.ge [sflag:s20], $0xC00  }
0x2d: {  	[sflag:s20] =	ssyncset.done $0x0  }
0x2e: {  	[sflag:s20] =	ssyncadd.s32 $0xFFFFF400  }
0x2f: {  	[spmem:s10] =	stream.linear.scatter [tilespmem:s19], [sflag:$0xB], $0xC00, $0x38;
	[tilespmem:$0x109C0] =	vst v63  }
0x30: {  	_ =	swait.ge [sflag:s20], $0xC00  }
0x31: {  	[sflag:s20] =	ssyncset.done $0x0  }
0x32: {  	s17 =	rddreg [dreg:$0x4];
	[sflag:s20] =	ssyncadd.s32 $0xFFFFF400  }
0x33: {  	[tilespmem:s4], [sflag:$0xB] =	stream.linear.gather [hbm4b:s17+s4], $0x4E20, $0x38;
	[tilespmem:$0x109C0] =	vst v63  }
0x34: {  	_ =	swait.ge [sflag:s20], $0x4E20  }
0x35: {  	[sflag:s20] =	ssyncset.done $0x0  }
0x36: {  	s17 =	simm.s32 $0x4E20;
	s18 =	rddreg [dreg:$0x5];
	[sflag:s20] =	ssyncadd.s32 $0xFFFFB1E0  }
0x37: {  	[tilespmem:s17], [sflag:$0xB] =	stream.linear.gather [hbm4b:s18+s4], $0x4E20, $0x38;
	[tilespmem:$0x109C0] =	vst v63  }
0x38: {  	_ =	swait.ge [sflag:s20], $0x4E20  }
0x39: {  	[sflag:s20] =	ssyncset.done $0x0  }
0x3a: {  	s16 =	simm.s32 $0x0;
	[sflag:s20] =	ssyncadd.s32 $0xFFFFB1E0  }
0x3b: {  	v3 =	vld [tilespmem:s16+$0x0]  }
0x3c: {  	v4 =	vld [tilespmem:s16+$0x10]  }
0x3d: {  	v2 =	vld [tilespmem:s16+$0x20]  }
0x3e: {  	s17 =	simm.s32 $0x140;
	v1 =	vld [tilespmem:s16+$0x30]  }
.LBB2_2:
0x3f: {  	p0 =	sne.s32 s17, $0x13740;
	v5 =	vld [tilespmem:s16+$0x40]  }
0x40: {  	v3 =	vshll.u32 v3, $0x1  }
0x41: {  	v3 =	vor.u32 v0, v3;
	v4 =	vshll.u32 v4, $0x1  }
.Ltmp0:
0x42: {  	s18 =	sshra.s32 s17, $0x2;
	[tilespmem:s16+$0x0] =	vst v3;
	v4 =	vor.u32 v0, v4;
	v2 =	vshll.u32 v2, $0x1;
	(pc) =	sbr.rel @p0 .LBB2_2-.Ltmp0, $4  }
0x43: {  	v3 =	vld [tilespmem:s18+$0x0];
	[tilespmem:s16+$0x10] =	vst v4;
	v2 =	vor.u32 v0, v2;
	v1 =	vshll.u32 v1, $0x1  }
0x44: {  	v4 =	vld [tilespmem:s18+$0x10];
	[tilespmem:s16+$0x20] =	vst v2;
	v1 =	vor.u32 v0, v1;
	v5 =	vshll.u32 v5, $0x1  }
0x45: {  	v2 =	vld [tilespmem:s18+$0x20];
	[tilespmem:s16+$0x30] =	vst v1;
	v5 =	vor.u32 v0, v5  }
0x46: {  	s17 =	sadd.s32 $0x140, s17;
	v1 =	vld [tilespmem:s18+$0x30];
	[tilespmem:s16+$0x40] =	vst v5;
	s16 =	smov.u32 s18  }
0x47: {  	v5 =	vld [tilespmem:s16+$0x40]  }
0x48: {  	v3 =	vshll.u32 v3, $0x1  }
0x49: {  	v3 =	vor.u32 v0, v3;
	v4 =	vshll.u32 v4, $0x1  }
0x4a: {  	[tilespmem:s16+$0x0] =	vst v3;
	v3 =	vor.u32 v0, v4;
	v2 =	vshll.u32 v2, $0x1  }
0x4b: {  	[tilespmem:s16+$0x10] =	vst v3;
	v2 =	vor.u32 v0, v2;
	v1 =	vshll.u32 v1, $0x1  }
0x4c: {  	[tilespmem:s16+$0x20] =	vst v2;
	v1 =	vor.u32 v0, v1;
	v2 =	vshll.u32 v5, $0x1  }
0x4d: {  	[tilespmem:s16+$0x30] =	vst v1;
	v1 =	vor.u32 v0, v2  }
0x4e: {  	[tilespmem:s16+$0x40] =	vst v1  }
0x4f: {  	s18 =	simm.s32 $0x0;
	[bflag:$0x0] =	sbarrier.arrive $0xFFFF  }
0x50: {  	[tilespmem:s23], [sflag:$0x1] =	stream.indirect.gather [hbm4b:s5+s22], $0x18, s18, s22, $0xb8;
	[tilespmem:$0x109C0] =	vst v63  }
0x51: {  	_ = 	snop  }
0x52: {  	[tilespmem:s24], [sflag:$0x2] =	stream.indirect.gather [hbm4b:s5+s22], $0x18, s22, s22, $0xb8;
	[tilespmem:$0x109C0] =	vst v63  }
0x53: {  	s17 =	simm.s32 $0xA0  }
0x54: {  	[tilespmem:s26], [sflag:$0x3] =	stream.indirect.gather [hbm4b:s5+s22], $0x18, s17, s22, $0xb8;
	[tilespmem:$0x109C0] =	vst v63  }
0x55: {  	s18 =	simm.s32 $0xF0  }
0x56: {  	[tilespmem:s29], [sflag:$0x4] =	stream.indirect.gather [hbm4b:s5+s22], $0x18, s18, s22, $0xb8;
	[tilespmem:$0x109C0] =	vst v63  }
0x57: {  	s17 =	simm.s32 $0x140  }
0x58: {  	[tilespmem:s31], [sflag:$0x5] =	stream.indirect.gather [hbm4b:s5+s22], $0x18, s17, s22, $0xb8;
	[tilespmem:$0x109C0] =	vst v63  }
0x59: {  	_ =	swait.ge [sflag:s0], $0x780  }
0x5a: {  	[sflag:s0] =	ssyncset.done $0x0  }
0x5b: {  	s18 =	simm.s32 $0x4E20;
	[sflag:s0] =	ssyncadd.s32 $0xFFFFF880  }
0x5c: {  	[spmem:s3] =	stream.indirect.scatter.add.f32 [tilespmem:s23], [sflag:$0x6], $0x18, s18, s22, $0xb8;
	[tilespmem:$0x109C0] =	vst v63  }
0x5d: {  	_ =	swait.ge [sflag:s1], $0x780  }
0x5e: {  	[sflag:s1] =	ssyncset.done $0x0  }
0x5f: {  	s17 =	simm.s32 $0x4E70;
	[sflag:s1] =	ssyncadd.s32 $0xFFFFF880  }
0x60: {  	[spmem:s3] =	stream.indirect.scatter.add.f32 [tilespmem:s24], [sflag:$0x7], $0x18, s17, s22, $0xb8;
	[tilespmem:$0x109C0] =	vst v63  }
0x61: {  	_ =	swait.ge [sflag:s2], $0x780  }
0x62: {  	[sflag:s2] =	ssyncset.done $0x0  }
0x63: {  	s18 =	simm.s32 $0x4EC0;
	[sflag:s2] =	ssyncadd.s32 $0xFFFFF880  }
0x64: {  	[spmem:s3] =	stream.indirect.scatter.add.f32 [tilespmem:s26], [sflag:$0x8], $0x18, s18, s22, $0xb8;
	[tilespmem:$0x109C0] =	vst v63  }
0x65: {  	_ =	swait.ge [sflag:s21], $0x780  }
0x66: {  	[sflag:s21] =	ssyncset.done $0x0  }
0x67: {  	s17 =	simm.s32 $0x4F10;
	[sflag:s21] =	ssyncadd.s32 $0xFFFFF880  }
0x68: {  	[spmem:s3] =	stream.indirect.scatter.add.f32 [tilespmem:s29], [sflag:$0x9], $0x18, s17, s22, $0xb8;
	[tilespmem:$0x109C0] =	vst v63  }
0x69: {  	_ =	swait.ge [sflag:s25], $0x780  }
0x6a: {  	[sflag:s25] =	ssyncset.done $0x0  }
0x6b: {  	s18 =	simm.s32 $0x4F60;
	[sflag:s25] =	ssyncadd.s32 $0xFFFFF880  }
0x6c: {  	[spmem:s3] =	stream.indirect.scatter.add.f32 [tilespmem:s31], [sflag:$0xA], $0x18, s18, s22, $0xb8;
	[tilespmem:$0x109C0] =	vst v63  }
0x6d: {  	_ =	swait.ge [sflag:s28], $0x780  }
0x6e: {  	[sflag:s28] =	ssyncset.done $0x0  }
0x6f: {  	s17 =	simm.s32 $0x190;
	[sflag:s28] =	ssyncadd.s32 $0xFFFFF880  }
0x70: {  	[tilespmem:s23], [sflag:$0x1] =	stream.indirect.gather [hbm4b:s5+s22], $0x18, s17, s22, $0xb8;
	[tilespmem:$0x109C0] =	vst v63  }
0x71: {  	_ =	swait.ge [sflag:s30], $0x780  }
0x72: {  	[sflag:s30] =	ssyncset.done $0x0  }
0x73: {  	s18 =	simm.s32 $0x1E0;
	[sflag:s30] =	ssyncadd.s32 $0xFFFFF880  }
0x74: {  	[tilespmem:s24], [sflag:$0x2] =	stream.indirect.gather [hbm4b:s5+s22], $0x18, s18, s22, $0xb8;
	[tilespmem:$0x109C0] =	vst v63  }
0x75: {  	_ =	swait.ge [sflag:s11], $0x780  }
0x76: {  	[sflag:s11] =	ssyncset.done $0x0  }
0x77: {  	s17 =	simm.s32 $0x230;
	[sflag:s11] =	ssyncadd.s32 $0xFFFFF880  }
0x78: {  	[tilespmem:s26], [sflag:$0x3] =	stream.indirect.gather [hbm4b:s5+s22], $0x18, s17, s22, $0xb8;
	[tilespmem:$0x109C0] =	vst v63  }
0x79: {  	_ =	swait.ge [sflag:s12], $0x780  }
0x7a: {  	[sflag:s12] =	ssyncset.done $0x0  }
0x7b: {  	s18 =	simm.s32 $0x280;
	[sflag:s12] =	ssyncadd.s32 $0xFFFFF880  }
0x7c: {  	[tilespmem:s29], [sflag:$0x4] =	stream.indirect.gather [hbm4b:s5+s22], $0x18, s18, s22, $0xb8;
	[tilespmem:$0x109C0] =	vst v63  }
0x7d: {  	_ =	swait.ge [sflag:s13], $0x780  }
0x7e: {  	[sflag:s13] =	ssyncset.done $0x0  }
0x7f: {  	s16 =	simm.s32 $0x640;
	s17 =	simm.s32 $0x2D0;
	[sflag:s13] =	ssyncadd.s32 $0xFFFFF880  }
.LBB2_4:
0x80: {  	[tilespmem:s31], [sflag:$0x5] =	stream.indirect.gather [hbm4b:s5+s22], $0x18, s17, s22, $0xb8;
	[tilespmem:$0x109C0] =	vst v63  }
0x81: {  	s17 =	smov.u32 s16;
	s16 =	sadd.s32 $0x640, s16;
	_ =	swait.ge [sflag:s0], $0x780  }
0x82: {  	s17 =	sshra.s32 s17, $0x2;
	p0 =	sne.s32 s16, $0x12C00;
	[sflag:s0] =	ssyncset.done $0x0  }
0x83: {  	s18 =	sadd.s32 $0x4E20, s17;
	[sflag:s0] =	ssyncadd.s32 $0xFFFFF880  }
0x84: {  	[spmem:s3] =	stream.indirect.scatter.add.f32 [tilespmem:s23], [sflag:$0x6], $0x18, s18, s22, $0xb8;
	[tilespmem:$0x109C0] =	vst v63  }
0x85: {  	_ =	swait.ge [sflag:s1], $0x780  }
0x86: {  	[sflag:s1] =	ssyncset.done $0x0  }
0x87: {  	s18 =	sadd.s32 $0x4E70, s17;
	[sflag:s1] =	ssyncadd.s32 $0xFFFFF880  }
0x88: {  	[spmem:s3] =	stream.indirect.scatter.add.f32 [tilespmem:s24], [sflag:$0x7], $0x18, s18, s22, $0xb8;
	[tilespmem:$0x109C0] =	vst v63  }
0x89: {  	_ =	swait.ge [sflag:s2], $0x780  }
0x8a: {  	[sflag:s2] =	ssyncset.done $0x0  }
0x8b: {  	s18 =	sadd.s32 $0x4EC0, s17;
	[sflag:s2] =	ssyncadd.s32 $0xFFFFF880  }
0x8c: {  	[spmem:s3] =	stream.indirect.scatter.add.f32 [tilespmem:s26], [sflag:$0x8], $0x18, s18, s22, $0xb8;
	[tilespmem:$0x109C0] =	vst v63  }
0x8d: {  	_ =	swait.ge [sflag:s21], $0x780  }
0x8e: {  	[sflag:s21] =	ssyncset.done $0x0  }
0x8f: {  	s18 =	sadd.s32 $0x4F10, s17;
	[sflag:s21] =	ssyncadd.s32 $0xFFFFF880  }
0x90: {  	[spmem:s3] =	stream.indirect.scatter.add.f32 [tilespmem:s29], [sflag:$0x9], $0x18, s18, s22, $0xb8;
	[tilespmem:$0x109C0] =	vst v63  }
0x91: {  	_ =	swait.ge [sflag:s25], $0x780  }
0x92: {  	[sflag:s25] =	ssyncset.done $0x0  }
0x93: {  	s18 =	sadd.s32 $0x4F60, s17;
	[sflag:s25] =	ssyncadd.s32 $0xFFFFF880  }
0x94: {  	[spmem:s3] =	stream.indirect.scatter.add.f32 [tilespmem:s31], [sflag:$0xA], $0x18, s18, s22, $0xb8;
	[tilespmem:$0x109C0] =	vst v63  }
0x95: {  	_ =	swait.ge [sflag:s28], $0x780  }
0x96: {  	[sflag:s28] =	ssyncset.done $0x0  }
0x97: {  	s18 =	sadd.s32 $0x190, s17;
	[sflag:s28] =	ssyncadd.s32 $0xFFFFF880  }
0x98: {  	[tilespmem:s23], [sflag:$0x1] =	stream.indirect.gather [hbm4b:s5+s22], $0x18, s18, s22, $0xb8;
	[tilespmem:$0x109C0] =	vst v63  }
0x99: {  	_ =	swait.ge [sflag:s30], $0x780  }
0x9a: {  	[sflag:s30] =	ssyncset.done $0x0  }
0x9b: {  	s18 =	sadd.s32 $0x1E0, s17;
	[sflag:s30] =	ssyncadd.s32 $0xFFFFF880  }
0x9c: {  	[tilespmem:s24], [sflag:$0x2] =	stream.indirect.gather [hbm4b:s5+s22], $0x18, s18, s22, $0xb8;
	[tilespmem:$0x109C0] =	vst v63  }
0x9d: {  	_ =	swait.ge [sflag:s11], $0x780  }
0x9e: {  	[sflag:s11] =	ssyncset.done $0x0  }
0x9f: {  	s18 =	sadd.s32 $0x230, s17;
	[sflag:s11] =	ssyncadd.s32 $0xFFFFF880  }
0xa0: {  	[tilespmem:s26], [sflag:$0x3] =	stream.indirect.gather [hbm4b:s5+s22], $0x18, s18, s22, $0xb8;
	[tilespmem:$0x109C0] =	vst v63  }
0xa1: {  	_ =	swait.ge [sflag:s12], $0x780  }
0xa2: {  	[sflag:s12] =	ssyncset.done $0x0  }
.Ltmp1:
0xa3: {  	s18 =	sadd.s32 $0x280, s17;
	[sflag:s12] =	ssyncadd.s32 $0xFFFFF880;
	(pc) =	sbr.rel @p0 .LBB2_4-.Ltmp1, $4  }
0xa4: {  	[tilespmem:s29], [sflag:$0x4] =	stream.indirect.gather [hbm4b:s5+s22], $0x18, s18, s22, $0xb8;
	[tilespmem:$0x109C0] =	vst v63  }
0xa5: {  	_ =	swait.ge [sflag:s13], $0x780  }
0xa6: {  	[sflag:s13] =	ssyncset.done $0x0  }
0xa7: {  	s17 =	sadd.s32 $0x2D0, s17;
	[sflag:s13] =	ssyncadd.s32 $0xFFFFF880  }
0xa8: {  	[tilespmem:s31], [sflag:$0x5] =	stream.indirect.gather [hbm4b:s5+s22], $0x18, s17, s22, $0xb8;
	[tilespmem:$0x109C0] =	vst v63  }
0xa9: {  	_ =	swait.ge [sflag:s0], $0x780  }
0xaa: {  	s16 =	sshra.s32 s16, $0x2;
	[sflag:s0] =	ssyncset.done $0x0  }
0xab: {  	s18 =	sadd.s32 $0x4E20, s16;
	[sflag:s0] =	ssyncadd.s32 $0xFFFFF880  }
0xac: {  	[spmem:s3] =	stream.indirect.scatter.add.f32 [tilespmem:s23], [sflag:$0x6], $0x18, s18, s22, $0xb8;
	[tilespmem:$0x109C0] =	vst v63  }
0xad: {  	_ =	swait.ge [sflag:s1], $0x780  }
0xae: {  	[sflag:s1] =	ssyncset.done $0x0  }
0xaf: {  	s18 =	sadd.s32 $0x4E70, s16;
	[sflag:s1] =	ssyncadd.s32 $0xFFFFF880  }
0xb0: {  	[spmem:s3] =	stream.indirect.scatter.add.f32 [tilespmem:s24], [sflag:$0x7], $0x18, s18, s22, $0xb8;
	[tilespmem:$0x109C0] =	vst v63  }
0xb1: {  	_ =	swait.ge [sflag:s2], $0x780  }
0xb2: {  	[sflag:s2] =	ssyncset.done $0x0  }
0xb3: {  	s18 =	sadd.s32 $0x4EC0, s16;
	[sflag:s2] =	ssyncadd.s32 $0xFFFFF880  }
0xb4: {  	[spmem:s3] =	stream.indirect.scatter.add.f32 [tilespmem:s26], [sflag:$0x8], $0x18, s18, s22, $0xb8;
	[tilespmem:$0x109C0] =	vst v63  }
0xb5: {  	_ =	swait.ge [sflag:s21], $0x780  }
0xb6: {  	[sflag:s21] =	ssyncset.done $0x0  }
0xb7: {  	s18 =	sadd.s32 $0x4F10, s16;
	[sflag:s21] =	ssyncadd.s32 $0xFFFFF880  }
0xb8: {  	[spmem:s3] =	stream.indirect.scatter.add.f32 [tilespmem:s29], [sflag:$0x9], $0x18, s18, s22, $0xb8;
	[tilespmem:$0x109C0] =	vst v63  }
0xb9: {  	_ =	swait.ge [sflag:s25], $0x780  }
0xba: {  	[sflag:s25] =	ssyncset.done $0x0  }
0xbb: {  	s18 =	sadd.s32 $0x4F60, s16;
	[sflag:s25] =	ssyncadd.s32 $0xFFFFF880  }
0xbc: {  	[spmem:s3] =	stream.indirect.scatter.add.f32 [tilespmem:s31], [sflag:$0xA], $0x18, s18, s22, $0xb8;
	[tilespmem:$0x109C0] =	vst v63  }
0xbd: {  	_ =	swait.ge [sflag:s28], $0x780  }
0xbe: {  	[sflag:s28] =	ssyncset.done $0x0  }
0xbf: {  	s18 =	sadd.s32 $0x190, s16;
	[sflag:s28] =	ssyncadd.s32 $0xFFFFF880  }
0xc0: {  	[tilespmem:s23], [sflag:$0x1] =	stream.indirect.gather [hbm4b:s5+s22], $0x18, s18, s22, $0xb8;
	[tilespmem:$0x109C0] =	vst v63  }
0xc1: {  	_ =	swait.ge [sflag:s30], $0x780  }
0xc2: {  	[sflag:s30] =	ssyncset.done $0x0  }
0xc3: {  	s18 =	sadd.s32 $0x1E0, s16;
	[sflag:s30] =	ssyncadd.s32 $0xFFFFF880  }
0xc4: {  	[tilespmem:s24], [sflag:$0x2] =	stream.indirect.gather [hbm4b:s5+s22], $0x18, s18, s22, $0xb8;
	[tilespmem:$0x109C0] =	vst v63  }
0xc5: {  	_ =	swait.ge [sflag:s11], $0x780  }
0xc6: {  	[sflag:s11] =	ssyncset.done $0x0  }
0xc7: {  	s18 =	sadd.s32 $0x230, s16;
	[sflag:s11] =	ssyncadd.s32 $0xFFFFF880  }
0xc8: {  	[tilespmem:s26], [sflag:$0x3] =	stream.indirect.gather [hbm4b:s5+s22], $0x18, s18, s22, $0xb8;
	[tilespmem:$0x109C0] =	vst v63  }
0xc9: {  	_ =	swait.ge [sflag:s12], $0x780  }
0xca: {  	[sflag:s12] =	ssyncset.done $0x0  }
0xcb: {  	s18 =	sadd.s32 $0x280, s16;
	[sflag:s12] =	ssyncadd.s32 $0xFFFFF880  }
0xcc: {  	[tilespmem:s29], [sflag:$0x4] =	stream.indirect.gather [hbm4b:s5+s22], $0x18, s18, s22, $0xb8;
	[tilespmem:$0x109C0] =	vst v63  }
0xcd: {  	_ =	swait.ge [sflag:s13], $0x780  }
0xce: {  	[sflag:s13] =	ssyncset.done $0x0  }
0xcf: {  	s16 =	sadd.s32 $0x2D0, s16;
	[sflag:s13] =	ssyncadd.s32 $0xFFFFF880  }
0xd0: {  	[tilespmem:s31], [sflag:$0x5] =	stream.indirect.gather [hbm4b:s5+s22], $0x18, s16, s22, $0xb8;
	[tilespmem:$0x109C0] =	vst v63  }
0xd1: {  	_ =	swait.ge [sflag:s0], $0x780  }
0xd2: {  	[sflag:s0] =	ssyncset.done $0x0  }
0xd3: {  	s18 =	simm.s32 $0x9AB0;
	[sflag:s0] =	ssyncadd.s32 $0xFFFFF880  }
0xd4: {  	[spmem:s3] =	stream.indirect.scatter.add.f32 [tilespmem:s23], [sflag:$0x6], $0x18, s18, s22, $0xb8;
	[tilespmem:$0x109C0] =	vst v63  }
0xd5: {  	_ =	swait.ge [sflag:s1], $0x780  }
0xd6: {  	[sflag:s1] =	ssyncset.done $0x0  }
0xd7: {  	s17 =	simm.s32 $0x9B00;
	[sflag:s1] =	ssyncadd.s32 $0xFFFFF880  }
0xd8: {  	[spmem:s3] =	stream.indirect.scatter.add.f32 [tilespmem:s24], [sflag:$0x7], $0x18, s17, s22, $0xb8;
	[tilespmem:$0x109C0] =	vst v63  }
0xd9: {  	_ =	swait.ge [sflag:s2], $0x780  }
0xda: {  	[sflag:s2] =	ssyncset.done $0x0  }
0xdb: {  	s18 =	simm.s32 $0x9B50;
	[sflag:s2] =	ssyncadd.s32 $0xFFFFF880  }
0xdc: {  	[spmem:s3] =	stream.indirect.scatter.add.f32 [tilespmem:s26], [sflag:$0x8], $0x18, s18, s22, $0xb8;
	[tilespmem:$0x109C0] =	vst v63  }
0xdd: {  	_ =	swait.ge [sflag:s21], $0x780  }
0xde: {  	[sflag:s21] =	ssyncset.done $0x0  }
0xdf: {  	s17 =	simm.s32 $0x9BA0;
	[sflag:s21] =	ssyncadd.s32 $0xFFFFF880  }
0xe0: {  	[spmem:s3] =	stream.indirect.scatter.add.f32 [tilespmem:s29], [sflag:$0x9], $0x18, s17, s22, $0xb8;
	[tilespmem:$0x109C0] =	vst v63  }
0xe1: {  	_ =	swait.ge [sflag:s25], $0x780  }
0xe2: {  	[sflag:s25] =	ssyncset.done $0x0  }
0xe3: {  	s18 =	simm.s32 $0x9BF0;
	[sflag:s25] =	ssyncadd.s32 $0xFFFFF880  }
0xe4: {  	[spmem:s3] =	stream.indirect.scatter.add.f32 [tilespmem:s31], [sflag:$0xA], $0x18, s18, s22, $0xb8;
	[tilespmem:$0x109C0] =	vst v63  }
0xe5: {  	_ =	swait.ge [sflag:s28], $0x780  }
0xe6: {  	[sflag:s28] =	ssyncset.done $0x0  }
0xe7: {  	[sflag:s28] =	ssyncadd.s32 $0xFFFFF880  }
0xe8: {  	[tilespmem:s23], [sflag:$0x1] =	stream.indirect.gather [hbm4b:s5+s22], $0x18, s14, s22, $0xb8;
	[tilespmem:$0x109C0] =	vst v63  }
0xe9: {  	_ =	swait.ge [sflag:s30], $0x780  }
0xea: {  	[sflag:s30] =	ssyncset.done $0x0  }
0xeb: {  	[sflag:s30] =	ssyncadd.s32 $0xFFFFF880  }
0xec: {  	[tilespmem:s24], [sflag:$0x2] =	stream.indirect.gather [hbm4b:s5+s22], $0x18, s14, s22, $0xb8;
	[tilespmem:$0x109C0] =	vst v63  }
0xed: {  	_ =	swait.ge [sflag:s11], $0x780  }
0xee: {  	[sflag:s11] =	ssyncset.done $0x0  }
0xef: {  	[sflag:s11] =	ssyncadd.s32 $0xFFFFF880  }
0xf0: {  	[tilespmem:s26], [sflag:$0x3] =	stream.indirect.gather [hbm4b:s5+s22], $0x18, s14, s22, $0xb8;
	[tilespmem:$0x109C0] =	vst v63  }
0xf1: {  	_ =	swait.ge [sflag:s12], $0x780  }
0xf2: {  	[sflag:s12] =	ssyncset.done $0x0  }
0xf3: {  	[sflag:s12] =	ssyncadd.s32 $0xFFFFF880  }
0xf4: {  	[tilespmem:s29], [sflag:$0x4] =	stream.indirect.gather [hbm4b:s5+s22], $0x18, s14, s22, $0xb8;
	[tilespmem:$0x109C0] =	vst v63  }
0xf5: {  	_ =	swait.ge [sflag:s13], $0x780  }
0xf6: {  	[sflag:s13] =	ssyncset.done $0x0  }
0xf7: {  	[sflag:s13] =	ssyncadd.s32 $0xFFFFF880  }
0xf8: {  	[tilespmem:s31], [sflag:$0x5] =	stream.indirect.gather [hbm4b:s5+s22], $0x18, s14, s22, $0xb8;
	[tilespmem:$0x109C0] =	vst v63  }
0xf9: {  	_ =	swait.ge [sflag:s0], $0x780  }
0xfa: {  	[sflag:s0] =	ssyncset.done $0x0  }
0xfb: {  	[sflag:s0] =	ssyncadd.s32 $0xFFFFF880  }
0xfc: {  	_ =	swait.ge [sflag:s1], $0x780  }
0xfd: {  	[sflag:s1] =	ssyncset.done $0x0  }
0xfe: {  	[sflag:s1] =	ssyncadd.s32 $0xFFFFF880  }
0xff: {  	_ =	swait.ge [sflag:s2], $0x780  }
0x100: {  	[sflag:s2] =	ssyncset.done $0x0  }
0x101: {  	[sflag:s2] =	ssyncadd.s32 $0xFFFFF880  }
0x102: {  	_ =	swait.ge [sflag:s21], $0x780  }
0x103: {  	[sflag:s21] =	ssyncset.done $0x0  }
0x104: {  	[sflag:s21] =	ssyncadd.s32 $0xFFFFF880  }
0x105: {  	_ =	swait.ge [sflag:s25], $0x780  }
0x106: {  	[sflag:s25] =	ssyncset.done $0x0  }
0x107: {  	[sflag:s25] =	ssyncadd.s32 $0xFFFFF880  }
0x108: {  	[bflag:$0x0] =	sbarrier.arrive $0xFFFF  }
0x109: {  	[tilespmem:s19], [sflag:$0xB] =	stream.linear.gather [spmem:s6], $0xC00, $0x38;
	[tilespmem:$0x109C0] =	vst v63  }
0x10a: {  	_ =	swait.ge [sflag:s20], $0xC00  }
0x10b: {  	[sflag:s20] =	ssyncset.done $0x0  }
0x10c: {  	s17 =	rddreg [dreg:$0x6];
	[sflag:s20] =	ssyncadd.s32 $0xFFFFF400  }
0x10d: {  	[hbm4b:s17+s4] =	stream.linear.scatter [tilespmem:s19], [sflag:$0xB], $0xC00, $0x38;
	[tilespmem:$0x109C0] =	vst v63  }
0x10e: {  	_ =	swait.ge [sflag:s20], $0xC00  }
0x10f: {  	[sflag:s20] =	ssyncset.done $0x0  }
0x110: {  	[sflag:s20] =	ssyncadd.s32 $0xFFFFF400  }
0x111: {  	[tilespmem:s19], [sflag:$0xB] =	stream.linear.gather [spmem:s7], $0xC00, $0x38;
	[tilespmem:$0x109C0] =	vst v63  }
0x112: {  	_ =	swait.ge [sflag:s20], $0xC00  }
0x113: {  	[sflag:s20] =	ssyncset.done $0x0  }
0x114: {  	s18 =	rddreg [dreg:$0x7];
	[sflag:s20] =	ssyncadd.s32 $0xFFFFF400  }
0x115: {  	[hbm4b:s18+s4] =	stream.linear.scatter [tilespmem:s19], [sflag:$0xB], $0xC00, $0x38;
	[tilespmem:$0x109C0] =	vst v63  }
0x116: {  	_ =	swait.ge [sflag:s20], $0xC00  }
0x117: {  	[sflag:s20] =	ssyncset.done $0x0  }
0x118: {  	[sflag:s20] =	ssyncadd.s32 $0xFFFFF400  }
0x119: {  	[tilespmem:s19], [sflag:$0xB] =	stream.linear.gather [spmem:s8], $0xC00, $0x38;
	[tilespmem:$0x109C0] =	vst v63  }
0x11a: {  	_ =	swait.ge [sflag:s20], $0xC00  }
0x11b: {  	[sflag:s20] =	ssyncset.done $0x0  }
0x11c: {  	s17 =	rddreg [dreg:$0x8];
	[sflag:s20] =	ssyncadd.s32 $0xFFFFF400  }
0x11d: {  	[hbm4b:s17+s4] =	stream.linear.scatter [tilespmem:s19], [sflag:$0xB], $0xC00, $0x38;
	[tilespmem:$0x109C0] =	vst v63  }
0x11e: {  	_ =	swait.ge [sflag:s20], $0xC00  }
0x11f: {  	[sflag:s20] =	ssyncset.done $0x0  }
0x120: {  	[sflag:s20] =	ssyncadd.s32 $0xFFFFF400  }
0x121: {  	[tilespmem:s19], [sflag:$0xB] =	stream.linear.gather [spmem:s9], $0xC00, $0x38;
	[tilespmem:$0x109C0] =	vst v63  }
0x122: {  	_ =	swait.ge [sflag:s20], $0xC00  }
0x123: {  	[sflag:s20] =	ssyncset.done $0x0  }
0x124: {  	s18 =	rddreg [dreg:$0x9];
	[sflag:s20] =	ssyncadd.s32 $0xFFFFF400  }
0x125: {  	[hbm4b:s18+s4] =	stream.linear.scatter [tilespmem:s19], [sflag:$0xB], $0xC00, $0x38;
	[tilespmem:$0x109C0] =	vst v63  }
0x126: {  	_ =	swait.ge [sflag:s20], $0xC00  }
0x127: {  	[sflag:s20] =	ssyncset.done $0x0  }
0x128: {  	[sflag:s20] =	ssyncadd.s32 $0xFFFFF400  }
0x129: {  	[tilespmem:s19], [sflag:$0xB] =	stream.linear.gather [spmem:s10], $0xC00, $0x38;
	[tilespmem:$0x109C0] =	vst v63  }
0x12a: {  	_ =	swait.ge [sflag:s20], $0xC00  }
0x12b: {  	[sflag:s20] =	ssyncset.done $0x0  }
0x12c: {  	s17 =	rddreg [dreg:$0xa];
	[sflag:s20] =	ssyncadd.s32 $0xFFFFF400  }
0x12d: {  	[hbm4b:s17+s4] =	stream.linear.scatter [tilespmem:s19], [sflag:$0xB], $0xC00, $0x38;
	[tilespmem:$0x109C0] =	vst v63  }
0x12e: {  	_ =	swait.ge [sflag:s20], $0xC00  }
0x12f: {  	s15 =	sadd.s32 $0x1, s15;
	s18 =	rddreg [dreg:$0xb]  }
0x130: {  	p0 =	sne.s32 s15, s18  }
.Ltmp2:
0x131: {  	_ = 	snop;
	(pc) =	sbr.rel @p0 .LBB2_1-.Ltmp2, $3  }
0x132: {  	_ =	sdelay $0x1  }
0x133: {  	[sflag:s20] =	ssyncset.done $0x0  }
0x134: {  	[sflag:s20] =	ssyncadd.s32 $0xFFFFF400  }
0x135: {  	_ =	sfence.sel $0x180000  }
0x136: {  	[bflag:$0x0] =	sbarrier.arrive $0xFFFF  }
0x137: {  	_ =	strace $0x9000004A  }
0x138: {  	s0 =	stileid.u32;
	[bflag:$0x2] =	sbarrier.arrive $0xFFFF  }
0x139: {  	p0 =	sne.s32 s0, $0x0;
	s0 =	rddreg [dreg:$0x3]  }
0x13a: {  	s0 =	sadd.s32 @!p0 $0x100000, s0  }
0x13b: {  	[sflag:s0] =	ssyncadd.tile.s32 @!p0 $0x1;
	_ =	shalt  }
.Lfunc_end2:
_tile_overlayer_lowered:
.L_overlay_start_2:
0x13c: {  	(tag) =	ssettag $0x2  }
0x13d: {  	s0 =	rddreg [dreg:$0x0];
	s2 =	stileid.u32  }
0x13e: {  	s1 =	rddreg [dreg:$0x1];
	p0 =	sne.s32 s2, $0x0  }
0x13f: {  	s3 =	rddreg [dreg:$0x2];
	[bflag:$0x3] =	sbarrier.arrive $0xFFFF;
	s2 =	simm.s32 @!p0 $0x1C0B  }
0x140: {  	[timem:s3], [sflag:s2] =	dma.local @!p0 [hbm:s0], s1  }
0x141: {  	s0 =	simm.s32 @!p0 $0xB  }
0x142: {  	_ =	swait.ge @!p0 [sflag:s0], s1  }
0x143: {  	s1 =	ssub.s32 @!p0 $0x0, s1;
	[sflag:s0] =	ssyncset.done @!p0 $0x0  }
0x144: {  	[sflag:s0] =	ssyncadd.s32 @!p0 s1  }
0x145: {  	[bflag:$0x3] =	sbarrier.arrive $0xFFFF  }
0x146: {  	_ =	shalt  }

// kernel: kernel.7.cloned.1.call-start
scs
__scs_entry_jumppad:
0x0: {  	(pc) =	sbr.rel $0x88, $3  }
0x1: {  	(tag) =	ssettag $0x0;
	lr =	simm.s32 $0x1  }
0x2: {  	[smem:$0x3F99] =	sst lr;
	_ =	strace $0xD0000000  }
0x3: {  	_ = 	snop  }
0x4: {  	_ = 	snop  }
0x5: {  	_ = 	snop  }
0x6: {  	_ = 	snop  }
0x7: {  	_ = 	snop  }
__scs_overlays_trampoline_lowered:
0x8: {  	[smem:$0x3FA8] =	sst s0  }
0x9: {  	[smem:$0x3FA9] =	sst s1  }
0xa: {  	[smem:$0x3FAA] =	sst s2  }
0xb: {  	[smem:$0x3FAB] =	sst s3  }
0xc: {  	[smem:$0x3FAC] =	sst s4  }
0xd: {  	[smem:$0x3FAD] =	sst s5  }
0xe: {  	[smem:$0x3FAE] =	sst s6  }
0xf: {  	[smem:$0x3FAF] =	sst s7  }
0x10: {  	[smem:$0x3FB0] =	sst s8  }
0x11: {  	[smem:$0x3FB1] =	sst s9;
	s0 =	simm.s32 @!p0 $0x0  }
0x12: {  	s1 =	sld [smem:$0x3F97];
	s0 =	simm.s32 @p0 $0x1  }
0x13: {  	[smem:$0x3FB2] =	sst s0;
	s0 =	simm.s32 @!p1 $0x0  }
0x14: {  	s2 =	sld [smem:$0x3F96];
	s0 =	simm.s32 @p1 $0x1  }
0x15: {  	[smem:$0x3FB3] =	sst s0;
	s0 =	simm.s32 @!p2 $0x0  }
0x16: {  	s3 =	sld [smem:$0x3FDB];
	s0 =	simm.s32 @p2 $0x1  }
0x17: {  	s4 =	simm.s32 $0x1BF5;
	[smem:$0x3FB5] =	sst s0  }
0x18: {  	s0 =	sld [smem:$0x3F98];
	_ =	swait.ge [sflag:s4], $0x0  }
0x19: {  	s7 =	sld [smem:$0x3F99]  }
0x1a: {  	s8 =	sadd.s32 $0xFFFFE003, lr  }
0x1b: {  	s9 =	sadd.s32 $0xFFFFFEF7, lr;
	s5 =	simm.s32 $0xFFFFFFFF;
	p2 =	slt.u32 s8, $0xFFFFF086  }
0x1c: {  	p1 =	slt.u32 s9, $0xF7A;
	s5 =	simm.s32 @!p2 $0x0  }
0x1d: {  	s5 =	simm.s32 @p1 $0x1;
	p0 =	seq.s32 s7, s2  }
0x1e: {  	s7 =	smul.u32 @!p0 $0xF7A, s2;
	p2 =	seq.s32 @!p0 s5, $0x0  }
0x1f: {  	s9 =	smul.u32 $0xF7A, s1;
	s8 =	simm.s32 @!p0 $0x1BF5;
	p2 =	por !p2, p0  }
0x20: {  	[sflag:s8] =	ssyncset.s32 @!p0 $0xFFFFF086;
	s6 =	sadd.s32 @!p0 s3, s7;
	s7 =	simm.s32 @!p0 $0x108  }
0x21: {  	s3 =	sadd.s32 s3, s9;
	s6 =	sadd.s32 @!p0 $0x88, s6;
	s7 =	simm.s32 @p2 $0x1082  }
0x22: {  	[simem:s7], [sflag:s8] =	dma.local @!p0 [hbm:s6], $0xF7A  }
0x23: {  	s9 =	sor.u32 $0xD0000000, s2;
	s6 =	simm.s32 $0x108;
	_ =	swait.ge @!p0 [sflag:s8], $0x0  }
0x24: {  	s3 =	sadd.s32 $0x88, s3;
	s6 =	simm.s32 @!p1 $0x1082;
	[sflag:s4] =	ssyncset.s32 $0xFFFFF086  }
0x25: {  	[simem:s6], [sflag:s4] =	dma.local [hbm:s3], $0xF7A  }
0x26: {  	[smem:$0x3F99] =	sst s1;
	(tag) =	ssettag s2;
	_ =	strace s9  }
0x27: {  	s1 =	sld [smem:$0x3FA9]  }
0x28: {  	s2 =	sld [smem:$0x3FAA]  }
0x29: {  	s4 =	sld [smem:$0x3FAC]  }
0x2a: {  	p0 =	seq.s32 s5, $0x0;
	s5 =	sld [smem:$0x3FAD]  }
0x2b: {  	s6 =	sld [smem:$0x3FAE]  }
0x2c: {  	s7 =	sld [smem:$0x3FAF]  }
0x2d: {  	s3 =	simm.s32 $0x108;
	s8 =	sld [smem:$0x3FB0]  }
0x2e: {  	s3 =	simm.s32 @!p0 $0x1082;
	s9 =	sld [smem:$0x3FB1]  }
0x2f: {  	lr =	sadd.s32 s0, s3;
	s0 =	sld [smem:$0x3FA8]  }
0x30: {  	s3 =	sld [smem:$0x3FAB]  }
0x31: {  	[smem:$0x3FB4] =	sst s10  }
0x32: {  	s10 =	sld [smem:$0x3FB2];
	_ =	sdelay $0x3  }
0x33: {  	p0 =	seq.s32 s10, $0x1;
	s10 =	sld [smem:$0x3FB4];
	_ =	sdelay $0x3  }
0x34: {  	[smem:$0x3FB4] =	sst s10  }
0x35: {  	s10 =	sld [smem:$0x3FB3];
	_ =	sdelay $0x3  }
0x36: {  	p1 =	seq.s32 s10, $0x1;
	s10 =	sld [smem:$0x3FB4];
	_ =	sdelay $0x3  }
0x37: {  	[smem:$0x3FB4] =	sst s10  }
0x38: {  	s10 =	sld [smem:$0x3FB5]  }
0x39: {  	_ = 	snop;
	(pc) =	sbr.ind lr, $3  }
0x3a: {  	_ = 	snop  }
0x3b: {  	_ = 	snop  }
0x3c: {  	p2 =	seq.s32 s10, $0x1;
	s10 =	sld [smem:$0x3FB4]  }
0x3d: {  	_ =	shalt  }
0x3e: {  	_ =	shalt  }
0x3f: {  	_ =	shalt  }
0x40: {  	_ =	shalt  }
0x41: {  	_ =	shalt  }
0x42: {  	_ =	shalt  }
0x43: {  	_ =	shalt  }
0x44: {  	_ =	shalt  }
0x45: {  	_ =	shalt  }
0x46: {  	_ =	shalt  }
0x47: {  	_ =	shalt  }
0x48: {  	_ =	shalt  }
0x49: {  	_ =	shalt  }
0x4a: {  	_ =	shalt  }
0x4b: {  	_ =	shalt  }
0x4c: {  	_ =	shalt  }
0x4d: {  	_ =	shalt  }
0x4e: {  	_ =	shalt  }
0x4f: {  	_ =	shalt  }
0x50: {  	_ =	shalt  }
0x51: {  	_ =	shalt  }
0x52: {  	_ =	shalt  }
0x53: {  	_ =	shalt  }
0x54: {  	_ =	shalt  }
0x55: {  	_ =	shalt  }
0x56: {  	_ =	shalt  }
0x57: {  	_ =	shalt  }
0x58: {  	_ =	shalt  }
0x59: {  	_ =	shalt  }
0x5a: {  	_ =	shalt  }
0x5b: {  	_ =	shalt  }
0x5c: {  	_ =	shalt  }
0x5d: {  	_ =	shalt  }
0x5e: {  	_ =	shalt  }
0x5f: {  	_ =	shalt  }
0x60: {  	_ =	shalt  }
0x61: {  	_ =	shalt  }
0x62: {  	_ =	shalt  }
0x63: {  	_ =	shalt  }
0x64: {  	_ =	shalt  }
0x65: {  	_ =	shalt  }
0x66: {  	_ =	shalt  }
0x67: {  	_ =	shalt  }
0x68: {  	_ =	shalt  }
0x69: {  	_ =	shalt  }
0x6a: {  	_ =	shalt  }
0x6b: {  	_ =	shalt  }
0x6c: {  	_ =	shalt  }
0x6d: {  	_ =	shalt  }
0x6e: {  	_ =	shalt  }
0x6f: {  	_ =	shalt  }
0x70: {  	_ =	shalt  }
0x71: {  	_ =	shalt  }
0x72: {  	_ =	shalt  }
0x73: {  	_ =	shalt  }
0x74: {  	_ =	shalt  }
0x75: {  	_ =	shalt  }
0x76: {  	_ =	shalt  }
0x77: {  	_ =	shalt  }
0x78: {  	_ =	shalt  }
0x79: {  	_ =	shalt  }
0x7a: {  	_ =	shalt  }
0x7b: {  	_ =	shalt  }
0x7c: {  	_ =	shalt  }
0x7d: {  	_ =	shalt  }
0x7e: {  	_ =	shalt  }
0x7f: {  	_ =	shalt  }
0x80: {  	_ =	shalt  }
0x81: {  	_ =	shalt  }
0x82: {  	_ =	shalt  }
0x83: {  	_ =	shalt  }
0x84: {  	_ =	shalt  }
0x85: {  	_ =	shalt  }
0x86: {  	_ =	shalt  }
0x87: {  	_ =	shalt  }
.Lfunc_end0:
.L_simem_size_0:
called_computation_lowered:
.L_overlay_start_0:
0x88: {  	s2 =	sld [smem:$0x3FD9]  }
0x89: {  	s3 =	sld [smem:$0x3FFE];
	_ =	sdelay $0x1  }
0x8a: {  	s1 =	srdreg.scid  }
0x8b: {  	s0 =	sand.u32 $0x1, s1  }
0x8c: {  	s17 =	sshll.u32 s0, $0xA;
	s2 =	sadd.s32 s3, s2  }
0x8d: {  	s2 =	sadd.s32 s2, s17  }
0x8e: {  	[smem:$0x3FC0] =	sst s2  }
0x8f: {  	_ = 	snop  }
0x90: {  	s2 =	sld [smem:$0x3FC9]  }
0x91: {  	s18 =	sld [smem:$0x3FD0];
	(tm) =	ssettm $0x1  }
0x92: {  	s4 =	sld [smem:$0x3FFB];
	_ =	sdelay $0x3  }
0x93: {  	_ =	strace s4  }
0x94: {  	s4 =	sld [smem:$0x3FFC];
	_ =	sdelay $0x3  }
0x95: {  	_ =	strace s4  }
0x96: {  	s4 =	sld [smem:$0x3FFD];
	_ =	sdelay $0x3  }
0x97: {  	_ =	strace s4  }
0x98: {  	_ =	strace $0x8FFFFFFF  }
0x99: {  	s19 =	sld [smem:$0x3FDB];
	_ =	sdelay $0x1  }
0x9a: {  	s5 =	simm.s32 $_scs_section_size  }
0x9b: {  	s6 =	simm.s32 $_size__tile_overlayer_lowered;
	s7 =	simm.s32 $_tile_overlayer_lowered  }
0x9c: {  	s22 =	simm.s32 $0x1BFF;
	s21 =	sshll.u32 s7, $0x1;
	s4 =	sadd.s32 s5, s19  }
0x9d: {  	s8 =	simm.s32 $0x0;
	s20 =	sshll.u32 s6, $0x1;
	s6 =	sadd.s32 s21, s4  }
0x9e: {  	[timem:s8], [sflag:s22] =	dma.local [hbm:s6], s20  }
0x9f: {  	_ =	swait.ge [sflag:s22], s20  }
0xa0: {  	s5 =	ssub.s32 $0x0, s20;
	[sflag:s22] =	ssyncset.done $0x0  }
0xa1: {  	[sflag:s22] =	ssyncadd.s32 s5;
	_ =	sdelay $0x1  }
0xa2: {  	s23 =	simm.s32 $0x1B8B  }
0xa3: {  	_ =	swait.ge [sflag:s23], $0x1  }
0xa4: {  	[sflag:s23] =	ssyncset.done $0x0  }
0xa5: {  	s25 =	simm.s32 $0x1B8E;
	s24 =	sld [smem:$0x3FFE];
	[sflag:s23] =	ssyncadd.s32 $0xFFFFFFFF  }
0xa6: {  	s26 =	simm.s32 $execute0_lowered;
	[smem:$0x3FD2] =	sst s25  }
0xa7: {  	s6 =	sshll.u32 s26, $0x1;
	_ =	strace $0x80000046;
	[dreg:$0x1] =	wrdreg $0xFFFFFFFF  }
0xa8: {  	s28 =	simm.s32 $_size_execute0_lowered;
	s4 =	sadd.s32 s4, s6;
	[dreg:$0x0] =	wrdreg $0x0  }
0xa9: {  	s6 =	sshll.u32 s28, $0x1;
	[dreg:$0x2] =	wrdreg s4  }
0xaa: {  	[dreg:$0x3] =	wrdreg s6  }
0xab: {  	[dreg:$0x4] =	wrdreg $0xC0  }
0xac: {  	_ =	task [dreg:s8], $0x5FFFF  }
0xad: {  	[dreg:$0x1] =	wrdreg $0xFFFFFFFF  }
0xae: {  	[dreg:$0x0] =	wrdreg $0x60  }
0xaf: {  	[dreg:$0x2] =	wrdreg s2  }
0xb0: {  	[dreg:$0x3] =	wrdreg s24  }
0xb1: {  	[dreg:$0x4] =	wrdreg s18  }
0xb2: {  	[dreg:$0x5] =	wrdreg $0x120400  }
0xb3: {  	[dreg:$0x6] =	wrdreg $0x1C6C00  }
0xb4: {  	[dreg:$0x7] =	wrdreg $0x9  }
0xb5: {  	_ =	task.clear_ibuf [dreg:s8], $0x8FFFF;
	_ =	strace $0x90000046  }
0xb6: {  	s29 =	simm.s32 $0x9;
	_ =	strace $0x80000048  }
0xb7: {  	_ =	swait.ge [sflag:s29], $0x1  }
0xb8: {  	[sflag:s29] =	ssyncadd.s32 $0xFFFFFFFF  }
0xb9: {  	_ =	strace $0x90000048  }
0xba: {  	_ =	sfence  }
0xbb: {  	s30 =	sld [smem:$0x0];
	_ =	sdelay $0x2  }
0xbc: {  	s31 =	sshll.u32 s1, $0xD;
	s1 =	sshrl.u32 s1, $0x2  }
0xbd: {  	s3 =	sand.u32 $0x4000, s31;
	s1 =	sadd.s32 s1, s30  }
0xbe: {  	s0 =	sor.u32 s3, s0;
	s1 =	sshll.u32 s1, $0x11  }
0xbf: {  	s0 =	sor.u32 s1, s0  }
0xc0: {  	s0 =	sadd.s32 $0x8F2B, s0  }
0xc1: {  	[sflag:s0] =	ssyncadd.remote.s32 $0x1  }
0xc2: {  	_ =	sfence.sel $0xFFFF  }
0xc3: {  	[dreg:$0x0] =	wrdreg $0xFFFFFFFF;
	(pc) =	sbr.abs _section_cstart, $3  }
0xc4: {  	[dreg:$0x1] =	wrdreg $0xFFFFFFFF  }
0xc5: {  	_ =	task.clear_ibuf [dreg:s8], $0x2FFFF;
	_ =	strace $0x9FFFFFFF  }
0xc6: {  	(tm) =	ssettm $0x7FFFFFFF  }
0xc7: {  	_ =	shalt  }
tec
execute0_lowered:
.L_overlay_start_1:
0x0: {  	(tag) =	ssettag $0x1  }
0x1: {  	s1 =	rddreg [dreg:$0x0];
	s10 =	stileid.u32  }
0x2: {  	s3 =	rddreg [dreg:$0x1];
	s0 =	smul.u32 $0x4E20, s10  }
0x3: {  	s4 =	rddreg [dreg:$0x2];
	s20 =	smul.u32 $0x280, s10  }
0x4: {  	s5 =	srdreg.scid;
	s8 =	smul.u32 $0xA000, s10  }
0x5: {  	s25 =	simm.s32 $0x0;
	s23 =	sand.u32 $0x1, s5;
	s12 =	smul.u32 $0x1400, s10  }
0x6: {  	[smem:$0x7FF] =	sst s25;
	s7 =	sadd.s32 $0x16600, s3;
	s10 =	smul.u32 $0xA0000, s23  }
0x7: {  	s21 =	ssub.s32 $0x2, s23;
	s13 =	smul.u32 $0x14000, s23;
	s6 =	sshrl.u32 s0, $0x3  }
0x8: {  	s9 =	sshrl.u32 s21, $0x1;
	s11 =	sadd.s32 $0x80, s20;
	s14 =	sadd.s32 $0x100, s20  }
0x9: {  	s15 =	sadd.s32 $0x180, s20;
	s5 =	sadd.s32 $0x200, s20;
	s0 =	ssub.s32 s21, s9  }
0xa: {  	s9 =	sshll.u32 s11, $0x6;
	s16 =	sshll.u32 s14, $0x6;
	s2 =	sshll.u32 s15, $0x6  }
0xb: {  	s18 =	sshll.u32 s5, $0x6;
	s19 =	sadd.s32 s8, s10;
	s20 =	sadd.s32 s12, s13  }
0xc: {  	s19 =	sshrl.u32 s19, $0x3;
	s20 =	sshrl.u32 s20, $0x3;
	s21 =	sadd.s32 s10, s9  }
0xd: {  	s26 =	sadd.s32 s10, s16;
	s17 =	sadd.s32 s10, s2;
	s10 =	sadd.s32 s10, s18  }
0xe: {  	s19 =	sadd.s32 s7, s19;
	s22 =	sadd.s32 s4, s20;
	s24 =	sshrl.u32 s21, $0x3  }
0xf: {  	s20 =	sshrl.u32 s17, $0x3;
	s21 =	sadd.s32 s4, s11;
	[dreg:$0x6] =	wrdreg s19  }
0x10: {  	[dreg:$0x7] =	wrdreg s22;
	s19 =	sadd.s32 s7, s24;
	s22 =	sadd.s32 s4, s14  }
0x11: {  	[dreg:$0x8] =	wrdreg s19;
	s19 =	sshrl.u32 s13, $0x3;
	s13 =	sshrl.u32 s26, $0x3  }
0x12: {  	s24 =	sadd.s32 s4, s15;
	s4 =	sadd.s32 s4, s5;
	s13 =	sadd.s32 s7, s13  }
0x13: {  	s10 =	sshrl.u32 s10, $0x3;
	s4 =	sadd.s32 s19, s4;
	[dreg:$0x9] =	wrdreg s13  }
0x14: {  	s13 =	sadd.s32 s7, s20;
	s7 =	sadd.s32 s7, s10;
	s10 =	rddreg [dreg:$0x3]  }
0x15: {  	[dreg:$0xf] =	wrdreg s4  }
0x16: {  	[dreg:$0xa] =	wrdreg s13  }
0x17: {  	[dreg:$0xb] =	wrdreg s7  }
0x18: {  	s7 =	sadd.s32 s19, s21;
	s13 =	rddreg [dreg:$0x4]  }
0x19: {  	[dreg:$0xc] =	wrdreg s7;
	s7 =	sadd.s32 s19, s22  }
0x1a: {  	[dreg:$0xd] =	wrdreg s7;
	s7 =	sadd.s32 s19, s24  }
0x1b: {  	s26 =	sadd.s32 $0x15E00, s3;
	[dreg:$0xe] =	wrdreg s7  }
0x1c: {  	s7 =	sadd.s32 $0x16400, s3;
	_ =	strace $0x80000047;
	[dreg:$0x10] =	wrdreg s26  }
0x1d: {  	s4 =	sadd.s32 s6, s3;
	s3 =	sadd.s32 $0x16200, s3;
	[dreg:$0x11] =	wrdreg s7  }
0x1e: {  	s17 =	sadd.s32 s8, s10;
	s9 =	sadd.s32 s9, s10;
	[dreg:$0x12] =	wrdreg s3  }
0x1f: {  	s20 =	sadd.s32 s12, s13;
	s22 =	sshll.u32 s15, $0x3;
	[dreg:$0x14] =	wrdreg s9  }
0x20: {  	s19 =	sshll.u32 s11, $0x3;
	s8 =	sadd.s32 s22, s13;
	[dreg:$0x18] =	wrdreg s20  }
0x21: {  	s24 =	smul.u32 $0x9C40, s23;
	s11 =	sadd.s32 $0xC040, s4;
	[dreg:$0x1b] =	wrdreg s8  }
0x22: {  	[dreg:$0x1e] =	wrdreg s11  }
0x23: {  	s0 =	smax.u32 s0, $0x1;
	[dreg:$0x19] =	wrdreg s24  }
0x24: {  	v0 =	vmov s23;
	s23 =	simm.s32 $0x0;
	[dreg:$0x1f] =	wrdreg s0  }
0x25: {  	[smem:$0x7FD] =	sst s23  }
0x26: {  	s29 =	sadd.s32 s16, s10;
	[dreg:$0x13] =	wrdreg s17  }
0x27: {  	s30 =	sadd.s32 s2, s10;
	[dreg:$0x15] =	wrdreg s29  }
0x28: {  	s2 =	sadd.s32 s18, s10;
	[dreg:$0x16] =	wrdreg s30  }
0x29: {  	s3 =	sadd.s32 s19, s13;
	[dreg:$0x17] =	wrdreg s2  }
0x2a: {  	s21 =	sshll.u32 s14, $0x3;
	s9 =	sadd.s32 $0x2400, s4;
	[smem:$0x7E1] =	sst s3  }
0x2b: {  	s5 =	sshll.u32 s5, $0x3;
	s3 =	sadd.s32 s21, s13;
	[dreg:$0x1d] =	wrdreg s9  }
0x2c: {  	s26 =	sadd.s32 s5, s13;
	[dreg:$0x1a] =	wrdreg s3;
	s3 =	sshrl.u32 s24, $0x2  }
0x2d: {  	[dreg:$0x1c] =	wrdreg s26;
	s12 =	sadd.s32 $0x6CC0, s3  }
0x2e: {  	s14 =	sadd.s32 $0x6D10, s3;
	[smem:$0x7E2] =	sst s12  }
0x2f: {  	s15 =	sadd.s32 $0x6D60, s3;
	[smem:$0x7E3] =	sst s14  }
0x30: {  	s16 =	sadd.s32 $0x6DB0, s3;
	[smem:$0x7E4] =	sst s15  }
0x31: {  	s18 =	sadd.s32 $0x6E00, s3;
	[smem:$0x7E5] =	sst s16  }
0x32: {  	s19 =	sadd.s32 $0x6E50, s3;
	[smem:$0x7E6] =	sst s18  }
0x33: {  	s20 =	sadd.s32 $0x6EA0, s3;
	[smem:$0x7E7] =	sst s19  }
0x34: {  	s21 =	sadd.s32 $0x6EF0, s3;
	[smem:$0x7E8] =	sst s20  }
0x35: {  	s22 =	sadd.s32 $0x6F40, s3;
	[smem:$0x7E9] =	sst s21  }
0x36: {  	s24 =	sadd.s32 $0x6F90, s3;
	[smem:$0x7EA] =	sst s22  }
0x37: {  	s4 =	sadd.s32 $0x6FE0, s3;
	[smem:$0x7EB] =	sst s24  }
0x38: {  	s5 =	sadd.s32 $0x7030, s3;
	[smem:$0x7EC] =	sst s4  }
0x39: {  	s6 =	sadd.s32 $0x7080, s3;
	[smem:$0x7ED] =	sst s5  }
0x3a: {  	s7 =	sadd.s32 $0x70D0, s3;
	[smem:$0x7EE] =	sst s6  }
0x3b: {  	s8 =	sadd.s32 $0x7120, s3;
	[smem:$0x7EF] =	sst s7  }
0x3c: {  	s9 =	sadd.s32 $0x7170, s3;
	[smem:$0x7F0] =	sst s8  }
0x3d: {  	s11 =	sadd.s32 $0x71C0, s3;
	[smem:$0x7F1] =	sst s9  }
0x3e: {  	s31 =	simm.s32 $0x1C040;
	[smem:$0x7F2] =	sst s11;
	s12 =	sadd.s32 $0x7210, s3  }
0x3f: {  	s28 =	simm.s32 $0x1C2C0;
	s14 =	sadd.s32 $0x7260, s3;
	[smem:$0x7F3] =	sst s12  }
0x40: {  	s0 =	simm.s32 $0x50;
	s15 =	sadd.s32 $0x72B0, s3;
	[smem:$0x7F4] =	sst s14  }
0x41: {  	s16 =	sadd.s32 $0x7300, s3;
	s18 =	sadd.s32 $0x7350, s3;
	[smem:$0x7F5] =	sst s15  }
0x42: {  	s19 =	sadd.s32 $0x73A0, s3;
	s20 =	sadd.s32 $0x73F0, s3;
	[smem:$0x7F6] =	sst s16  }
0x43: {  	s21 =	sadd.s32 $0x7440, s3;
	s22 =	sadd.s32 $0x7490, s3;
	[smem:$0x7F7] =	sst s18  }
0x44: {  	s24 =	sadd.s32 $0x74E0, s3;
	s11 =	simm.s32 $0x10040;
	[smem:$0x7F8] =	sst s19  }
0x45: {  	s3 =	simm.s32 $0x9C40;
	s4 =	simm.s32 $0xB040;
	[smem:$0x7F9] =	sst s20  }
0x46: {  	s5 =	simm.s32 $0xC440;
	s6 =	simm.s32 $0xD840;
	[smem:$0x7FA] =	sst s21  }
0x47: {  	s7 =	simm.s32 $0xEC40;
	s8 =	simm.s32 $0x1;
	[smem:$0x7FB] =	sst s22  }
0x48: {  	s9 =	simm.s32 $0x2;
	[smem:$0x7FC] =	sst s24;
	s18 =	simm.s32 $0xC  }
0x49: {  	s12 =	simm.s32 $0x3;
	s14 =	simm.s32 $0x4;
	s15 =	simm.s32 $0x5  }
0x4a: {  	s16 =	simm.s32 $0x6;
	s19 =	simm.s32 $0x7;
	s20 =	simm.s32 $0x8  }
0x4b: {  	s21 =	simm.s32 $0x9;
	s22 =	simm.s32 $0xA;
	s24 =	simm.s32 $0xB  }
.LBB2_1:
0x4c: {  	s23 =	rddreg [dreg:$0x10]  }
0x4d: {  	[tilespmem:s11], [sflag:$0xC] =	stream.linear.gather [hbm4b:s23+s25], $0x2000, $0x38;
	[tilespmem:$0x1DAC0] =	vst v63  }
0x4e: {  	_ =	swait.ge [sflag:s18], $0x2000  }
0x4f: {  	[sflag:s18] =	ssyncset.done $0x0  }
0x50: {  	[sflag:s18] =	ssyncadd.s32 $0xFFFFE000  }
0x51: {  	[spmem:s17] =	stream.linear.scatter [tilespmem:s11], [sflag:$0xC], $0x2000, $0x38;
	[tilespmem:$0x1DAC0] =	vst v63  }
0x52: {  	_ =	swait.ge [sflag:s18], $0x2000  }
0x53: {  	[sflag:s18] =	ssyncset.done $0x0  }
0x54: {  	s23 =	rddreg [dreg:$0x14];
	[sflag:s18] =	ssyncadd.s32 $0xFFFFE000  }
0x55: {  	[spmem:s23] =	stream.linear.scatter [tilespmem:s11], [sflag:$0xC], $0x2000, $0x38;
	[tilespmem:$0x1DAC0] =	vst v63  }
0x56: {  	_ =	swait.ge [sflag:s18], $0x2000  }
0x57: {  	[sflag:s18] =	ssyncset.done $0x0  }
0x58: {  	[sflag:s18] =	ssyncadd.s32 $0xFFFFE000  }
0x59: {  	[spmem:s29] =	stream.linear.scatter [tilespmem:s11], [sflag:$0xC], $0x2000, $0x38;
	[tilespmem:$0x1DAC0] =	vst v63  }
0x5a: {  	_ =	swait.ge [sflag:s18], $0x2000  }
0x5b: {  	[sflag:s18] =	ssyncset.done $0x0  }
0x5c: {  	[sflag:s18] =	ssyncadd.s32 $0xFFFFE000  }
0x5d: {  	[spmem:s30] =	stream.linear.scatter [tilespmem:s11], [sflag:$0xC], $0x2000, $0x38;
	[tilespmem:$0x1DAC0] =	vst v63  }
0x5e: {  	_ =	swait.ge [sflag:s18], $0x2000  }
0x5f: {  	[sflag:s18] =	ssyncset.done $0x0  }
0x60: {  	[sflag:s18] =	ssyncadd.s32 $0xFFFFE000  }
0x61: {  	[spmem:s2] =	stream.linear.scatter [tilespmem:s11], [sflag:$0xC], $0x2000, $0x38;
	[tilespmem:$0x1DAC0] =	vst v63  }
0x62: {  	_ =	swait.ge [sflag:s18], $0x2000  }
0x63: {  	[sflag:s18] =	ssyncset.done $0x0  }
0x64: {  	s11 =	rddreg [dreg:$0x11];
	[sflag:s18] =	ssyncadd.s32 $0xFFFFE000  }
0x65: {  	[tilespmem:s31], [sflag:$0xC] =	stream.linear.gather [hbm4b:s11+s25], $0x280, $0x38;
	[tilespmem:$0x1DAC0] =	vst v63  }
0x66: {  	_ =	swait.ge [sflag:s18], $0x280  }
0x67: {  	[sflag:s18] =	ssyncset.done $0x0  }
0x68: {  	s17 =	rddreg [dreg:$0x12];
	[sflag:s18] =	ssyncadd.s32 $0xFFFFFD80  }
0x69: {  	[tilespmem:s28], [sflag:$0xC] =	stream.linear.gather [hbm4b:s17+s25], $0x400, $0x38;
	[tilespmem:$0x1DAC0] =	vst v63  }
0x6a: {  	_ =	swait.ge [sflag:s18], $0x400  }
0x6b: {  	[sflag:s18] =	ssyncset.done $0x0  }
0x6c: {  	s30 =	rddreg [dreg:$0x18];
	[sflag:s18] =	ssyncadd.s32 $0xFFFFFC00  }
0x6d: {  	[spmem:s30] =	stream.linear.scatter [tilespmem:s28], [sflag:$0xC], $0x400, $0x38;
	[tilespmem:$0x1DAC0] =	vst v63  }
0x6e: {  	_ =	swait.ge [sflag:s18], $0x400  }
0x6f: {  	s17 =	sld [smem:$0x7E1]  }
0x70: {  	[sflag:s18] =	ssyncset.done $0x0  }
0x71: {  	[sflag:s18] =	ssyncadd.s32 $0xFFFFFC00  }
0x72: {  	[spmem:s17] =	stream.linear.scatter [tilespmem:s28], [sflag:$0xC], $0x400, $0x38;
	[tilespmem:$0x1DAC0] =	vst v63  }
0x73: {  	_ =	swait.ge [sflag:s18], $0x400  }
0x74: {  	[sflag:s18] =	ssyncset.done $0x0  }
0x75: {  	s2 =	rddreg [dreg:$0x1a];
	[sflag:s18] =	ssyncadd.s32 $0xFFFFFC00  }
0x76: {  	[spmem:s2] =	stream.linear.scatter [tilespmem:s28], [sflag:$0xC], $0x400, $0x38;
	[tilespmem:$0x1DAC0] =	vst v63  }
0x77: {  	_ =	swait.ge [sflag:s18], $0x400  }
0x78: {  	[sflag:s18] =	ssyncset.done $0x0  }
0x79: {  	s11 =	rddreg [dreg:$0x1b];
	[sflag:s18] =	ssyncadd.s32 $0xFFFFFC00  }
0x7a: {  	[spmem:s11] =	stream.linear.scatter [tilespmem:s28], [sflag:$0xC], $0x400, $0x38;
	[tilespmem:$0x1DAC0] =	vst v63  }
0x7b: {  	_ =	swait.ge [sflag:s18], $0x400  }
0x7c: {  	[sflag:s18] =	ssyncset.done $0x0  }
0x7d: {  	[sflag:s18] =	ssyncadd.s32 $0xFFFFFC00  }
0x7e: {  	[spmem:s26] =	stream.linear.scatter [tilespmem:s28], [sflag:$0xC], $0x400, $0x38;
	[tilespmem:$0x1DAC0] =	vst v63  }
0x7f: {  	_ =	swait.ge [sflag:s18], $0x400  }
0x80: {  	[sflag:s18] =	ssyncset.done $0x0  }
0x81: {  	s23 =	rddreg [dreg:$0x1d];
	[sflag:s18] =	ssyncadd.s32 $0xFFFFFC00  }
0x82: {  	[tilespmem:s25], [sflag:$0xC] =	stream.linear.gather [hbm4b:s23+s25], $0x4E20, $0x38;
	[tilespmem:$0x1DAC0] =	vst v63  }
0x83: {  	_ =	swait.ge [sflag:s18], $0x4E20  }
0x84: {  	[sflag:s18] =	ssyncset.done $0x0  }
0x85: {  	s30 =	simm.s32 $0x4E20;
	s26 =	rddreg [dreg:$0x1e];
	[sflag:s18] =	ssyncadd.s32 $0xFFFFB1E0  }
0x86: {  	[tilespmem:s30], [sflag:$0xC] =	stream.linear.gather [hbm4b:s26+s25], $0x4E20, $0x38;
	[tilespmem:$0x1DAC0] =	vst v63  }
0x87: {  	_ =	swait.ge [sflag:s18], $0x4E20  }
0x88: {  	[sflag:s18] =	ssyncset.done $0x0  }
0x89: {  	s28 =	simm.s32 $0x0;
	[sflag:s18] =	ssyncadd.s32 $0xFFFFB1E0  }
0x8a: {  	v3 =	vld [tilespmem:s28+$0x0]  }
0x8b: {  	v4 =	vld [tilespmem:s28+$0x10]  }
0x8c: {  	v2 =	vld [tilespmem:s28+$0x20]  }
0x8d: {  	s29 =	simm.s32 $0x140;
	s2 =	simm.s32 $0x0;
	s25 =	smov.u32 s17;
	v1 =	vld [tilespmem:s28+$0x30]  }
.LBB2_2:
0x8e: {  	p0 =	sne.s32 s29, $0x13740;
	v5 =	vld [tilespmem:s28+$0x40]  }
0x8f: {  	v3 =	vshll.u32 v3, $0x1  }
0x90: {  	v3 =	vor.u32 v0, v3;
	v4 =	vshll.u32 v4, $0x1  }
.Ltmp0:
0x91: {  	s30 =	sshra.s32 s29, $0x2;
	[tilespmem:s28+$0x0] =	vst v3;
	v4 =	vor.u32 v0, v4;
	v2 =	vshll.u32 v2, $0x1;
	(pc) =	sbr.rel @p0 .LBB2_2-.Ltmp0, $4  }
0x92: {  	v3 =	vld [tilespmem:s30+$0x0];
	[tilespmem:s28+$0x10] =	vst v4;
	v2 =	vor.u32 v0, v2;
	v1 =	vshll.u32 v1, $0x1  }
0x93: {  	v4 =	vld [tilespmem:s30+$0x10];
	[tilespmem:s28+$0x20] =	vst v2;
	v1 =	vor.u32 v0, v1;
	v5 =	vshll.u32 v5, $0x1  }
0x94: {  	v2 =	vld [tilespmem:s30+$0x20];
	[tilespmem:s28+$0x30] =	vst v1;
	v5 =	vor.u32 v0, v5  }
0x95: {  	s29 =	sadd.s32 $0x140, s29;
	v1 =	vld [tilespmem:s30+$0x30];
	[tilespmem:s28+$0x40] =	vst v5;
	s28 =	smov.u32 s30  }
0x96: {  	v5 =	vld [tilespmem:s28+$0x40]  }
0x97: {  	v3 =	vshll.u32 v3, $0x1  }
0x98: {  	v3 =	vor.u32 v0, v3;
	v4 =	vshll.u32 v4, $0x1  }
0x99: {  	[tilespmem:s28+$0x0] =	vst v3;
	v3 =	vor.u32 v0, v4;
	v2 =	vshll.u32 v2, $0x1  }
0x9a: {  	[tilespmem:s28+$0x10] =	vst v3;
	v2 =	vor.u32 v0, v2;
	v1 =	vshll.u32 v1, $0x1  }
0x9b: {  	[tilespmem:s28+$0x20] =	vst v2;
	v1 =	vor.u32 v0, v1;
	v2 =	vshll.u32 v5, $0x1  }
0x9c: {  	[tilespmem:s28+$0x30] =	vst v1;
	v1 =	vor.u32 v0, v2  }
0x9d: {  	[tilespmem:s28+$0x40] =	vst v1  }
0x9e: {  	s28 =	simm.s32 $0x0;
	[bflag:$0x0] =	sbarrier.arrive $0xFFFF  }
0x9f: {  	[tilespmem:s3], [sflag:$0x1] =	stream.indirect.gather [hbm4b:s1+s0], $0x40, s28, s0, $0xb8;
	[tilespmem:$0x1DAC0] =	vst v63  }
0xa0: {  	_ = 	snop  }
0xa1: {  	[tilespmem:s4], [sflag:$0x2] =	stream.indirect.gather [hbm4b:s1+s0], $0x40, s0, s0, $0xb8;
	[tilespmem:$0x1DAC0] =	vst v63  }
0xa2: {  	s11 =	simm.s32 $0xA0  }
0xa3: {  	[tilespmem:s5], [sflag:$0x3] =	stream.indirect.gather [hbm4b:s1+s0], $0x40, s11, s0, $0xb8;
	[tilespmem:$0x1DAC0] =	vst v63  }
0xa4: {  	s17 =	simm.s32 $0xF0  }
0xa5: {  	[tilespmem:s6], [sflag:$0x4] =	stream.indirect.gather [hbm4b:s1+s0], $0x40, s17, s0, $0xb8;
	[tilespmem:$0x1DAC0] =	vst v63  }
0xa6: {  	s23 =	simm.s32 $0x140  }
0xa7: {  	[tilespmem:s7], [sflag:$0x5] =	stream.indirect.gather [hbm4b:s1+s0], $0x40, s23, s0, $0xb8;
	[tilespmem:$0x1DAC0] =	vst v63  }
0xa8: {  	_ =	swait.ge [sflag:s8], $0x1400  }
0xa9: {  	[sflag:s8] =	ssyncset.done $0x0  }
0xaa: {  	s28 =	simm.s32 $0x4E20;
	[sflag:s8] =	ssyncadd.s32 $0xFFFFEC00  }
0xab: {  	[spmem:s10] =	stream.indirect.scatter.add.f32 [tilespmem:s3], [sflag:$0x6], $0x40, s28, s0, $0xb8;
	[tilespmem:$0x1DAC0] =	vst v63  }
0xac: {  	_ =	swait.ge [sflag:s9], $0x1400  }
0xad: {  	[sflag:s9] =	ssyncset.done $0x0  }
0xae: {  	s28 =	simm.s32 $0x4E70;
	[sflag:s9] =	ssyncadd.s32 $0xFFFFEC00  }
0xaf: {  	[spmem:s10] =	stream.indirect.scatter.add.f32 [tilespmem:s4], [sflag:$0x7], $0x40, s28, s0, $0xb8;
	[tilespmem:$0x1DAC0] =	vst v63  }
0xb0: {  	_ =	swait.ge [sflag:s12], $0x1400  }
0xb1: {  	[sflag:s12] =	ssyncset.done $0x0  }
0xb2: {  	s28 =	simm.s32 $0x4EC0;
	[sflag:s12] =	ssyncadd.s32 $0xFFFFEC00  }
0xb3: {  	[spmem:s10] =	stream.indirect.scatter.add.f32 [tilespmem:s5], [sflag:$0x8], $0x40, s28, s0, $0xb8;
	[tilespmem:$0x1DAC0] =	vst v63  }
0xb4: {  	_ =	swait.ge [sflag:s14], $0x1400  }
0xb5: {  	[sflag:s14] =	ssyncset.done $0x0  }
0xb6: {  	s28 =	simm.s32 $0x4F10;
	[sflag:s14] =	ssyncadd.s32 $0xFFFFEC00  }
0xb7: {  	[spmem:s10] =	stream.indirect.scatter.add.f32 [tilespmem:s6], [sflag:$0x9], $0x40, s28, s0, $0xb8;
	[tilespmem:$0x1DAC0] =	vst v63  }
0xb8: {  	_ =	swait.ge [sflag:s15], $0x1400  }
0xb9: {  	[sflag:s15] =	ssyncset.done $0x0;
	s26 =	rddreg [dreg:$0x19]  }
0xba: {  	s28 =	simm.s32 $0x4F60;
	[sflag:s15] =	ssyncadd.s32 $0xFFFFEC00;
	s29 =	sshra.s32 s26, $0x2  }
0xbb: {  	[spmem:s10] =	stream.indirect.scatter.add.f32 [tilespmem:s7], [sflag:$0xA], $0x40, s28, s0, $0xb8;
	[tilespmem:$0x1DAC0] =	vst v63  }
0xbc: {  	s28 =	sadd.s32 $0x4E20, s29  }
0xbd: {  	[spmem:s13] =	stream.indirect.scatter.add.f32 [tilespmem:s31], [sflag:$0xB], $0x8, s28, s0, $0xb8;
	[tilespmem:$0x1DAC0] =	vst v63  }
0xbe: {  	s28 =	sadd.s32 $0x4E70, s29  }
0xbf: {  	[spmem:s13] =	stream.indirect.scatter.add.f32 [tilespmem:s31], [sflag:$0xB], $0x8, s28, s0, $0xb8;
	[tilespmem:$0x1DAC0] =	vst v63  }
0xc0: {  	_ =	swait.ge [sflag:s16], $0x1400  }
0xc1: {  	[sflag:s16] =	ssyncset.done $0x0  }
0xc2: {  	s28 =	simm.s32 $0x190;
	[sflag:s16] =	ssyncadd.s32 $0xFFFFEC00  }
0xc3: {  	[tilespmem:s3], [sflag:$0x1] =	stream.indirect.gather [hbm4b:s1+s0], $0x40, s28, s0, $0xb8;
	[tilespmem:$0x1DAC0] =	vst v63  }
0xc4: {  	_ =	swait.ge [sflag:s19], $0x1400  }
0xc5: {  	[sflag:s19] =	ssyncset.done $0x0  }
0xc6: {  	s28 =	simm.s32 $0x1E0;
	[sflag:s19] =	ssyncadd.s32 $0xFFFFEC00  }
0xc7: {  	[tilespmem:s4], [sflag:$0x2] =	stream.indirect.gather [hbm4b:s1+s0], $0x40, s28, s0, $0xb8;
	[tilespmem:$0x1DAC0] =	vst v63  }
0xc8: {  	_ =	swait.ge [sflag:s20], $0x1400  }
0xc9: {  	[sflag:s20] =	ssyncset.done $0x0  }
0xca: {  	s28 =	simm.s32 $0x230;
	[sflag:s20] =	ssyncadd.s32 $0xFFFFEC00  }
0xcb: {  	[tilespmem:s5], [sflag:$0x3] =	stream.indirect.gather [hbm4b:s1+s0], $0x40, s28, s0, $0xb8;
	[tilespmem:$0x1DAC0] =	vst v63  }
0xcc: {  	_ =	swait.ge [sflag:s21], $0x1400  }
0xcd: {  	[sflag:s21] =	ssyncset.done $0x0  }
0xce: {  	s28 =	simm.s32 $0x280;
	[sflag:s21] =	ssyncadd.s32 $0xFFFFEC00  }
0xcf: {  	[tilespmem:s6], [sflag:$0x4] =	stream.indirect.gather [hbm4b:s1+s0], $0x40, s28, s0, $0xb8;
	[tilespmem:$0x1DAC0] =	vst v63  }
0xd0: {  	_ =	swait.ge [sflag:s22], $0x1400  }
0xd1: {  	s30 =	simm.s32 $0x2D0;
	[sflag:s22] =	ssyncset.done $0x0  }
0xd2: {  	s29 =	simm.s32 $0x640;
	s28 =	sadd.s32 $0x280, s26;
	[sflag:s22] =	ssyncadd.s32 $0xFFFFEC00  }
.LBB2_4:
0xd3: {  	[tilespmem:s7], [sflag:$0x5] =	stream.indirect.gather [hbm4b:s1+s0], $0x40, s30, s0, $0xb8;
	[tilespmem:$0x1DAC0] =	vst v63  }
0xd4: {  	s30 =	smov.u32 s29;
	s29 =	sadd.s32 $0x640, s29;
	_ =	swait.ge [sflag:s8], $0x1400  }
0xd5: {  	s30 =	sshra.s32 s30, $0x2;
	p0 =	sne.s32 s29, $0x12C00;
	[sflag:s8] =	ssyncset.done $0x0  }
0xd6: {  	s26 =	sadd.s32 $0x4E20, s30;
	[sflag:s8] =	ssyncadd.s32 $0xFFFFEC00  }
0xd7: {  	[spmem:s10] =	stream.indirect.scatter.add.f32 [tilespmem:s3], [sflag:$0x6], $0x40, s26, s0, $0xb8;
	[tilespmem:$0x1DAC0] =	vst v63  }
0xd8: {  	_ =	swait.ge [sflag:s9], $0x1400  }
0xd9: {  	[sflag:s9] =	ssyncset.done $0x0  }
0xda: {  	s26 =	sadd.s32 $0x4E70, s30;
	[sflag:s9] =	ssyncadd.s32 $0xFFFFEC00  }
0xdb: {  	[spmem:s10] =	stream.indirect.scatter.add.f32 [tilespmem:s4], [sflag:$0x7], $0x40, s26, s0, $0xb8;
	[tilespmem:$0x1DAC0] =	vst v63  }
0xdc: {  	_ =	swait.ge [sflag:s12], $0x1400  }
0xdd: {  	[sflag:s12] =	ssyncset.done $0x0  }
0xde: {  	s26 =	sadd.s32 $0x4EC0, s30;
	[sflag:s12] =	ssyncadd.s32 $0xFFFFEC00  }
0xdf: {  	[spmem:s10] =	stream.indirect.scatter.add.f32 [tilespmem:s5], [sflag:$0x8], $0x40, s26, s0, $0xb8;
	[tilespmem:$0x1DAC0] =	vst v63  }
0xe0: {  	_ =	swait.ge [sflag:s14], $0x1400  }
0xe1: {  	[sflag:s14] =	ssyncset.done $0x0  }
0xe2: {  	s26 =	sadd.s32 $0x4F10, s30;
	[sflag:s14] =	ssyncadd.s32 $0xFFFFEC00  }
0xe3: {  	[spmem:s10] =	stream.indirect.scatter.add.f32 [tilespmem:s6], [sflag:$0x9], $0x40, s26, s0, $0xb8;
	[tilespmem:$0x1DAC0] =	vst v63  }
0xe4: {  	_ =	swait.ge [sflag:s15], $0x1400  }
0xe5: {  	[sflag:s15] =	ssyncset.done $0x0  }
0xe6: {  	s23 =	sshra.s32 s28, $0x2;
	s26 =	sadd.s32 $0x4F60, s30;
	[sflag:s15] =	ssyncadd.s32 $0xFFFFEC00  }
0xe7: {  	[spmem:s10] =	stream.indirect.scatter.add.f32 [tilespmem:s7], [sflag:$0xA], $0x40, s26, s0, $0xb8;
	[tilespmem:$0x1DAC0] =	vst v63  }
0xe8: {  	s26 =	sadd.s32 $0x4E20, s23  }
0xe9: {  	[spmem:s13] =	stream.indirect.scatter.add.f32 [tilespmem:s31], [sflag:$0xB], $0x8, s26, s0, $0xb8;
	[tilespmem:$0x1DAC0] =	vst v63  }
0xea: {  	s23 =	sadd.s32 $0x4E70, s23  }
0xeb: {  	[spmem:s13] =	stream.indirect.scatter.add.f32 [tilespmem:s31], [sflag:$0xB], $0x8, s23, s0, $0xb8;
	[tilespmem:$0x1DAC0] =	vst v63  }
0xec: {  	_ =	swait.ge [sflag:s16], $0x1400  }
0xed: {  	[sflag:s16] =	ssyncset.done $0x0  }
0xee: {  	s23 =	sadd.s32 $0x190, s30;
	[sflag:s16] =	ssyncadd.s32 $0xFFFFEC00  }
0xef: {  	[tilespmem:s3], [sflag:$0x1] =	stream.indirect.gather [hbm4b:s1+s0], $0x40, s23, s0, $0xb8;
	[tilespmem:$0x1DAC0] =	vst v63  }
0xf0: {  	_ =	swait.ge [sflag:s19], $0x1400  }
0xf1: {  	[sflag:s19] =	ssyncset.done $0x0  }
0xf2: {  	s23 =	sadd.s32 $0x1E0, s30;
	[sflag:s19] =	ssyncadd.s32 $0xFFFFEC00  }
0xf3: {  	[tilespmem:s4], [sflag:$0x2] =	stream.indirect.gather [hbm4b:s1+s0], $0x40, s23, s0, $0xb8;
	[tilespmem:$0x1DAC0] =	vst v63  }
0xf4: {  	_ =	swait.ge [sflag:s20], $0x1400  }
0xf5: {  	[sflag:s20] =	ssyncset.done $0x0  }
0xf6: {  	s23 =	sadd.s32 $0x230, s30;
	[sflag:s20] =	ssyncadd.s32 $0xFFFFEC00  }
0xf7: {  	[tilespmem:s5], [sflag:$0x3] =	stream.indirect.gather [hbm4b:s1+s0], $0x40, s23, s0, $0xb8;
	[tilespmem:$0x1DAC0] =	vst v63  }
0xf8: {  	_ =	swait.ge [sflag:s21], $0x1400  }
0xf9: {  	[sflag:s21] =	ssyncset.done $0x0  }
.Ltmp1:
0xfa: {  	s23 =	sadd.s32 $0x280, s30;
	[sflag:s21] =	ssyncadd.s32 $0xFFFFEC00;
	(pc) =	sbr.rel @p0 .LBB2_4-.Ltmp1, $4  }
0xfb: {  	[tilespmem:s6], [sflag:$0x4] =	stream.indirect.gather [hbm4b:s1+s0], $0x40, s23, s0, $0xb8;
	[tilespmem:$0x1DAC0] =	vst v63  }
0xfc: {  	_ =	swait.ge [sflag:s22], $0x1400  }
0xfd: {  	[sflag:s22] =	ssyncset.done $0x0  }
0xfe: {  	s28 =	sadd.s32 $0x280, s28;
	s30 =	sadd.s32 $0x2D0, s30;
	[sflag:s22] =	ssyncadd.s32 $0xFFFFEC00  }
0xff: {  	[tilespmem:s7], [sflag:$0x5] =	stream.indirect.gather [hbm4b:s1+s0], $0x40, s30, s0, $0xb8;
	[tilespmem:$0x1DAC0] =	vst v63  }
0x100: {  	_ =	swait.ge [sflag:s8], $0x1400  }
0x101: {  	s23 =	sshra.s32 s29, $0x2;
	[sflag:s8] =	ssyncset.done $0x0  }
0x102: {  	s26 =	sadd.s32 $0x4E20, s23;
	[sflag:s8] =	ssyncadd.s32 $0xFFFFEC00  }
0x103: {  	[spmem:s10] =	stream.indirect.scatter.add.f32 [tilespmem:s3], [sflag:$0x6], $0x40, s26, s0, $0xb8;
	[tilespmem:$0x1DAC0] =	vst v63  }
0x104: {  	_ =	swait.ge [sflag:s9], $0x1400  }
0x105: {  	[sflag:s9] =	ssyncset.done $0x0  }
0x106: {  	s17 =	sadd.s32 $0x4E70, s23;
	[sflag:s9] =	ssyncadd.s32 $0xFFFFEC00  }
0x107: {  	[spmem:s10] =	stream.indirect.scatter.add.f32 [tilespmem:s4], [sflag:$0x7], $0x40, s17, s0, $0xb8;
	[tilespmem:$0x1DAC0] =	vst v63  }
0x108: {  	_ =	swait.ge [sflag:s12], $0x1400  }
0x109: {  	[sflag:s12] =	ssyncset.done $0x0  }
0x10a: {  	s29 =	sadd.s32 $0x4EC0, s23;
	[sflag:s12] =	ssyncadd.s32 $0xFFFFEC00  }
0x10b: {  	[spmem:s10] =	stream.indirect.scatter.add.f32 [tilespmem:s5], [sflag:$0x8], $0x40, s29, s0, $0xb8;
	[tilespmem:$0x1DAC0] =	vst v63  }
0x10c: {  	_ =	swait.ge [sflag:s14], $0x1400  }
0x10d: {  	[sflag:s14] =	ssyncset.done $0x0  }
0x10e: {  	s30 =	sadd.s32 $0x4F10, s23;
	[sflag:s14] =	ssyncadd.s32 $0xFFFFEC00  }
0x10f: {  	[spmem:s10] =	stream.indirect.scatter.add.f32 [tilespmem:s6], [sflag:$0x9], $0x40, s30, s0, $0xb8;
	[tilespmem:$0x1DAC0] =	vst v63  }
0x110: {  	_ =	swait.ge [sflag:s15], $0x1400  }
0x111: {  	[sflag:s15] =	ssyncset.done $0x0  }
0x112: {  	s11 =	sadd.s32 $0x4F60, s23;
	s17 =	sshra.s32 s28, $0x2;
	[sflag:s15] =	ssyncadd.s32 $0xFFFFEC00  }
0x113: {  	[spmem:s10] =	stream.indirect.scatter.add.f32 [tilespmem:s7], [sflag:$0xA], $0x40, s11, s0, $0xb8;
	[tilespmem:$0x1DAC0] =	vst v63  }
0x114: {  	s28 =	sadd.s32 $0x4E20, s17  }
0x115: {  	[spmem:s13] =	stream.indirect.scatter.add.f32 [tilespmem:s31], [sflag:$0xB], $0x8, s28, s0, $0xb8;
	[tilespmem:$0x1DAC0] =	vst v63  }
0x116: {  	s26 =	sadd.s32 $0x4E70, s17  }
0x117: {  	[spmem:s13] =	stream.indirect.scatter.add.f32 [tilespmem:s31], [sflag:$0xB], $0x8, s26, s0, $0xb8;
	[tilespmem:$0x1DAC0] =	vst v63  }
0x118: {  	_ =	swait.ge [sflag:s16], $0x1400  }
0x119: {  	[sflag:s16] =	ssyncset.done $0x0  }
0x11a: {  	s29 =	sadd.s32 $0x190, s23;
	[sflag:s16] =	ssyncadd.s32 $0xFFFFEC00  }
0x11b: {  	[tilespmem:s3], [sflag:$0x1] =	stream.indirect.gather [hbm4b:s1+s0], $0x40, s29, s0, $0xb8;
	[tilespmem:$0x1DAC0] =	vst v63  }
0x11c: {  	_ =	swait.ge [sflag:s19], $0x1400  }
0x11d: {  	[sflag:s19] =	ssyncset.done $0x0  }
0x11e: {  	s30 =	sadd.s32 $0x1E0, s23;
	[sflag:s19] =	ssyncadd.s32 $0xFFFFEC00  }
0x11f: {  	[tilespmem:s4], [sflag:$0x2] =	stream.indirect.gather [hbm4b:s1+s0], $0x40, s30, s0, $0xb8;
	[tilespmem:$0x1DAC0] =	vst v63  }
0x120: {  	_ =	swait.ge [sflag:s20], $0x1400  }
0x121: {  	[sflag:s20] =	ssyncset.done $0x0  }
0x122: {  	s11 =	sadd.s32 $0x230, s23;
	[sflag:s20] =	ssyncadd.s32 $0xFFFFEC00  }
0x123: {  	[tilespmem:s5], [sflag:$0x3] =	stream.indirect.gather [hbm4b:s1+s0], $0x40, s11, s0, $0xb8;
	[tilespmem:$0x1DAC0] =	vst v63  }
0x124: {  	_ =	swait.ge [sflag:s21], $0x1400  }
0x125: {  	[sflag:s21] =	ssyncset.done $0x0  }
0x126: {  	s17 =	sadd.s32 $0x280, s23;
	[sflag:s21] =	ssyncadd.s32 $0xFFFFEC00  }
0x127: {  	[tilespmem:s6], [sflag:$0x4] =	stream.indirect.gather [hbm4b:s1+s0], $0x40, s17, s0, $0xb8;
	[tilespmem:$0x1DAC0] =	vst v63  }
0x128: {  	_ =	swait.ge [sflag:s22], $0x1400  }
0x129: {  	[sflag:s22] =	ssyncset.done $0x0  }
0x12a: {  	s23 =	sadd.s32 $0x2D0, s23;
	[sflag:s22] =	ssyncadd.s32 $0xFFFFEC00  }
0x12b: {  	[tilespmem:s7], [sflag:$0x5] =	stream.indirect.gather [hbm4b:s1+s0], $0x40, s23, s0, $0xb8;
	[tilespmem:$0x1DAC0] =	vst v63  }
0x12c: {  	_ =	swait.ge [sflag:s8], $0x1400  }
0x12d: {  	[sflag:s8] =	ssyncset.done $0x0  }
0x12e: {  	s11 =	simm.s32 $0x9AB0;
	[sflag:s8] =	ssyncadd.s32 $0xFFFFEC00  }
0x12f: {  	[spmem:s10] =	stream.indirect.scatter.add.f32 [tilespmem:s3], [sflag:$0x6], $0x40, s11, s0, $0xb8;
	[tilespmem:$0x1DAC0] =	vst v63  }
0x130: {  	_ =	swait.ge [sflag:s9], $0x1400  }
0x131: {  	[sflag:s9] =	ssyncset.done $0x0  }
0x132: {  	s29 =	simm.s32 $0x9B00;
	[sflag:s9] =	ssyncadd.s32 $0xFFFFEC00  }
0x133: {  	[spmem:s10] =	stream.indirect.scatter.add.f32 [tilespmem:s4], [sflag:$0x7], $0x40, s29, s0, $0xb8;
	[tilespmem:$0x1DAC0] =	vst v63  }
0x134: {  	_ =	swait.ge [sflag:s12], $0x1400  }
0x135: {  	[sflag:s12] =	ssyncset.done $0x0  }
0x136: {  	s30 =	simm.s32 $0x9B50;
	[sflag:s12] =	ssyncadd.s32 $0xFFFFEC00  }
0x137: {  	[spmem:s10] =	stream.indirect.scatter.add.f32 [tilespmem:s5], [sflag:$0x8], $0x40, s30, s0, $0xb8;
	[tilespmem:$0x1DAC0] =	vst v63  }
0x138: {  	_ =	swait.ge [sflag:s14], $0x1400  }
0x139: {  	[sflag:s14] =	ssyncset.done $0x0  }
0x13a: {  	s17 =	simm.s32 $0x9BA0;
	[sflag:s14] =	ssyncadd.s32 $0xFFFFEC00  }
0x13b: {  	[spmem:s10] =	stream.indirect.scatter.add.f32 [tilespmem:s6], [sflag:$0x9], $0x40, s17, s0, $0xb8;
	[tilespmem:$0x1DAC0] =	vst v63  }
0x13c: {  	_ =	swait.ge [sflag:s15], $0x1400  }
0x13d: {  	[sflag:s15] =	ssyncset.done $0x0  }
0x13e: {  	s23 =	simm.s32 $0x9BF0;
	s26 =	sld [smem:$0x7E2];
	[sflag:s15] =	ssyncadd.s32 $0xFFFFEC00  }
0x13f: {  	[spmem:s10] =	stream.indirect.scatter.add.f32 [tilespmem:s7], [sflag:$0xA], $0x40, s23, s0, $0xb8;
	[tilespmem:$0x1DAC0] =	vst v63  }
0x140: {  	s29 =	sld [smem:$0x7E3]  }
0x141: {  	[spmem:s13] =	stream.indirect.scatter.add.f32 [tilespmem:s31], [sflag:$0xB], $0x8, s26, s0, $0xb8;
	[tilespmem:$0x1DAC0] =	vst v63  }
0x142: {  	_ = 	snop  }
0x143: {  	[spmem:s13] =	stream.indirect.scatter.add.f32 [tilespmem:s31], [sflag:$0xB], $0x8, s29, s0, $0xb8;
	[tilespmem:$0x1DAC0] =	vst v63  }
0x144: {  	_ =	swait.ge [sflag:s16], $0x1400  }
0x145: {  	[sflag:s16] =	ssyncset.done $0x0  }
0x146: {  	s30 =	simm.s32 $0x4DD0;
	[sflag:s16] =	ssyncadd.s32 $0xFFFFEC00  }
0x147: {  	[tilespmem:s3], [sflag:$0x1] =	stream.indirect.gather [hbm4b:s1+s0], $0x40, s30, s0, $0xb8;
	[tilespmem:$0x1DAC0] =	vst v63  }
0x148: {  	_ =	swait.ge [sflag:s19], $0x1400  }
0x149: {  	[sflag:s19] =	ssyncset.done $0x0  }
0x14a: {  	[sflag:s19] =	ssyncadd.s32 $0xFFFFEC00  }
0x14b: {  	[tilespmem:s4], [sflag:$0x2] =	stream.indirect.gather [hbm4b:s1+s0], $0x40, s30, s0, $0xb8;
	[tilespmem:$0x1DAC0] =	vst v63  }
0x14c: {  	_ =	swait.ge [sflag:s20], $0x1400  }
0x14d: {  	[sflag:s20] =	ssyncset.done $0x0  }
0x14e: {  	[sflag:s20] =	ssyncadd.s32 $0xFFFFEC00  }
0x14f: {  	[tilespmem:s5], [sflag:$0x3] =	stream.indirect.gather [hbm4b:s1+s0], $0x40, s30, s0, $0xb8;
	[tilespmem:$0x1DAC0] =	vst v63  }
0x150: {  	_ =	swait.ge [sflag:s21], $0x1400  }
0x151: {  	[sflag:s21] =	ssyncset.done $0x0  }
0x152: {  	[sflag:s21] =	ssyncadd.s32 $0xFFFFEC00  }
0x153: {  	[tilespmem:s6], [sflag:$0x4] =	stream.indirect.gather [hbm4b:s1+s0], $0x40, s30, s0, $0xb8;
	[tilespmem:$0x1DAC0] =	vst v63  }
0x154: {  	_ =	swait.ge [sflag:s22], $0x1400  }
0x155: {  	[sflag:s22] =	ssyncset.done $0x0  }
0x156: {  	s17 =	sld [smem:$0x7E4];
	[sflag:s22] =	ssyncadd.s32 $0xFFFFEC00  }
0x157: {  	[tilespmem:s7], [sflag:$0x5] =	stream.indirect.gather [hbm4b:s1+s0], $0x40, s30, s0, $0xb8;
	[tilespmem:$0x1DAC0] =	vst v63  }
0x158: {  	s23 =	sld [smem:$0x7E5]  }
0x159: {  	[spmem:s13] =	stream.indirect.scatter.add.f32 [tilespmem:s31], [sflag:$0xB], $0x8, s17, s0, $0xb8;
	[tilespmem:$0x1DAC0] =	vst v63  }
0x15a: {  	s26 =	sld [smem:$0x7E6]  }
0x15b: {  	[spmem:s13] =	stream.indirect.scatter.add.f32 [tilespmem:s31], [sflag:$0xB], $0x8, s23, s0, $0xb8;
	[tilespmem:$0x1DAC0] =	vst v63  }
0x15c: {  	s29 =	sld [smem:$0x7E7]  }
0x15d: {  	[spmem:s13] =	stream.indirect.scatter.add.f32 [tilespmem:s31], [sflag:$0xB], $0x8, s26, s0, $0xb8;
	[tilespmem:$0x1DAC0] =	vst v63  }
0x15e: {  	s30 =	sld [smem:$0x7E8]  }
0x15f: {  	[spmem:s13] =	stream.indirect.scatter.add.f32 [tilespmem:s31], [sflag:$0xB], $0x8, s29, s0, $0xb8;
	[tilespmem:$0x1DAC0] =	vst v63  }
0x160: {  	s17 =	sld [smem:$0x7E9]  }
0x161: {  	[spmem:s13] =	stream.indirect.scatter.add.f32 [tilespmem:s31], [sflag:$0xB], $0x8, s30, s0, $0xb8;
	[tilespmem:$0x1DAC0] =	vst v63  }
0x162: {  	s23 =	sld [smem:$0x7EA]  }
0x163: {  	[spmem:s13] =	stream.indirect.scatter.add.f32 [tilespmem:s31], [sflag:$0xB], $0x8, s17, s0, $0xb8;
	[tilespmem:$0x1DAC0] =	vst v63  }
0x164: {  	s26 =	sld [smem:$0x7EB]  }
0x165: {  	[spmem:s13] =	stream.indirect.scatter.add.f32 [tilespmem:s31], [sflag:$0xB], $0x8, s23, s0, $0xb8;
	[tilespmem:$0x1DAC0] =	vst v63  }
0x166: {  	s29 =	sld [smem:$0x7EC]  }
0x167: {  	[spmem:s13] =	stream.indirect.scatter.add.f32 [tilespmem:s31], [sflag:$0xB], $0x8, s26, s0, $0xb8;
	[tilespmem:$0x1DAC0] =	vst v63  }
0x168: {  	s30 =	sld [smem:$0x7ED]  }
0x169: {  	[spmem:s13] =	stream.indirect.scatter.add.f32 [tilespmem:s31], [sflag:$0xB], $0x8, s29, s0, $0xb8;
	[tilespmem:$0x1DAC0] =	vst v63  }
0x16a: {  	s17 =	sld [smem:$0x7EE]  }
0x16b: {  	[spmem:s13] =	stream.indirect.scatter.add.f32 [tilespmem:s31], [sflag:$0xB], $0x8, s30, s0, $0xb8;
	[tilespmem:$0x1DAC0] =	vst v63  }
0x16c: {  	s23 =	sld [smem:$0x7EF]  }
0x16d: {  	[spmem:s13] =	stream.indirect.scatter.add.f32 [tilespmem:s31], [sflag:$0xB], $0x8, s17, s0, $0xb8;
	[tilespmem:$0x1DAC0] =	vst v63  }
0x16e: {  	s26 =	sld [smem:$0x7F0]  }
0x16f: {  	[spmem:s13] =	stream.indirect.scatter.add.f32 [tilespmem:s31], [sflag:$0xB], $0x8, s23, s0, $0xb8;
	[tilespmem:$0x1DAC0] =	vst v63  }
0x170: {  	s29 =	sld [smem:$0x7F1]  }
0x171: {  	[spmem:s13] =	stream.indirect.scatter.add.f32 [tilespmem:s31], [sflag:$0xB], $0x8, s26, s0, $0xb8;
	[tilespmem:$0x1DAC0] =	vst v63  }
0x172: {  	s30 =	sld [smem:$0x7F2]  }
0x173: {  	[spmem:s13] =	stream.indirect.scatter.add.f32 [tilespmem:s31], [sflag:$0xB], $0x8, s29, s0, $0xb8;
	[tilespmem:$0x1DAC0] =	vst v63  }
0x174: {  	s17 =	sld [smem:$0x7F3]  }
0x175: {  	[spmem:s13] =	stream.indirect.scatter.add.f32 [tilespmem:s31], [sflag:$0xB], $0x8, s30, s0, $0xb8;
	[tilespmem:$0x1DAC0] =	vst v63  }
0x176: {  	s23 =	sld [smem:$0x7F4]  }
0x177: {  	[spmem:s13] =	stream.indirect.scatter.add.f32 [tilespmem:s31], [sflag:$0xB], $0x8, s17, s0, $0xb8;
	[tilespmem:$0x1DAC0] =	vst v63  }
0x178: {  	s26 =	sld [smem:$0x7F5]  }
0x179: {  	[spmem:s13] =	stream.indirect.scatter.add.f32 [tilespmem:s31], [sflag:$0xB], $0x8, s23, s0, $0xb8;
	[tilespmem:$0x1DAC0] =	vst v63  }
0x17a: {  	s29 =	sld [smem:$0x7F6]  }
0x17b: {  	[spmem:s13] =	stream.indirect.scatter.add.f32 [tilespmem:s31], [sflag:$0xB], $0x8, s26, s0, $0xb8;
	[tilespmem:$0x1DAC0] =	vst v63  }
0x17c: {  	s30 =	sld [smem:$0x7F7]  }
0x17d: {  	[spmem:s13] =	stream.indirect.scatter.add.f32 [tilespmem:s31], [sflag:$0xB], $0x8, s29, s0, $0xb8;
	[tilespmem:$0x1DAC0] =	vst v63  }
0x17e: {  	s17 =	sld [smem:$0x7F8]  }
0x17f: {  	[spmem:s13] =	stream.indirect.scatter.add.f32 [tilespmem:s31], [sflag:$0xB], $0x8, s30, s0, $0xb8;
	[tilespmem:$0x1DAC0] =	vst v63  }
0x180: {  	s23 =	sld [smem:$0x7F9]  }
0x181: {  	[spmem:s13] =	stream.indirect.scatter.add.f32 [tilespmem:s31], [sflag:$0xB], $0x8, s17, s0, $0xb8;
	[tilespmem:$0x1DAC0] =	vst v63  }
0x182: {  	s26 =	sld [smem:$0x7FA]  }
0x183: {  	[spmem:s13] =	stream.indirect.scatter.add.f32 [tilespmem:s31], [sflag:$0xB], $0x8, s23, s0, $0xb8;
	[tilespmem:$0x1DAC0] =	vst v63  }
0x184: {  	s29 =	sld [smem:$0x7FB]  }
0x185: {  	[spmem:s13] =	stream.indirect.scatter.add.f32 [tilespmem:s31], [sflag:$0xB], $0x8, s26, s0, $0xb8;
	[tilespmem:$0x1DAC0] =	vst v63  }
0x186: {  	s30 =	sld [smem:$0x7FC]  }
0x187: {  	[spmem:s13] =	stream.indirect.scatter.add.f32 [tilespmem:s31], [sflag:$0xB], $0x8, s29, s0, $0xb8;
	[tilespmem:$0x1DAC0] =	vst v63  }
0x188: {  	_ = 	snop  }
0x189: {  	[spmem:s13] =	stream.indirect.scatter.add.f32 [tilespmem:s31], [sflag:$0xB], $0x8, s30, s0, $0xb8;
	[tilespmem:$0x1DAC0] =	vst v63  }
0x18a: {  	_ =	swait.ge [sflag:s8], $0x1400  }
0x18b: {  	[sflag:s8] =	ssyncset.done $0x0  }
0x18c: {  	[sflag:s8] =	ssyncadd.s32 $0xFFFFEC00  }
0x18d: {  	_ =	swait.ge [sflag:s9], $0x1400  }
0x18e: {  	[sflag:s9] =	ssyncset.done $0x0  }
0x18f: {  	[sflag:s9] =	ssyncadd.s32 $0xFFFFEC00  }
0x190: {  	_ =	swait.ge [sflag:s12], $0x1400  }
0x191: {  	[sflag:s12] =	ssyncset.done $0x0  }
0x192: {  	[sflag:s12] =	ssyncadd.s32 $0xFFFFEC00  }
0x193: {  	_ =	swait.ge [sflag:s14], $0x1400  }
0x194: {  	[sflag:s14] =	ssyncset.done $0x0  }
0x195: {  	[sflag:s14] =	ssyncadd.s32 $0xFFFFEC00  }
0x196: {  	_ =	swait.ge [sflag:s15], $0x1400  }
0x197: {  	[sflag:s15] =	ssyncset.done $0x0  }
0x198: {  	[sflag:s15] =	ssyncadd.s32 $0xFFFFEC00  }
0x199: {  	_ =	swait.ge [sflag:s24], $0x280  }
0x19a: {  	s28 =	simm.s32 $0x7C;
	[sflag:s24] =	ssyncset.done $0x0;
	s26 =	rddreg [dreg:$0x18]  }
.LBB2_6:
0x19b: {  	p0 =	sne.s32 s28, $0x1;
	s28 =	sadd.s32 $0xFFFFFFFF, s28;
	[sflag:s24] =	ssyncadd.s32 $0xFFFFFD80  }
.Ltmp2:
0x19c: {  	(pc) =	sbr.rel @p0 .LBB2_6-.Ltmp2, $3  }
0x19d: {  	_ =	sdelay $0x1  }
0x19e: {  	_ =	swait.ge [sflag:s24], $0x280  }
0x19f: {  	[sflag:s24] =	ssyncset.done $0x0  }
0x1a0: {  	[sflag:s24] =	ssyncadd.s32 $0xFFFFFD80  }
0x1a1: {  	[bflag:$0x0] =	sbarrier.arrive $0xFFFF  }
0x1a2: {  	s11 =	simm.s32 $0x10040;
	s17 =	rddreg [dreg:$0x13]  }
0x1a3: {  	[tilespmem:s11], [sflag:$0xC] =	stream.linear.gather [spmem:s17], $0x2000, $0x38;
	[tilespmem:$0x1DAC0] =	vst v63  }
0x1a4: {  	_ =	swait.ge [sflag:s18], $0x2000  }
0x1a5: {  	[sflag:s18] =	ssyncset.done $0x0  }
0x1a6: {  	s23 =	rddreg [dreg:$0x6];
	[sflag:s18] =	ssyncadd.s32 $0xFFFFE000  }
0x1a7: {  	[hbm4b:s23+s2] =	stream.linear.scatter [tilespmem:s11], [sflag:$0xC], $0x2000, $0x38;
	[tilespmem:$0x1DAC0] =	vst v63  }
0x1a8: {  	_ =	swait.ge [sflag:s18], $0x2000  }
0x1a9: {  	[sflag:s18] =	ssyncset.done $0x0  }
0x1aa: {  	s28 =	simm.s32 $0x1C2C0;
	[sflag:s18] =	ssyncadd.s32 $0xFFFFE000  }
0x1ab: {  	[tilespmem:s28], [sflag:$0xC] =	stream.linear.gather [spmem:s26], $0x400, $0x38;
	[tilespmem:$0x1DAC0] =	vst v63  }
0x1ac: {  	_ =	swait.ge [sflag:s18], $0x400  }
0x1ad: {  	[sflag:s18] =	ssyncset.done $0x0  }
0x1ae: {  	s17 =	rddreg [dreg:$0x7];
	[sflag:s18] =	ssyncadd.s32 $0xFFFFFC00  }
0x1af: {  	[hbm4b:s17+s2] =	stream.linear.scatter [tilespmem:s28], [sflag:$0xC], $0x400, $0x38;
	[tilespmem:$0x1DAC0] =	vst v63  }
0x1b0: {  	_ =	swait.ge [sflag:s18], $0x400  }
0x1b1: {  	[sflag:s18] =	ssyncset.done $0x0  }
0x1b2: {  	s26 =	rddreg [dreg:$0x14];
	[sflag:s18] =	ssyncadd.s32 $0xFFFFFC00  }
0x1b3: {  	[tilespmem:s11], [sflag:$0xC] =	stream.linear.gather [spmem:s26], $0x2000, $0x38;
	[tilespmem:$0x1DAC0] =	vst v63  }
0x1b4: {  	_ =	swait.ge [sflag:s18], $0x2000  }
0x1b5: {  	[sflag:s18] =	ssyncset.done $0x0  }
0x1b6: {  	s17 =	rddreg [dreg:$0x8];
	[sflag:s18] =	ssyncadd.s32 $0xFFFFE000  }
0x1b7: {  	[hbm4b:s17+s2] =	stream.linear.scatter [tilespmem:s11], [sflag:$0xC], $0x2000, $0x38;
	[tilespmem:$0x1DAC0] =	vst v63  }
0x1b8: {  	_ =	swait.ge [sflag:s18], $0x2000  }
0x1b9: {  	[sflag:s18] =	ssyncset.done $0x0  }
0x1ba: {  	[sflag:s18] =	ssyncadd.s32 $0xFFFFE000  }
0x1bb: {  	[tilespmem:s28], [sflag:$0xC] =	stream.linear.gather [spmem:s25], $0x400, $0x38;
	[tilespmem:$0x1DAC0] =	vst v63  }
0x1bc: {  	_ =	swait.ge [sflag:s18], $0x400  }
0x1bd: {  	[sflag:s18] =	ssyncset.done $0x0  }
0x1be: {  	s26 =	rddreg [dreg:$0xc];
	[sflag:s18] =	ssyncadd.s32 $0xFFFFFC00  }
0x1bf: {  	[hbm4b:s26+s2] =	stream.linear.scatter [tilespmem:s28], [sflag:$0xC], $0x400, $0x38;
	[tilespmem:$0x1DAC0] =	vst v63  }
0x1c0: {  	_ =	swait.ge [sflag:s18], $0x400  }
0x1c1: {  	[sflag:s18] =	ssyncset.done $0x0  }
0x1c2: {  	s29 =	rddreg [dreg:$0x15];
	[sflag:s18] =	ssyncadd.s32 $0xFFFFFC00  }
0x1c3: {  	[tilespmem:s11], [sflag:$0xC] =	stream.linear.gather [spmem:s29], $0x2000, $0x38;
	[tilespmem:$0x1DAC0] =	vst v63  }
0x1c4: {  	_ =	swait.ge [sflag:s18], $0x2000  }
0x1c5: {  	[sflag:s18] =	ssyncset.done $0x0  }
0x1c6: {  	s17 =	rddreg [dreg:$0x9];
	[sflag:s18] =	ssyncadd.s32 $0xFFFFE000  }
0x1c7: {  	[hbm4b:s17+s2] =	stream.linear.scatter [tilespmem:s11], [sflag:$0xC], $0x2000, $0x38;
	[tilespmem:$0x1DAC0] =	vst v63  }
0x1c8: {  	_ =	swait.ge [sflag:s18], $0x2000  }
0x1c9: {  	[sflag:s18] =	ssyncset.done $0x0  }
0x1ca: {  	s25 =	rddreg [dreg:$0x1a];
	[sflag:s18] =	ssyncadd.s32 $0xFFFFE000  }
0x1cb: {  	[tilespmem:s28], [sflag:$0xC] =	stream.linear.gather [spmem:s25], $0x400, $0x38;
	[tilespmem:$0x1DAC0] =	vst v63  }
0x1cc: {  	_ =	swait.ge [sflag:s18], $0x400  }
0x1cd: {  	[sflag:s18] =	ssyncset.done $0x0  }
0x1ce: {  	s26 =	rddreg [dreg:$0xd];
	[sflag:s18] =	ssyncadd.s32 $0xFFFFFC00  }
0x1cf: {  	[hbm4b:s26+s2] =	stream.linear.scatter [tilespmem:s28], [sflag:$0xC], $0x400, $0x38;
	[tilespmem:$0x1DAC0] =	vst v63  }
0x1d0: {  	_ =	swait.ge [sflag:s18], $0x400  }
0x1d1: {  	[sflag:s18] =	ssyncset.done $0x0  }
0x1d2: {  	s30 =	rddreg [dreg:$0x16];
	[sflag:s18] =	ssyncadd.s32 $0xFFFFFC00  }
0x1d3: {  	[tilespmem:s11], [sflag:$0xC] =	stream.linear.gather [spmem:s30], $0x2000, $0x38;
	[tilespmem:$0x1DAC0] =	vst v63  }
0x1d4: {  	_ =	swait.ge [sflag:s18], $0x2000  }
0x1d5: {  	[sflag:s18] =	ssyncset.done $0x0  }
0x1d6: {  	s17 =	rddreg [dreg:$0xa];
	[sflag:s18] =	ssyncadd.s32 $0xFFFFE000  }
0x1d7: {  	[hbm4b:s17+s2] =	stream.linear.scatter [tilespmem:s11], [sflag:$0xC], $0x2000, $0x38;
	[tilespmem:$0x1DAC0] =	vst v63  }
0x1d8: {  	_ =	swait.ge [sflag:s18], $0x2000  }
0x1d9: {  	[sflag:s18] =	ssyncset.done $0x0  }
0x1da: {  	s23 =	rddreg [dreg:$0x1b];
	[sflag:s18] =	ssyncadd.s32 $0xFFFFE000  }
0x1db: {  	[tilespmem:s28], [sflag:$0xC] =	stream.linear.gather [spmem:s23], $0x400, $0x38;
	[tilespmem:$0x1DAC0] =	vst v63  }
0x1dc: {  	_ =	swait.ge [sflag:s18], $0x400  }
0x1dd: {  	[sflag:s18] =	ssyncset.done $0x0  }
0x1de: {  	s25 =	rddreg [dreg:$0xe];
	[sflag:s18] =	ssyncadd.s32 $0xFFFFFC00  }
0x1df: {  	[hbm4b:s25+s2] =	stream.linear.scatter [tilespmem:s28], [sflag:$0xC], $0x400, $0x38;
	[tilespmem:$0x1DAC0] =	vst v63  }
0x1e0: {  	_ =	swait.ge [sflag:s18], $0x400  }
0x1e1: {  	[sflag:s18] =	ssyncset.done $0x0  }
0x1e2: {  	s2 =	rddreg [dreg:$0x17];
	[sflag:s18] =	ssyncadd.s32 $0xFFFFFC00  }
0x1e3: {  	[tilespmem:s11], [sflag:$0xC] =	stream.linear.gather [spmem:s2], $0x2000, $0x38;
	[tilespmem:$0x1DAC0] =	vst v63  }
0x1e4: {  	_ =	swait.ge [sflag:s18], $0x2000  }
0x1e5: {  	[sflag:s18] =	ssyncset.done $0x0  }
0x1e6: {  	s25 =	simm.s32 $0x0;
	s26 =	rddreg [dreg:$0xb];
	[sflag:s18] =	ssyncadd.s32 $0xFFFFE000  }
0x1e7: {  	[hbm4b:s26+s25] =	stream.linear.scatter [tilespmem:s11], [sflag:$0xC], $0x2000, $0x38;
	[tilespmem:$0x1DAC0] =	vst v63  }
0x1e8: {  	_ =	swait.ge [sflag:s18], $0x2000  }
0x1e9: {  	[sflag:s18] =	ssyncset.done $0x0  }
0x1ea: {  	s26 =	rddreg [dreg:$0x1c];
	[sflag:s18] =	ssyncadd.s32 $0xFFFFE000  }
0x1eb: {  	[tilespmem:s28], [sflag:$0xC] =	stream.linear.gather [spmem:s26], $0x400, $0x38;
	[tilespmem:$0x1DAC0] =	vst v63  }
0x1ec: {  	_ =	swait.ge [sflag:s18], $0x400  }
0x1ed: {  	[sflag:s18] =	ssyncset.done $0x0  }
0x1ee: {  	s17 =	rddreg [dreg:$0xf];
	[sflag:s18] =	ssyncadd.s32 $0xFFFFFC00  }
0x1ef: {  	[hbm4b:s17+s25] =	stream.linear.scatter [tilespmem:s28], [sflag:$0xC], $0x400, $0x38;
	[tilespmem:$0x1DAC0] =	vst v63  }
0x1f0: {  	_ =	swait.ge [sflag:s18], $0x400  }
0x1f1: {  	s23 =	sld [smem:$0x7FD];
	_ =	sdelay $0x2  }
0x1f2: {  	s17 =	sadd.s32 $0x1, s23;
	s23 =	rddreg [dreg:$0x1f]  }
0x1f3: {  	p0 =	sne.s32 s17, s23  }
.Ltmp3:
0x1f4: {  	_ = 	snop;
	(pc) =	sbr.rel @p0 .LBB2_1-.Ltmp3, $3  }
0x1f5: {  	_ =	sdelay $0x1  }
0x1f6: {  	[sflag:s18] =	ssyncset.done $0x0;
	[smem:$0x7FD] =	sst s17  }
0x1f7: {  	[sflag:s18] =	ssyncadd.s32 $0xFFFFFC00;
	s17 =	rddreg [dreg:$0x13]  }
0x1f8: {  	_ =	sfence.sel $0x180000  }
0x1f9: {  	[bflag:$0x0] =	sbarrier.arrive $0xFFFF  }
0x1fa: {  	_ =	strace $0x90000047  }
0x1fb: {  	s0 =	stileid.u32;
	[bflag:$0x2] =	sbarrier.arrive $0xFFFF  }
0x1fc: {  	p0 =	sne.s32 s0, $0x0;
	s0 =	rddreg [dreg:$0x5]  }
0x1fd: {  	s0 =	sadd.s32 @!p0 $0x100000, s0  }
0x1fe: {  	[sflag:s0] =	ssyncadd.tile.s32 @!p0 $0x1;
	_ =	shalt  }
.Lfunc_end2:
_tile_overlayer_lowered:
.L_overlay_start_2:
0x1ff: {  	(tag) =	ssettag $0x2  }
0x200: {  	s0 =	rddreg [dreg:$0x0];
	s2 =	stileid.u32  }
0x201: {  	s1 =	rddreg [dreg:$0x1];
	p0 =	sne.s32 s2, $0x0  }
0x202: {  	s3 =	rddreg [dreg:$0x2];
	[bflag:$0x3] =	sbarrier.arrive $0xFFFF;
	s2 =	simm.s32 @!p0 $0x1C0C  }
0x203: {  	[timem:s3], [sflag:s2] =	dma.local @!p0 [hbm:s0], s1  }
0x204: {  	s0 =	simm.s32 @!p0 $0xC  }
0x205: {  	_ =	swait.ge @!p0 [sflag:s0], s1  }
0x206: {  	s1 =	ssub.s32 @!p0 $0x0, s1;
	[sflag:s0] =	ssyncset.done @!p0 $0x0  }
0x207: {  	[sflag:s0] =	ssyncadd.s32 @!p0 s1  }
0x208: {  	[bflag:$0x3] =	sbarrier.arrive $0xFFFF  }
0x209: {  	_ =	shalt  }

</sc_bundles>
